<compile_context>
chip_gen: v7x
topology: tpu7x:2x2x1
jax: 0.10.2.dev20260603
libtpu: 0.0.44.dev20260713+nightly
codegen_flags: <defaults>
</compile_context>

<pallas_src>
import functools

import jax
import jax.numpy as jnp
from jax import lax
from jax.experimental import pallas as pl
from jax.experimental.pallas import tpu as pltpu
from jax.experimental.pallas import tpu_sc as plsc

N = 10000
E = 320000
D = 128
NC = 2
NS = 16
NW = NC * NS
EPT = E // NW
CH = 80
NCHUNK = EPT // CH
DTILES = 10
RPT = N // DTILES
RCH = 200
NRCH = RPT // RCH
EPS = E // NS
NCHP = EPS // CH
DH = D // 2
EBLK = 10
NBLK = NCHP // EBLK
EBLKD = 25
NBLKD = NCHUNK // EBLKD

_mesh = plsc.VectorSubcoreMesh(
    core_axis_name="c", subcore_axis_name="s", num_cores=NC, num_subcores=NS)


def _zero_fill(ref, nrows):
  zeros = jnp.zeros((16,), jnp.float32)
  ncol = ref.shape[1] // 16

  def body(i, _):
    for k in range(ncol):
      ref[i, pl.ds(k * 16, 16)] = zeros
    return 0

  lax.fori_loop(0, nrows, body, 0)


def _zero_fill_1d(ref, n):
  zeros = jnp.zeros((16,), jnp.float32)

  def body(i, _):
    ref[pl.ds(i * 16, 16)] = zeros
    return 0

  lax.fori_loop(0, n // 16, body, 0)


@functools.partial(
    pl.kernel,
    out_type=[
        jax.ShapeDtypeStruct((NW, NBLKD, EBLKD, CH), jnp.float32),
        jax.ShapeDtypeStruct((2, N), jnp.float32),
    ],
    mesh=_mesh,
    scratch_types=[
        pltpu.VMEM((EBLKD, CH), jnp.float32),
        pltpu.VMEM((EBLKD, CH), jnp.int32),
        pltpu.VMEM_SHARED((N,), jnp.float32),
    ],
)
def _sc_deg(p_hbm, dst_hbm, zn_hbm, pw_hbm, degp_hbm, pb, dstb, acc):
  c = lax.axis_index("c")
  s = lax.axis_index("s")
  wid = c * NS + s

  @pl.when(s == 0)
  def _():
    pltpu.sync_copy(zn_hbm, acc)

  plsc.subcore_barrier()

  def blk_body(b, _):
    pltpu.sync_copy(p_hbm.at[wid, b], pb)
    pltpu.sync_copy(dst_hbm.at[wid, b], dstb)

    def sig_body(i, _):
      for k in range(CH // 16):
        v = pb[i, pl.ds(k * 16, 16)]
        pb[i, pl.ds(k * 16, 16)] = 1.0 / (1.0 + jnp.exp(-v))
      return 0
    lax.fori_loop(0, EBLKD, sig_body, 0)

    pltpu.sync_copy(pb, pw_hbm.at[wid, b])

    def sc_body(j, _):
      pltpu.sync_copy(pb.at[j], acc.at[dstb.at[j]], add=True)
      return 0
    lax.fori_loop(0, EBLKD, sc_body, 0)
    return 0
  lax.fori_loop(0, NBLKD, blk_body, 0)

  plsc.subcore_barrier()

  @pl.when(s == 0)
  def _():
    pltpu.sync_copy(acc, degp_hbm.at[c])


@functools.partial(
    pl.kernel,
    out_type=jax.ShapeDtypeStruct((2, N, DH), jnp.float32),
    mesh=_mesh,
    scratch_types=[
        pltpu.VMEM((EBLK, CH), jnp.int32),
        pltpu.VMEM((EBLK, CH), jnp.int32),
        pltpu.VMEM((EBLK, CH), jnp.float32),
        pltpu.VMEM((CH, D), jnp.float32),
        pltpu.VMEM((CH, DH), jnp.float32),
        pltpu.VMEM_SHARED((N, DH), jnp.float32),
        pltpu.SemaphoreType.DMA,
    ],
)
def _sc_prop(hs_hbm, src_hbm, dst_hbm, pw_hbm, zh_hbm, a_hbm,
             srcb, dstb, pwb, rows, rowsh, acc, sem):
  c = lax.axis_index("c")
  s = lax.axis_index("s")

  @pl.when(s < DTILES)
  def _():
    r0 = s * RPT
    pltpu.sync_copy(zh_hbm.at[pl.ds(r0, RPT)], acc.at[pl.ds(r0, RPT)])

  plsc.subcore_barrier()

  def blk_body(b, _):
    pltpu.sync_copy(src_hbm.at[s, b], srcb)
    pltpu.sync_copy(dst_hbm.at[s, b], dstb)
    pltpu.sync_copy(pw_hbm.at[s, b], pwb)

    def chunk_body(j, _):
      pltpu.async_copy(hs_hbm.at[srcb.at[j]], rows, sem).wait()

      def make_scale(off):
        def scale_all():
          def scale_body(u, _):
            pv = pwb[j, pl.ds(u * 16, 16)]
            for l in range(16):
              sc = pv[l]
              e = u * 16 + l
              for k in range(DH // 16):
                rowsh[e, pl.ds(k * 16, 16)] = (
                    rows[e, pl.ds(off + k * 16, 16)] * sc)
            return 0
          lax.fori_loop(0, CH // 16, scale_body, 0)
        return scale_all
      pl.when(c == 0)(make_scale(0))
      pl.when(c == 1)(make_scale(DH))

      pltpu.sync_copy(rowsh, acc.at[dstb.at[j]], add=True)
      return 0
    lax.fori_loop(0, EBLK, chunk_body, 0)
    return 0
  lax.fori_loop(0, NBLK, blk_body, 0)

  plsc.subcore_barrier()

  @pl.when(s < DTILES)
  def _():
    r0 = s * RPT
    pltpu.sync_copy(acc.at[pl.ds(r0, RPT)], a_hbm.at[c, pl.ds(r0, RPT)])


BM = 1000


def _tc_pre_body(x_ref, wt_ref, d0_ref, d1_ref, hs_ref, dis_ref):
  deg = d0_ref[...] + d1_ref[...] + 1.0
  dis = lax.rsqrt(deg)
  h = jnp.dot(x_ref[...], wt_ref[...], preferred_element_type=jnp.float32)
  hs_ref[...] = h * dis
  dis_ref[...] = dis


def _tc_step_body(a_ref, hs_ref, dis_ref, b_ref, wt_ref, out_ref, hsn_ref):
  dis = dis_ref[...]
  a = jnp.concatenate([a_ref[0], a_ref[1]], axis=1)
  out = dis * (a + hs_ref[...]) + b_ref[...]
  out_ref[...] = out
  t = jnp.maximum(out, 0.0)
  hsn_ref[...] = jnp.dot(t, wt_ref[...],
                         preferred_element_type=jnp.float32) * dis


def _col_spec():
  return pl.BlockSpec((BM, 1), lambda i: (i, 0))


def _mat_spec():
  return pl.BlockSpec((BM, D), lambda i: (i, 0))


def _half_spec():
  return pl.BlockSpec((2, BM, DH), lambda i: (0, i, 0))


def _full_spec(shape):
  return pl.BlockSpec(shape, lambda i: tuple(0 for _ in shape))


_MAT_SHAPE = jax.ShapeDtypeStruct((N, D), jnp.float32)

_tc_pre = pl.pallas_call(
    _tc_pre_body,
    grid=(N // BM,),
    in_specs=[_mat_spec(), _full_spec((D, D)), _col_spec(), _col_spec()],
    out_specs=[_mat_spec(), _col_spec()],
    out_shape=[_MAT_SHAPE, jax.ShapeDtypeStruct((N, 1), jnp.float32)],
)

_tc_step = pl.pallas_call(
    _tc_step_body,
    grid=(N // BM,),
    in_specs=[_half_spec(), _mat_spec(), _col_spec(),
              _full_spec((1, D)), _full_spec((D, D))],
    out_specs=[_mat_spec(), _mat_spec()],
    out_shape=[_MAT_SHAPE, _MAT_SHAPE],
)


@jax.jit
def kernel(x, edge_index, P_vec, W1, b1, W2, b2):
  src32 = edge_index[0].astype(jnp.int32)
  dst32 = edge_index[1].astype(jnp.int32)
  dstw = dst32.reshape(NW, NBLKD, EBLKD, CH)
  p3 = P_vec.astype(jnp.float32).reshape(NW, NBLKD, EBLKD, CH)
  srcs = src32.reshape(NS, NBLK, EBLK, CH)
  dsts = dst32.reshape(NS, NBLK, EBLK, CH)

  zn = jnp.zeros((N,), jnp.float32)
  zh = jnp.zeros((N, DH), jnp.float32)
  pw3, degp = _sc_deg(p3, dstw, zn)
  pws = pw3.reshape(NS, NBLK, EBLK, CH)
  d0 = degp[0][:, None]
  d1 = degp[1][:, None]

  hs1, dis = _tc_pre(x, W1.T, d0, d1)

  b_stack = jnp.stack([b1.reshape(1, D), b2.reshape(1, D)])
  wt_stack = jnp.stack([W2.T, W2.T])

  def step(hs, xs):
    b_k, wt_k = xs
    a = _sc_prop(hs, srcs, dsts, pws, zh)
    out_k, hs_next = _tc_step(a, hs, dis, b_k, wt_k)
    return hs_next, out_k

  _, outs = lax.scan(step, hs1, (b_stack, wt_stack))
  return outs[1]

# --- scband reference (transcript-rebuilt; emitter-appended) ---
"""Pipeline reference for scband-gcnsynthetic-perturb-29351806501599 (READ-ONLY COPY).

The authoritative reference and input builder live on the scoring server;
editing this copy changes nothing except your own understanding.
"""

import jax, jax.numpy as jnp
import numpy as np

N = 10000
E = 320000
D_IN = 128
H1 = 128
H2 = 128


def setup_inputs(seed: int = 0) -> dict:
    key = jax.random.key(seed)
    k1, k2, k3, k4, k5, k6, k7, k8 = jax.random.split(key, 8)
    x = jax.random.normal(k1, (N, D_IN), dtype=jnp.float32)
    src = jax.random.randint(k2, (E,), 0, N)
    dst = jax.random.randint(k3, (E,), 0, N)
    # avoid pre-existing self loops so add_remaining_self_loops semantics are exact
    dst = jnp.where(src == dst, (dst + 1) % N, dst)
    edge_index = jnp.stack([src, dst]).astype(jnp.int64)
    # learned parameters
    W1 = jax.random.normal(k4, (H1, D_IN), dtype=jnp.float32) * (1.0 / np.sqrt(D_IN))
    b1 = jax.random.normal(k5, (H1,), dtype=jnp.float32) * 0.01
    W2 = jax.random.normal(k6, (H2, H1), dtype=jnp.float32) * (1.0 / np.sqrt(H1))
    b2 = jax.random.normal(k7, (H2,), dtype=jnp.float32) * 0.01
    P_vec = jnp.ones((E,), dtype=jnp.float32)  # Parameter init: torch.ones(E)
    return {"x": x, "edge_index": edge_index, "P_vec": P_vec,
            "W1": W1, "b1": b1, "W2": W2, "b2": b2}


def _gcn_norm(edge_index, edge_weight, num_nodes):
    # add_remaining_self_loops with fill_value=1.0 (no self loops exist in input)
    loop = jnp.arange(num_nodes, dtype=edge_index.dtype)
    row = jnp.concatenate([edge_index[0], loop])
    col = jnp.concatenate([edge_index[1], loop])
    ew = jnp.concatenate([edge_weight, jnp.ones((num_nodes,), dtype=edge_weight.dtype)])
    # flow = source_to_target -> idx = col
    deg = jax.ops.segment_sum(ew, col, num_segments=num_nodes)
    dis = deg ** -0.5
    dis = jnp.where(jnp.isinf(dis), 0.0, dis)
    norm = dis[row] * ew * dis[col]
    return row, col, norm


def _gc_layer(x, edge_index, p_weight, W, b):
    row, col, norm = _gcn_norm(edge_index, p_weight, x.shape[0])
    h = x @ W.T  # Linear(bias=False)
    msg = norm[:, None] * h[row]  # message: edge_weight * x_j
    out = jax.ops.segment_sum(msg, col, num_segments=x.shape[0])  # aggr='add'
    return out + b


def reference(x, edge_index, P_vec, W1, b1, W2, b2):
    pw = jax.nn.sigmoid(P_vec)
    h = jax.nn.relu(_gc_layer(x, edge_index, pw, W1, b1))
    out = _gc_layer(h, edge_index, pw, W2, b2)
    return out

if __name__ == "__main__":
    import jax
    _d = setup_inputs()
    print(jax.jit(kernel)(*tuple(_d.values())))

</pallas_src>

<mosaic_0001>
#map = affine_map<(d0, d1) -> (0, 0, 0, 0)>
#map1 = affine_map<(d0, d1) -> (0)>
#map2 = affine_map<(d0, d1) -> (0, 0)>
module attributes {stable_mosaic.version = 14 : i64} {
  func.func @_sc_deg(%arg0: i32, %arg1: i32, %arg2: memref<32x5x25x80xf32, #tpu.memory_space<hbm>>, %arg3: memref<32x5x25x80xi32, #tpu.memory_space<hbm>>, %arg4: memref<10000xf32, #tpu.memory_space<hbm>>, %arg5: memref<32x5x25x80xf32, #tpu.memory_space<hbm>>, %arg6: memref<2x10000xf32, #tpu.memory_space<hbm>>, %arg7: memref<25x80xf32, #tpu.memory_space<vmem>>, %arg8: memref<25x80xi32, #tpu.memory_space<vmem>>, %arg9: memref<10000xf32, #tpu.memory_space<vmem_shared>>) attributes {dimension_semantics = [#tpu.dimension_semantics<core_parallel>, #tpu.dimension_semantics<subcore_parallel>], iteration_bounds = array<i64: 2, 16>, scalar_prefetch = 0 : i64, scratch_operands = 3 : i64, tpu.core_type = #tpu.core_type<sc_vector_subcore>, window_params = [{transform_indices = #map}, {transform_indices = #map}, {transform_indices = #map1}, {transform_indices = #map}, {transform_indices = #map2}]} {
    %mul3A = arith.constant 16 : i32
    %mul3A_0 = arith.muli %arg0, %mul3A : i32
    %add3A = arith.addi %mul3A_0, %arg1 : i32
    %eq3A = arith.constant 0 : i32
    %eq3A_1 = arith.cmpi eq, %arg1, %eq3A : i32
    %convert_element_type3A = arith.extui %eq3A_1 : i1 to i32
    %cond3A = arith.constant 0 : i32
    %cond3A_2 = arith.cmpi ne, %convert_element_type3A, %cond3A : i32
    scf.if %cond3A_2 {
      "tpu.region"() ({
        %run_scoped3A = tpu.sem_alloc : memref<!tpu.dma_semaphore, #tpu.memory_space<semaphore_mem>>
        tpu.enqueue_dma source(%arg4 : memref<10000xf32, #tpu.memory_space<hbm>>) target(%arg9 : memref<10000xf32, #tpu.memory_space<vmem_shared>>) target_semaphore(%run_scoped3A : memref<!tpu.dma_semaphore, #tpu.memory_space<semaphore_mem>>)
        tpu.wait_dma2 semaphore(%run_scoped3A : memref<!tpu.dma_semaphore, #tpu.memory_space<semaphore_mem>>) src(%arg4 : memref<10000xf32, #tpu.memory_space<hbm>>) dst(%arg9 : memref<10000xf32, #tpu.memory_space<vmem_shared>>)
        tpu.yield
      }) : () -> ()
    } else {
    }
    %barrier3A = arith.constant 0 : index
    tpu.barrier barrier_id(%barrier3A)
    %scan3A = arith.constant 0 : i32
    %scan3A_3 = arith.constant 0 : i32
    %scan3A_4 = arith.constant 5 : i32
    %scan3A_5 = arith.addi %scan3A_3, %scan3A_4 : i32
    %scan3A_6 = arith.constant 1 : i32
    %scan3A_7 = scf.for %scan3A_15 = %scan3A_3 to %scan3A_5 step %scan3A_6 iter_args(%scan3A_16 = %scan3A) -> (i32)  : i32 {
      "tpu.region"() ({
        %run_scoped3A = tpu.sem_alloc : memref<!tpu.dma_semaphore, #tpu.memory_space<semaphore_mem>>
        %dma_start3A = arith.constant 0 : i32
        %dma_start3A_32 = arith.constant 0 : i32
        %dma_start3A_33 = tpu.memref_slice %arg2[%add3A, %scan3A_15, %dma_start3A, %dma_start3A_32] : memref<32x5x25x80xf32, #tpu.memory_space<hbm>> -> memref<1x1x25x80xf32, #tpu.memory_space<hbm>>
        %dma_start3A_34 = tpu.memref_squeeze %dma_start3A_33 : memref<1x1x25x80xf32, #tpu.memory_space<hbm>> -> memref<25x80xf32, #tpu.memory_space<hbm>>
        %dma_start3A_35 = arith.constant 0 : i32
        %dma_start3A_36 = arith.constant 0 : i32
        %dma_start3A_37 = tpu.memref_slice %arg2[%add3A, %scan3A_15, %dma_start3A_35, %dma_start3A_36] : memref<32x5x25x80xf32, #tpu.memory_space<hbm>> -> memref<1x1x25x80xf32, #tpu.memory_space<hbm>>
        %dma_start3A_38 = tpu.memref_squeeze %dma_start3A_37 : memref<1x1x25x80xf32, #tpu.memory_space<hbm>> -> memref<25x80xf32, #tpu.memory_space<hbm>>
        tpu.enqueue_dma source(%dma_start3A_38 : memref<25x80xf32, #tpu.memory_space<hbm>>) target(%arg7 : memref<25x80xf32, #tpu.memory_space<vmem>>) target_semaphore(%run_scoped3A : memref<!tpu.dma_semaphore, #tpu.memory_space<semaphore_mem>>)
        %dma_wait3A = arith.constant 0 : i32
        %dma_wait3A_39 = arith.constant 0 : i32
        %dma_wait3A_40 = tpu.memref_slice %arg2[%add3A, %scan3A_15, %dma_wait3A, %dma_wait3A_39] : memref<32x5x25x80xf32, #tpu.memory_space<hbm>> -> memref<1x1x25x80xf32, #tpu.memory_space<hbm>>
        %dma_wait3A_41 = tpu.memref_squeeze %dma_wait3A_40 : memref<1x1x25x80xf32, #tpu.memory_space<hbm>> -> memref<25x80xf32, #tpu.memory_space<hbm>>
        %dma_wait3A_42 = arith.constant 0 : i32
        %dma_wait3A_43 = arith.constant 0 : i32
        %dma_wait3A_44 = tpu.memref_slice %arg2[%add3A, %scan3A_15, %dma_wait3A_42, %dma_wait3A_43] : memref<32x5x25x80xf32, #tpu.memory_space<hbm>> -> memref<1x1x25x80xf32, #tpu.memory_space<hbm>>
        %dma_wait3A_45 = tpu.memref_squeeze %dma_wait3A_44 : memref<1x1x25x80xf32, #tpu.memory_space<hbm>> -> memref<25x80xf32, #tpu.memory_space<hbm>>
        tpu.wait_dma2 semaphore(%run_scoped3A : memref<!tpu.dma_semaphore, #tpu.memory_space<semaphore_mem>>) src(%dma_wait3A_45 : memref<25x80xf32, #tpu.memory_space<hbm>>) dst(%arg7 : memref<25x80xf32, #tpu.memory_space<vmem>>)
        tpu.yield
      }) : () -> ()
      "tpu.region"() ({
        %run_scoped3A = tpu.sem_alloc : memref<!tpu.dma_semaphore, #tpu.memory_space<semaphore_mem>>
        %dma_start3A = arith.constant 0 : i32
        %dma_start3A_32 = arith.constant 0 : i32
        %dma_start3A_33 = tpu.memref_slice %arg3[%add3A, %scan3A_15, %dma_start3A, %dma_start3A_32] : memref<32x5x25x80xi32, #tpu.memory_space<hbm>> -> memref<1x1x25x80xi32, #tpu.memory_space<hbm>>
        %dma_start3A_34 = tpu.memref_squeeze %dma_start3A_33 : memref<1x1x25x80xi32, #tpu.memory_space<hbm>> -> memref<25x80xi32, #tpu.memory_space<hbm>>
        %dma_start3A_35 = arith.constant 0 : i32
        %dma_start3A_36 = arith.constant 0 : i32
        %dma_start3A_37 = tpu.memref_slice %arg3[%add3A, %scan3A_15, %dma_start3A_35, %dma_start3A_36] : memref<32x5x25x80xi32, #tpu.memory_space<hbm>> -> memref<1x1x25x80xi32, #tpu.memory_space<hbm>>
        %dma_start3A_38 = tpu.memref_squeeze %dma_start3A_37 : memref<1x1x25x80xi32, #tpu.memory_space<hbm>> -> memref<25x80xi32, #tpu.memory_space<hbm>>
        tpu.enqueue_dma source(%dma_start3A_38 : memref<25x80xi32, #tpu.memory_space<hbm>>) target(%arg8 : memref<25x80xi32, #tpu.memory_space<vmem>>) target_semaphore(%run_scoped3A : memref<!tpu.dma_semaphore, #tpu.memory_space<semaphore_mem>>)
        %dma_wait3A = arith.constant 0 : i32
        %dma_wait3A_39 = arith.constant 0 : i32
        %dma_wait3A_40 = tpu.memref_slice %arg3[%add3A, %scan3A_15, %dma_wait3A, %dma_wait3A_39] : memref<32x5x25x80xi32, #tpu.memory_space<hbm>> -> memref<1x1x25x80xi32, #tpu.memory_space<hbm>>
        %dma_wait3A_41 = tpu.memref_squeeze %dma_wait3A_40 : memref<1x1x25x80xi32, #tpu.memory_space<hbm>> -> memref<25x80xi32, #tpu.memory_space<hbm>>
        %dma_wait3A_42 = arith.constant 0 : i32
        %dma_wait3A_43 = arith.constant 0 : i32
        %dma_wait3A_44 = tpu.memref_slice %arg3[%add3A, %scan3A_15, %dma_wait3A_42, %dma_wait3A_43] : memref<32x5x25x80xi32, #tpu.memory_space<hbm>> -> memref<1x1x25x80xi32, #tpu.memory_space<hbm>>
        %dma_wait3A_45 = tpu.memref_squeeze %dma_wait3A_44 : memref<1x1x25x80xi32, #tpu.memory_space<hbm>> -> memref<25x80xi32, #tpu.memory_space<hbm>>
        tpu.wait_dma2 semaphore(%run_scoped3A : memref<!tpu.dma_semaphore, #tpu.memory_space<semaphore_mem>>) src(%dma_wait3A_45 : memref<25x80xi32, #tpu.memory_space<hbm>>) dst(%arg8 : memref<25x80xi32, #tpu.memory_space<vmem>>)
        tpu.yield
      }) : () -> ()
      %scan3A_17 = arith.constant 0 : i32
      %scan3A_18 = arith.constant 0 : i32
      %scan3A_19 = arith.constant 25 : i32
      %scan3A_20 = arith.addi %scan3A_18, %scan3A_19 : i32
      %scan3A_21 = arith.constant 1 : i32
      %scan3A_22 = scf.for %scan3A_32 = %scan3A_18 to %scan3A_20 step %scan3A_21 iter_args(%scan3A_33 = %scan3A_17) -> (i32)  : i32 {
        %get3A = arith.index_cast %scan3A_32 : i32 to index
        %get3A_34 = arith.constant 0 : index
        %get3A_35 = tpu.vector_load %arg7[%get3A, %get3A_34] {strides = array<i32>} : memref<25x80xf32, #tpu.memory_space<vmem>>, vector<1x16xf32>,
        %get3A_36 = vector.shape_cast %get3A_35 : vector<1x16xf32> to vector<16xf32>
        %neg3A = arith.constant 0.000000e+00 : f32
        %neg3A_37 = vector.broadcast %neg3A : f32 to vector<16xf32>
        %neg3A_38 = arith.subf %neg3A_37, %get3A_36 : vector<16xf32>
        %exp3A = math.exp %neg3A_38 : vector<16xf32>
        %add3A_39 = arith.constant 1.000000e+00 : f32
        %add3A_40 = vector.broadcast %add3A_39 : f32 to vector<16xf32>
        %add3A_41 = arith.addf %add3A_40, %exp3A : vector<16xf32>
        %div3A = arith.constant 1.000000e+00 : f32
        %div3A_42 = vector.broadcast %div3A : f32 to vector<16xf32>
        %div3A_43 = arith.divf %div3A_42, %add3A_41 : vector<16xf32>
        %swap3A = arith.index_cast %scan3A_32 : i32 to index
        %swap3A_44 = arith.constant 0 : index
        %swap3A_45 = tpu.vector_load %arg7[%swap3A, %swap3A_44] {strides = array<i32>} : memref<25x80xf32, #tpu.memory_space<vmem>>, vector<1x16xf32>,
        %swap3A_46 = vector.shape_cast %swap3A_45 : vector<1x16xf32> to vector<16xf32>
        %swap3A_47 = vector.shape_cast %div3A_43 : vector<16xf32> to vector<1x16xf32>
        tpu.vector_store %arg7[%swap3A, %swap3A_44], %swap3A_47 {strides = array<i32>} : memref<25x80xf32, #tpu.memory_space<vmem>>, vector<1x16xf32>,
        %get3A_48 = arith.index_cast %scan3A_32 : i32 to index
        %get3A_49 = arith.constant 16 : index
        %get3A_50 = tpu.vector_load %arg7[%get3A_48, %get3A_49] {strides = array<i32>} : memref<25x80xf32, #tpu.memory_space<vmem>>, vector<1x16xf32>,
        %get3A_51 = vector.shape_cast %get3A_50 : vector<1x16xf32> to vector<16xf32>
        %neg3A_52 = arith.constant 0.000000e+00 : f32
        %neg3A_53 = vector.broadcast %neg3A_52 : f32 to vector<16xf32>
        %neg3A_54 = arith.subf %neg3A_53, %get3A_51 : vector<16xf32>
        %exp3A_55 = math.exp %neg3A_54 : vector<16xf32>
        %add3A_56 = arith.constant 1.000000e+00 : f32
        %add3A_57 = vector.broadcast %add3A_56 : f32 to vector<16xf32>
        %add3A_58 = arith.addf %add3A_57, %exp3A_55 : vector<16xf32>
        %div3A_59 = arith.constant 1.000000e+00 : f32
        %div3A_60 = vector.broadcast %div3A_59 : f32 to vector<16xf32>
        %div3A_61 = arith.divf %div3A_60, %add3A_58 : vector<16xf32>
        %swap3A_62 = arith.index_cast %scan3A_32 : i32 to index
        %swap3A_63 = arith.constant 16 : index
        %swap3A_64 = tpu.vector_load %arg7[%swap3A_62, %swap3A_63] {strides = array<i32>} : memref<25x80xf32, #tpu.memory_space<vmem>>, vector<1x16xf32>,
        %swap3A_65 = vector.shape_cast %swap3A_64 : vector<1x16xf32> to vector<16xf32>
        %swap3A_66 = vector.shape_cast %div3A_61 : vector<16xf32> to vector<1x16xf32>
        tpu.vector_store %arg7[%swap3A_62, %swap3A_63], %swap3A_66 {strides = array<i32>} : memref<25x80xf32, #tpu.memory_space<vmem>>, vector<1x16xf32>,
        %get3A_67 = arith.index_cast %scan3A_32 : i32 to index
        %get3A_68 = arith.constant 32 : index
        %get3A_69 = tpu.vector_load %arg7[%get3A_67, %get3A_68] {strides = array<i32>} : memref<25x80xf32, #tpu.memory_space<vmem>>, vector<1x16xf32>,
        %get3A_70 = vector.shape_cast %get3A_69 : vector<1x16xf32> to vector<16xf32>
        %neg3A_71 = arith.constant 0.000000e+00 : f32
        %neg3A_72 = vector.broadcast %neg3A_71 : f32 to vector<16xf32>
        %neg3A_73 = arith.subf %neg3A_72, %get3A_70 : vector<16xf32>
        %exp3A_74 = math.exp %neg3A_73 : vector<16xf32>
        %add3A_75 = arith.constant 1.000000e+00 : f32
        %add3A_76 = vector.broadcast %add3A_75 : f32 to vector<16xf32>
        %add3A_77 = arith.addf %add3A_76, %exp3A_74 : vector<16xf32>
        %div3A_78 = arith.constant 1.000000e+00 : f32
        %div3A_79 = vector.broadcast %div3A_78 : f32 to vector<16xf32>
        %div3A_80 = arith.divf %div3A_79, %add3A_77 : vector<16xf32>
        %swap3A_81 = arith.index_cast %scan3A_32 : i32 to index
        %swap3A_82 = arith.constant 32 : index
        %swap3A_83 = tpu.vector_load %arg7[%swap3A_81, %swap3A_82] {strides = array<i32>} : memref<25x80xf32, #tpu.memory_space<vmem>>, vector<1x16xf32>,
        %swap3A_84 = vector.shape_cast %swap3A_83 : vector<1x16xf32> to vector<16xf32>
        %swap3A_85 = vector.shape_cast %div3A_80 : vector<16xf32> to vector<1x16xf32>
        tpu.vector_store %arg7[%swap3A_81, %swap3A_82], %swap3A_85 {strides = array<i32>} : memref<25x80xf32, #tpu.memory_space<vmem>>, vector<1x16xf32>,
        %get3A_86 = arith.index_cast %scan3A_32 : i32 to index
        %get3A_87 = arith.constant 48 : index
        %get3A_88 = tpu.vector_load %arg7[%get3A_86, %get3A_87] {strides = array<i32>} : memref<25x80xf32, #tpu.memory_space<vmem>>, vector<1x16xf32>,
        %get3A_89 = vector.shape_cast %get3A_88 : vector<1x16xf32> to vector<16xf32>
        %neg3A_90 = arith.constant 0.000000e+00 : f32
        %neg3A_91 = vector.broadcast %neg3A_90 : f32 to vector<16xf32>
        %neg3A_92 = arith.subf %neg3A_91, %get3A_89 : vector<16xf32>
        %exp3A_93 = math.exp %neg3A_92 : vector<16xf32>
        %add3A_94 = arith.constant 1.000000e+00 : f32
        %add3A_95 = vector.broadcast %add3A_94 : f32 to vector<16xf32>
        %add3A_96 = arith.addf %add3A_95, %exp3A_93 : vector<16xf32>
        %div3A_97 = arith.constant 1.000000e+00 : f32
        %div3A_98 = vector.broadcast %div3A_97 : f32 to vector<16xf32>
        %div3A_99 = arith.divf %div3A_98, %add3A_96 : vector<16xf32>
        %swap3A_100 = arith.index_cast %scan3A_32 : i32 to index
        %swap3A_101 = arith.constant 48 : index
        %swap3A_102 = tpu.vector_load %arg7[%swap3A_100, %swap3A_101] {strides = array<i32>} : memref<25x80xf32, #tpu.memory_space<vmem>>, vector<1x16xf32>,
        %swap3A_103 = vector.shape_cast %swap3A_102 : vector<1x16xf32> to vector<16xf32>
        %swap3A_104 = vector.shape_cast %div3A_99 : vector<16xf32> to vector<1x16xf32>
        tpu.vector_store %arg7[%swap3A_100, %swap3A_101], %swap3A_104 {strides = array<i32>} : memref<25x80xf32, #tpu.memory_space<vmem>>, vector<1x16xf32>,
        %get3A_105 = arith.index_cast %scan3A_32 : i32 to index
        %get3A_106 = arith.constant 64 : index
        %get3A_107 = tpu.vector_load %arg7[%get3A_105, %get3A_106] {strides = array<i32>} : memref<25x80xf32, #tpu.memory_space<vmem>>, vector<1x16xf32>,
        %get3A_108 = vector.shape_cast %get3A_107 : vector<1x16xf32> to vector<16xf32>
        %neg3A_109 = arith.constant 0.000000e+00 : f32
        %neg3A_110 = vector.broadcast %neg3A_109 : f32 to vector<16xf32>
        %neg3A_111 = arith.subf %neg3A_110, %get3A_108 : vector<16xf32>
        %exp3A_112 = math.exp %neg3A_111 : vector<16xf32>
        %add3A_113 = arith.constant 1.000000e+00 : f32
        %add3A_114 = vector.broadcast %add3A_113 : f32 to vector<16xf32>
        %add3A_115 = arith.addf %add3A_114, %exp3A_112 : vector<16xf32>
        %div3A_116 = arith.constant 1.000000e+00 : f32
        %div3A_117 = vector.broadcast %div3A_116 : f32 to vector<16xf32>
        %div3A_118 = arith.divf %div3A_117, %add3A_115 : vector<16xf32>
        %swap3A_119 = arith.index_cast %scan3A_32 : i32 to index
        %swap3A_120 = arith.constant 64 : index
        %swap3A_121 = tpu.vector_load %arg7[%swap3A_119, %swap3A_120] {strides = array<i32>} : memref<25x80xf32, #tpu.memory_space<vmem>>, vector<1x16xf32>,
        %swap3A_122 = vector.shape_cast %swap3A_121 : vector<1x16xf32> to vector<16xf32>
        %swap3A_123 = vector.shape_cast %div3A_118 : vector<16xf32> to vector<1x16xf32>
        tpu.vector_store %arg7[%swap3A_119, %swap3A_120], %swap3A_123 {strides = array<i32>} : memref<25x80xf32, #tpu.memory_space<vmem>>, vector<1x16xf32>,
        %scan3A_124 = arith.constant 0 : i32
        scf.yield %scan3A_124 : i32
      }
      %scan3A_23 = arith.constant 25 : i32
      "tpu.region"() ({
        %run_scoped3A = tpu.sem_alloc : memref<!tpu.dma_semaphore, #tpu.memory_space<semaphore_mem>>
        %dma_start3A = arith.constant 0 : i32
        %dma_start3A_32 = arith.constant 0 : i32
        %dma_start3A_33 = tpu.memref_slice %arg5[%add3A, %scan3A_15, %dma_start3A, %dma_start3A_32] : memref<32x5x25x80xf32, #tpu.memory_space<hbm>> -> memref<1x1x25x80xf32, #tpu.memory_space<hbm>>
        %dma_start3A_34 = tpu.memref_squeeze %dma_start3A_33 : memref<1x1x25x80xf32, #tpu.memory_space<hbm>> -> memref<25x80xf32, #tpu.memory_space<hbm>>
        %dma_start3A_35 = arith.constant 0 : i32
        %dma_start3A_36 = arith.constant 0 : i32
        %dma_start3A_37 = tpu.memref_slice %arg5[%add3A, %scan3A_15, %dma_start3A_35, %dma_start3A_36] : memref<32x5x25x80xf32, #tpu.memory_space<hbm>> -> memref<1x1x25x80xf32, #tpu.memory_space<hbm>>
        %dma_start3A_38 = tpu.memref_squeeze %dma_start3A_37 : memref<1x1x25x80xf32, #tpu.memory_space<hbm>> -> memref<25x80xf32, #tpu.memory_space<hbm>>
        tpu.enqueue_dma source(%arg7 : memref<25x80xf32, #tpu.memory_space<vmem>>) target(%dma_start3A_38 : memref<25x80xf32, #tpu.memory_space<hbm>>) target_semaphore(%run_scoped3A : memref<!tpu.dma_semaphore, #tpu.memory_space<semaphore_mem>>)
        %dma_wait3A = arith.constant 0 : i32
        %dma_wait3A_39 = arith.constant 0 : i32
        %dma_wait3A_40 = tpu.memref_slice %arg5[%add3A, %scan3A_15, %dma_wait3A, %dma_wait3A_39] : memref<32x5x25x80xf32, #tpu.memory_space<hbm>> -> memref<1x1x25x80xf32, #tpu.memory_space<hbm>>
        %dma_wait3A_41 = tpu.memref_squeeze %dma_wait3A_40 : memref<1x1x25x80xf32, #tpu.memory_space<hbm>> -> memref<25x80xf32, #tpu.memory_space<hbm>>
        %dma_wait3A_42 = arith.constant 0 : i32
        %dma_wait3A_43 = arith.constant 0 : i32
        %dma_wait3A_44 = tpu.memref_slice %arg5[%add3A, %scan3A_15, %dma_wait3A_42, %dma_wait3A_43] : memref<32x5x25x80xf32, #tpu.memory_space<hbm>> -> memref<1x1x25x80xf32, #tpu.memory_space<hbm>>
        %dma_wait3A_45 = tpu.memref_squeeze %dma_wait3A_44 : memref<1x1x25x80xf32, #tpu.memory_space<hbm>> -> memref<25x80xf32, #tpu.memory_space<hbm>>
        tpu.wait_dma2 semaphore(%run_scoped3A : memref<!tpu.dma_semaphore, #tpu.memory_space<semaphore_mem>>) src(%arg7 : memref<25x80xf32, #tpu.memory_space<vmem>>) dst(%dma_wait3A_45 : memref<25x80xf32, #tpu.memory_space<hbm>>)
        tpu.yield
      }) : () -> ()
      %scan3A_24 = arith.constant 0 : i32
      %scan3A_25 = arith.constant 0 : i32
      %scan3A_26 = arith.constant 25 : i32
      %scan3A_27 = arith.addi %scan3A_25, %scan3A_26 : i32
      %scan3A_28 = arith.constant 1 : i32
      %scan3A_29 = scf.for %scan3A_32 = %scan3A_25 to %scan3A_27 step %scan3A_28 iter_args(%scan3A_33 = %scan3A_24) -> (i32)  : i32 {
        "tpu.region"() ({
          %run_scoped3A = tpu.sem_alloc : memref<!tpu.dma_semaphore, #tpu.memory_space<semaphore_mem>>
          %dma_start3A = arith.constant 0 : i32
          %dma_start3A_35 = tpu.memref_slice %arg7[%scan3A_32, %dma_start3A] : memref<25x80xf32, #tpu.memory_space<vmem>> -> memref<1x80xf32, #tpu.memory_space<vmem>>
          %dma_start3A_36 = tpu.memref_squeeze %dma_start3A_35 : memref<1x80xf32, #tpu.memory_space<vmem>> -> memref<80xf32, #tpu.memory_space<vmem>>
          %dma_start3A_37 = arith.constant 0 : i32
          %dma_start3A_38 = tpu.memref_slice %arg8[%scan3A_32, %dma_start3A_37] : memref<25x80xi32, #tpu.memory_space<vmem>> -> memref<1x80xi32, #tpu.memory_space<vmem>>
          %dma_start3A_39 = tpu.memref_squeeze %dma_start3A_38 : memref<1x80xi32, #tpu.memory_space<vmem>> -> memref<80xi32, #tpu.memory_space<vmem>>
          %dma_start3A_40 = arith.constant 0 : i32
          %dma_start3A_41 = tpu.memref_slice %arg9[%dma_start3A_40] : memref<10000xf32, #tpu.memory_space<vmem_shared>> -> memref<10000xf32, #tpu.memory_space<vmem_shared>>
          tpu.enqueue_indirect_dma source(%dma_start3A_36 : memref<80xf32, #tpu.memory_space<vmem>>) target(%dma_start3A_41 : memref<10000xf32, #tpu.memory_space<vmem_shared>>) offsets(%dma_start3A_39 : memref<80xi32, #tpu.memory_space<vmem>>) semaphore(%run_scoped3A : memref<!tpu.dma_semaphore, #tpu.memory_space<semaphore_mem>>) {add = true}
          %dma_wait3A = arith.constant 0 : i32
          %dma_wait3A_42 = tpu.memref_slice %arg7[%scan3A_32, %dma_wait3A] : memref<25x80xf32, #tpu.memory_space<vmem>> -> memref<1x80xf32, #tpu.memory_space<vmem>>
          %dma_wait3A_43 = tpu.memref_squeeze %dma_wait3A_42 : memref<1x80xf32, #tpu.memory_space<vmem>> -> memref<80xf32, #tpu.memory_space<vmem>>
          %dma_wait3A_44 = arith.constant 0 : i32
          %dma_wait3A_45 = tpu.memref_slice %arg8[%scan3A_32, %dma_wait3A_44] : memref<25x80xi32, #tpu.memory_space<vmem>> -> memref<1x80xi32, #tpu.memory_space<vmem>>
          %dma_wait3A_46 = tpu.memref_squeeze %dma_wait3A_45 : memref<1x80xi32, #tpu.memory_space<vmem>> -> memref<80xi32, #tpu.memory_space<vmem>>
          %dma_wait3A_47 = arith.constant 0 : i32
          %dma_wait3A_48 = tpu.memref_slice %arg9[%dma_wait3A_47] : memref<10000xf32, #tpu.memory_space<vmem_shared>> -> memref<10000xf32, #tpu.memory_space<vmem_shared>>
          tpu.wait_indirect_dma semaphore(%run_scoped3A : memref<!tpu.dma_semaphore, #tpu.memory_space<semaphore_mem>>) src(%dma_wait3A_43 : memref<80xf32, #tpu.memory_space<vmem>>) dst(%dma_wait3A_48 : memref<10000xf32, #tpu.memory_space<vmem_shared>>)
          tpu.yield
        }) : () -> ()
        %scan3A_34 = arith.constant 0 : i32
        scf.yield %scan3A_34 : i32
      }
      %scan3A_30 = arith.constant 25 : i32
      %scan3A_31 = arith.constant 0 : i32
      scf.yield %scan3A_31 : i32
    }
    %scan3A_8 = arith.constant 5 : i32
    %barrier3A_9 = arith.constant 0 : index
    tpu.barrier barrier_id(%barrier3A_9)
    %eq3A_10 = arith.constant 0 : i32
    %eq3A_11 = arith.cmpi eq, %arg1, %eq3A_10 : i32
    %convert_element_type3A_12 = arith.extui %eq3A_11 : i1 to i32
    %cond3A_13 = arith.constant 0 : i32
    %cond3A_14 = arith.cmpi ne, %convert_element_type3A_12, %cond3A_13 : i32
    scf.if %cond3A_14 {
      "tpu.region"() ({
        %run_scoped3A = tpu.sem_alloc : memref<!tpu.dma_semaphore, #tpu.memory_space<semaphore_mem>>
        %dma_start3A = arith.constant 0 : i32
        %dma_start3A_15 = tpu.memref_slice %arg6[%arg0, %dma_start3A] : memref<2x10000xf32, #tpu.memory_space<hbm>> -> memref<1x10000xf32, #tpu.memory_space<hbm>>
        %dma_start3A_16 = tpu.memref_squeeze %dma_start3A_15 : memref<1x10000xf32, #tpu.memory_space<hbm>> -> memref<10000xf32, #tpu.memory_space<hbm>>
        tpu.enqueue_dma source(%arg9 : memref<10000xf32, #tpu.memory_space<vmem_shared>>) target(%dma_start3A_16 : memref<10000xf32, #tpu.memory_space<hbm>>) target_semaphore(%run_scoped3A : memref<!tpu.dma_semaphore, #tpu.memory_space<semaphore_mem>>)
        %dma_wait3A = arith.constant 0 : i32
        %dma_wait3A_17 = tpu.memref_slice %arg6[%arg0, %dma_wait3A] : memref<2x10000xf32, #tpu.memory_space<hbm>> -> memref<1x10000xf32, #tpu.memory_space<hbm>>
        %dma_wait3A_18 = tpu.memref_squeeze %dma_wait3A_17 : memref<1x10000xf32, #tpu.memory_space<hbm>> -> memref<10000xf32, #tpu.memory_space<hbm>>
        tpu.wait_dma2 semaphore(%run_scoped3A : memref<!tpu.dma_semaphore, #tpu.memory_space<semaphore_mem>>) src(%arg9 : memref<10000xf32, #tpu.memory_space<vmem_shared>>) dst(%dma_wait3A_18 : memref<10000xf32, #tpu.memory_space<hbm>>)
        tpu.yield
      }) : () -> ()
    } else {
    }
    return
  }
}

#map = affine_map<(d0, d1) -> (0, 0)>
#map1 = affine_map<(d0, d1) -> (0, 0, 0, 0)>
#map2 = affine_map<(d0, d1) -> (0, 0, 0)>
module attributes {stable_mosaic.version = 14 : i64} {
  func.func @_sc_prop(%arg0: i32, %arg1: i32, %arg2: memref<10000x128xf32, #tpu.memory_space<hbm>>, %arg3: memref<16x25x10x80xi32, #tpu.memory_space<hbm>>, %arg4: memref<16x25x10x80xi32, #tpu.memory_space<hbm>>, %arg5: memref<16x25x10x80xf32, #tpu.memory_space<hbm>>, %arg6: memref<10000x64xf32, #tpu.memory_space<hbm>>, %arg7: memref<2x10000x64xf32, #tpu.memory_space<hbm>>, %arg8: memref<10x80xi32, #tpu.memory_space<vmem>>, %arg9: memref<10x80xi32, #tpu.memory_space<vmem>>, %arg10: memref<10x80xf32, #tpu.memory_space<vmem>>, %arg11: memref<80x128xf32, #tpu.memory_space<vmem>>, %arg12: memref<80x64xf32, #tpu.memory_space<vmem>>, %arg13: memref<10000x64xf32, #tpu.memory_space<vmem_shared>>, %arg14: memref<!tpu.dma_semaphore, #tpu.memory_space<semaphore_mem>>) attributes {dimension_semantics = [#tpu.dimension_semantics<core_parallel>, #tpu.dimension_semantics<subcore_parallel>], iteration_bounds = array<i64: 2, 16>, scalar_prefetch = 0 : i64, scratch_operands = 7 : i64, tpu.core_type = #tpu.core_type<sc_vector_subcore>, window_params = [{transform_indices = #map}, {transform_indices = #map1}, {transform_indices = #map1}, {transform_indices = #map1}, {transform_indices = #map}, {transform_indices = #map2}]} {
    %lt3A = arith.constant 10 : i32
    %lt3A_0 = arith.cmpi slt, %arg1, %lt3A : i32
    %convert_element_type3A = arith.extui %lt3A_0 : i1 to i32
    %cond3A = arith.constant 0 : i32
    %cond3A_1 = arith.cmpi ne, %convert_element_type3A, %cond3A : i32
    scf.if %cond3A_1 {
      %mul3A = arith.constant 1000 : i32
      %mul3A_14 = arith.muli %arg1, %mul3A : i32
      "tpu.region"() ({
        %run_scoped3A = tpu.sem_alloc : memref<!tpu.dma_semaphore, #tpu.memory_space<semaphore_mem>>
        %dma_start3A = arith.constant 0 : i32
        %dma_start3A_15 = tpu.memref_slice %arg13[%mul3A_14, %dma_start3A] : memref<10000x64xf32, #tpu.memory_space<vmem_shared>> -> memref<1000x64xf32, #tpu.memory_space<vmem_shared>>
        %dma_start3A_16 = arith.constant 0 : i32
        %dma_start3A_17 = tpu.memref_slice %arg6[%mul3A_14, %dma_start3A_16] : memref<10000x64xf32, #tpu.memory_space<hbm>> -> memref<1000x64xf32, #tpu.memory_space<hbm>>
        tpu.enqueue_dma source(%dma_start3A_17 : memref<1000x64xf32, #tpu.memory_space<hbm>>) target(%dma_start3A_15 : memref<1000x64xf32, #tpu.memory_space<vmem_shared>>) target_semaphore(%run_scoped3A : memref<!tpu.dma_semaphore, #tpu.memory_space<semaphore_mem>>)
        %dma_wait3A = arith.constant 0 : i32
        %dma_wait3A_18 = tpu.memref_slice %arg13[%mul3A_14, %dma_wait3A] : memref<10000x64xf32, #tpu.memory_space<vmem_shared>> -> memref<1000x64xf32, #tpu.memory_space<vmem_shared>>
        %dma_wait3A_19 = arith.constant 0 : i32
        %dma_wait3A_20 = tpu.memref_slice %arg6[%mul3A_14, %dma_wait3A_19] : memref<10000x64xf32, #tpu.memory_space<hbm>> -> memref<1000x64xf32, #tpu.memory_space<hbm>>
        tpu.wait_dma2 semaphore(%run_scoped3A : memref<!tpu.dma_semaphore, #tpu.memory_space<semaphore_mem>>) src(%dma_wait3A_20 : memref<1000x64xf32, #tpu.memory_space<hbm>>) dst(%dma_wait3A_18 : memref<1000x64xf32, #tpu.memory_space<vmem_shared>>)
        tpu.yield
      }) : () -> ()
    } else {
    }
    %barrier3A = arith.constant 0 : index
    tpu.barrier barrier_id(%barrier3A)
    %scan3A = arith.constant 0 : i32
    %scan3A_2 = arith.constant 0 : i32
    %scan3A_3 = arith.constant 25 : i32
    %scan3A_4 = arith.addi %scan3A_2, %scan3A_3 : i32
    %scan3A_5 = arith.constant 1 : i32
    %scan3A_6 = scf.for %scan3A_14 = %scan3A_2 to %scan3A_4 step %scan3A_5 iter_args(%scan3A_15 = %scan3A) -> (i32)  : i32 {
      "tpu.region"() ({
        %run_scoped3A = tpu.sem_alloc : memref<!tpu.dma_semaphore, #tpu.memory_space<semaphore_mem>>
        %dma_start3A = arith.constant 0 : i32
        %dma_start3A_24 = arith.constant 0 : i32
        %dma_start3A_25 = tpu.memref_slice %arg3[%arg1, %scan3A_14, %dma_start3A, %dma_start3A_24] : memref<16x25x10x80xi32, #tpu.memory_space<hbm>> -> memref<1x1x10x80xi32, #tpu.memory_space<hbm>>
        %dma_start3A_26 = tpu.memref_squeeze %dma_start3A_25 : memref<1x1x10x80xi32, #tpu.memory_space<hbm>> -> memref<10x80xi32, #tpu.memory_space<hbm>>
        %dma_start3A_27 = arith.constant 0 : i32
        %dma_start3A_28 = arith.constant 0 : i32
        %dma_start3A_29 = tpu.memref_slice %arg3[%arg1, %scan3A_14, %dma_start3A_27, %dma_start3A_28] : memref<16x25x10x80xi32, #tpu.memory_space<hbm>> -> memref<1x1x10x80xi32, #tpu.memory_space<hbm>>
        %dma_start3A_30 = tpu.memref_squeeze %dma_start3A_29 : memref<1x1x10x80xi32, #tpu.memory_space<hbm>> -> memref<10x80xi32, #tpu.memory_space<hbm>>
        tpu.enqueue_dma source(%dma_start3A_30 : memref<10x80xi32, #tpu.memory_space<hbm>>) target(%arg8 : memref<10x80xi32, #tpu.memory_space<vmem>>) target_semaphore(%run_scoped3A : memref<!tpu.dma_semaphore, #tpu.memory_space<semaphore_mem>>)
        %dma_wait3A = arith.constant 0 : i32
        %dma_wait3A_31 = arith.constant 0 : i32
        %dma_wait3A_32 = tpu.memref_slice %arg3[%arg1, %scan3A_14, %dma_wait3A, %dma_wait3A_31] : memref<16x25x10x80xi32, #tpu.memory_space<hbm>> -> memref<1x1x10x80xi32, #tpu.memory_space<hbm>>
        %dma_wait3A_33 = tpu.memref_squeeze %dma_wait3A_32 : memref<1x1x10x80xi32, #tpu.memory_space<hbm>> -> memref<10x80xi32, #tpu.memory_space<hbm>>
        %dma_wait3A_34 = arith.constant 0 : i32
        %dma_wait3A_35 = arith.constant 0 : i32
        %dma_wait3A_36 = tpu.memref_slice %arg3[%arg1, %scan3A_14, %dma_wait3A_34, %dma_wait3A_35] : memref<16x25x10x80xi32, #tpu.memory_space<hbm>> -> memref<1x1x10x80xi32, #tpu.memory_space<hbm>>
        %dma_wait3A_37 = tpu.memref_squeeze %dma_wait3A_36 : memref<1x1x10x80xi32, #tpu.memory_space<hbm>> -> memref<10x80xi32, #tpu.memory_space<hbm>>
        tpu.wait_dma2 semaphore(%run_scoped3A : memref<!tpu.dma_semaphore, #tpu.memory_space<semaphore_mem>>) src(%dma_wait3A_37 : memref<10x80xi32, #tpu.memory_space<hbm>>) dst(%arg8 : memref<10x80xi32, #tpu.memory_space<vmem>>)
        tpu.yield
      }) : () -> ()
      "tpu.region"() ({
        %run_scoped3A = tpu.sem_alloc : memref<!tpu.dma_semaphore, #tpu.memory_space<semaphore_mem>>
        %dma_start3A = arith.constant 0 : i32
        %dma_start3A_24 = arith.constant 0 : i32
        %dma_start3A_25 = tpu.memref_slice %arg4[%arg1, %scan3A_14, %dma_start3A, %dma_start3A_24] : memref<16x25x10x80xi32, #tpu.memory_space<hbm>> -> memref<1x1x10x80xi32, #tpu.memory_space<hbm>>
        %dma_start3A_26 = tpu.memref_squeeze %dma_start3A_25 : memref<1x1x10x80xi32, #tpu.memory_space<hbm>> -> memref<10x80xi32, #tpu.memory_space<hbm>>
        %dma_start3A_27 = arith.constant 0 : i32
        %dma_start3A_28 = arith.constant 0 : i32
        %dma_start3A_29 = tpu.memref_slice %arg4[%arg1, %scan3A_14, %dma_start3A_27, %dma_start3A_28] : memref<16x25x10x80xi32, #tpu.memory_space<hbm>> -> memref<1x1x10x80xi32, #tpu.memory_space<hbm>>
        %dma_start3A_30 = tpu.memref_squeeze %dma_start3A_29 : memref<1x1x10x80xi32, #tpu.memory_space<hbm>> -> memref<10x80xi32, #tpu.memory_space<hbm>>
        tpu.enqueue_dma source(%dma_start3A_30 : memref<10x80xi32, #tpu.memory_space<hbm>>) target(%arg9 : memref<10x80xi32, #tpu.memory_space<vmem>>) target_semaphore(%run_scoped3A : memref<!tpu.dma_semaphore, #tpu.memory_space<semaphore_mem>>)
        %dma_wait3A = arith.constant 0 : i32
        %dma_wait3A_31 = arith.constant 0 : i32
        %dma_wait3A_32 = tpu.memref_slice %arg4[%arg1, %scan3A_14, %dma_wait3A, %dma_wait3A_31] : memref<16x25x10x80xi32, #tpu.memory_space<hbm>> -> memref<1x1x10x80xi32, #tpu.memory_space<hbm>>
        %dma_wait3A_33 = tpu.memref_squeeze %dma_wait3A_32 : memref<1x1x10x80xi32, #tpu.memory_space<hbm>> -> memref<10x80xi32, #tpu.memory_space<hbm>>
        %dma_wait3A_34 = arith.constant 0 : i32
        %dma_wait3A_35 = arith.constant 0 : i32
        %dma_wait3A_36 = tpu.memref_slice %arg4[%arg1, %scan3A_14, %dma_wait3A_34, %dma_wait3A_35] : memref<16x25x10x80xi32, #tpu.memory_space<hbm>> -> memref<1x1x10x80xi32, #tpu.memory_space<hbm>>
        %dma_wait3A_37 = tpu.memref_squeeze %dma_wait3A_36 : memref<1x1x10x80xi32, #tpu.memory_space<hbm>> -> memref<10x80xi32, #tpu.memory_space<hbm>>
        tpu.wait_dma2 semaphore(%run_scoped3A : memref<!tpu.dma_semaphore, #tpu.memory_space<semaphore_mem>>) src(%dma_wait3A_37 : memref<10x80xi32, #tpu.memory_space<hbm>>) dst(%arg9 : memref<10x80xi32, #tpu.memory_space<vmem>>)
        tpu.yield
      }) : () -> ()
      "tpu.region"() ({
        %run_scoped3A = tpu.sem_alloc : memref<!tpu.dma_semaphore, #tpu.memory_space<semaphore_mem>>
        %dma_start3A = arith.constant 0 : i32
        %dma_start3A_24 = arith.constant 0 : i32
        %dma_start3A_25 = tpu.memref_slice %arg5[%arg1, %scan3A_14, %dma_start3A, %dma_start3A_24] : memref<16x25x10x80xf32, #tpu.memory_space<hbm>> -> memref<1x1x10x80xf32, #tpu.memory_space<hbm>>
        %dma_start3A_26 = tpu.memref_squeeze %dma_start3A_25 : memref<1x1x10x80xf32, #tpu.memory_space<hbm>> -> memref<10x80xf32, #tpu.memory_space<hbm>>
        %dma_start3A_27 = arith.constant 0 : i32
        %dma_start3A_28 = arith.constant 0 : i32
        %dma_start3A_29 = tpu.memref_slice %arg5[%arg1, %scan3A_14, %dma_start3A_27, %dma_start3A_28] : memref<16x25x10x80xf32, #tpu.memory_space<hbm>> -> memref<1x1x10x80xf32, #tpu.memory_space<hbm>>
        %dma_start3A_30 = tpu.memref_squeeze %dma_start3A_29 : memref<1x1x10x80xf32, #tpu.memory_space<hbm>> -> memref<10x80xf32, #tpu.memory_space<hbm>>
        tpu.enqueue_dma source(%dma_start3A_30 : memref<10x80xf32, #tpu.memory_space<hbm>>) target(%arg10 : memref<10x80xf32, #tpu.memory_space<vmem>>) target_semaphore(%run_scoped3A : memref<!tpu.dma_semaphore, #tpu.memory_space<semaphore_mem>>)
        %dma_wait3A = arith.constant 0 : i32
        %dma_wait3A_31 = arith.constant 0 : i32
        %dma_wait3A_32 = tpu.memref_slice %arg5[%arg1, %scan3A_14, %dma_wait3A, %dma_wait3A_31] : memref<16x25x10x80xf32, #tpu.memory_space<hbm>> -> memref<1x1x10x80xf32, #tpu.memory_space<hbm>>
        %dma_wait3A_33 = tpu.memref_squeeze %dma_wait3A_32 : memref<1x1x10x80xf32, #tpu.memory_space<hbm>> -> memref<10x80xf32, #tpu.memory_space<hbm>>
        %dma_wait3A_34 = arith.constant 0 : i32
        %dma_wait3A_35 = arith.constant 0 : i32
        %dma_wait3A_36 = tpu.memref_slice %arg5[%arg1, %scan3A_14, %dma_wait3A_34, %dma_wait3A_35] : memref<16x25x10x80xf32, #tpu.memory_space<hbm>> -> memref<1x1x10x80xf32, #tpu.memory_space<hbm>>
        %dma_wait3A_37 = tpu.memref_squeeze %dma_wait3A_36 : memref<1x1x10x80xf32, #tpu.memory_space<hbm>> -> memref<10x80xf32, #tpu.memory_space<hbm>>
        tpu.wait_dma2 semaphore(%run_scoped3A : memref<!tpu.dma_semaphore, #tpu.memory_space<semaphore_mem>>) src(%dma_wait3A_37 : memref<10x80xf32, #tpu.memory_space<hbm>>) dst(%arg10 : memref<10x80xf32, #tpu.memory_space<vmem>>)
        tpu.yield
      }) : () -> ()
      %scan3A_16 = arith.constant 0 : i32
      %scan3A_17 = arith.constant 0 : i32
      %scan3A_18 = arith.constant 10 : i32
      %scan3A_19 = arith.addi %scan3A_17, %scan3A_18 : i32
      %scan3A_20 = arith.constant 1 : i32
      %scan3A_21 = scf.for %scan3A_24 = %scan3A_17 to %scan3A_19 step %scan3A_20 iter_args(%scan3A_25 = %scan3A_16) -> (i32)  : i32 {
        %dma_start3A = arith.constant 0 : i32
        %dma_start3A_26 = tpu.memref_slice %arg8[%scan3A_24, %dma_start3A] : memref<10x80xi32, #tpu.memory_space<vmem>> -> memref<1x80xi32, #tpu.memory_space<vmem>>
        %dma_start3A_27 = tpu.memref_squeeze %dma_start3A_26 : memref<1x80xi32, #tpu.memory_space<vmem>> -> memref<80xi32, #tpu.memory_space<vmem>>
        %dma_start3A_28 = arith.constant 0 : i32
        %dma_start3A_29 = arith.constant 0 : i32
        %dma_start3A_30 = tpu.memref_slice %arg2[%dma_start3A_28, %dma_start3A_29] : memref<10000x128xf32, #tpu.memory_space<hbm>> -> memref<10000x128xf32, #tpu.memory_space<hbm>>
        tpu.enqueue_indirect_dma source(%dma_start3A_30 : memref<10000x128xf32, #tpu.memory_space<hbm>>) target(%arg11 : memref<80x128xf32, #tpu.memory_space<vmem>>) offsets(%dma_start3A_27 : memref<80xi32, #tpu.memory_space<vmem>>) semaphore(%arg14 : memref<!tpu.dma_semaphore, #tpu.memory_space<semaphore_mem>>)
        %dma_wait3A = arith.constant 0 : i32
        %dma_wait3A_31 = tpu.memref_slice %arg8[%scan3A_24, %dma_wait3A] : memref<10x80xi32, #tpu.memory_space<vmem>> -> memref<1x80xi32, #tpu.memory_space<vmem>>
        %dma_wait3A_32 = tpu.memref_squeeze %dma_wait3A_31 : memref<1x80xi32, #tpu.memory_space<vmem>> -> memref<80xi32, #tpu.memory_space<vmem>>
        %dma_wait3A_33 = arith.constant 0 : i32
        %dma_wait3A_34 = arith.constant 0 : i32
        %dma_wait3A_35 = tpu.memref_slice %arg2[%dma_wait3A_33, %dma_wait3A_34] : memref<10000x128xf32, #tpu.memory_space<hbm>> -> memref<10000x128xf32, #tpu.memory_space<hbm>>
        tpu.wait_indirect_dma semaphore(%arg14 : memref<!tpu.dma_semaphore, #tpu.memory_space<semaphore_mem>>) src(%dma_wait3A_35 : memref<10000x128xf32, #tpu.memory_space<hbm>>) dst(%arg11 : memref<80x128xf32, #tpu.memory_space<vmem>>)
        %eq3A = arith.constant 0 : i32
        %eq3A_36 = arith.cmpi eq, %arg0, %eq3A : i32
        %convert_element_type3A_37 = arith.extui %eq3A_36 : i1 to i32
        %cond3A_38 = arith.constant 0 : i32
        %cond3A_39 = arith.cmpi ne, %convert_element_type3A_37, %cond3A_38 : i32
        scf.if %cond3A_39 {
          %scan3A_46 = arith.constant 0 : i32
          %scan3A_47 = arith.constant 0 : i32
          %scan3A_48 = arith.constant 5 : i32
          %scan3A_49 = arith.addi %scan3A_47, %scan3A_48 : i32
          %scan3A_50 = arith.constant 1 : i32
          %scan3A_51 = scf.for %scan3A_53 = %scan3A_47 to %scan3A_49 step %scan3A_50 iter_args(%scan3A_54 = %scan3A_46) -> (i32)  : i32 {
            %mul3A = arith.constant 16 : i32
            %mul3A_55 = arith.muli %scan3A_53, %mul3A : i32
            %get3A = arith.index_cast %scan3A_24 : i32 to index
            %get3A_56 = arith.index_cast %mul3A_55 : i32 to index
            %get3A_57 = tpu.vector_load %arg10[%get3A, %get3A_56] {strides = array<i32>} : memref<10x80xf32, #tpu.memory_space<vmem>>, vector<1x16xf32>,
            %get3A_58 = vector.shape_cast %get3A_57 : vector<1x16xf32> to vector<16xf32>
            %slice3A = vector.extract_strided_slice %get3A_58 {offsets = [0], sizes = [1], strides = [1]} : vector<16xf32> to vector<1xf32>
            %squeeze3A = vector.extract %slice3A[0] : f32 from vector<1xf32>
            %mul3A_59 = arith.constant 16 : i32
            %mul3A_60 = arith.muli %scan3A_53, %mul3A_59 : i32
            %add3A = arith.constant 0 : i32
            %add3A_61 = arith.addi %mul3A_60, %add3A : i32
            %get3A_62 = arith.index_cast %add3A_61 : i32 to index
            %get3A_63 = arith.constant 0 : index
            %get3A_64 = tpu.vector_load %arg11[%get3A_62, %get3A_63] {strides = array<i32>} : memref<80x128xf32, #tpu.memory_space<vmem>>, vector<1x16xf32>,
            %get3A_65 = vector.shape_cast %get3A_64 : vector<1x16xf32> to vector<16xf32>
            %mul3A_66 = vector.broadcast %squeeze3A : f32 to vector<16xf32>
            %mul3A_67 = arith.mulf %get3A_65, %mul3A_66 : vector<16xf32>
            %swap3A = arith.index_cast %add3A_61 : i32 to index
            %swap3A_68 = arith.constant 0 : index
            %swap3A_69 = tpu.vector_load %arg12[%swap3A, %swap3A_68] {strides = array<i32>} : memref<80x64xf32, #tpu.memory_space<vmem>>, vector<1x16xf32>,
            %swap3A_70 = vector.shape_cast %swap3A_69 : vector<1x16xf32> to vector<16xf32>
            %swap3A_71 = vector.shape_cast %mul3A_67 : vector<16xf32> to vector<1x16xf32>
            tpu.vector_store %arg12[%swap3A, %swap3A_68], %swap3A_71 {strides = array<i32>} : memref<80x64xf32, #tpu.memory_space<vmem>>, vector<1x16xf32>,
            %get3A_72 = arith.index_cast %add3A_61 : i32 to index
            %get3A_73 = arith.constant 16 : index
            %get3A_74 = tpu.vector_load %arg11[%get3A_72, %get3A_73] {strides = array<i32>} : memref<80x128xf32, #tpu.memory_space<vmem>>, vector<1x16xf32>,
            %get3A_75 = vector.shape_cast %get3A_74 : vector<1x16xf32> to vector<16xf32>
            %mul3A_76 = vector.broadcast %squeeze3A : f32 to vector<16xf32>
            %mul3A_77 = arith.mulf %get3A_75, %mul3A_76 : vector<16xf32>
            %swap3A_78 = arith.index_cast %add3A_61 : i32 to index
            %swap3A_79 = arith.constant 16 : index
            %swap3A_80 = tpu.vector_load %arg12[%swap3A_78, %swap3A_79] {strides = array<i32>} : memref<80x64xf32, #tpu.memory_space<vmem>>, vector<1x16xf32>,
            %swap3A_81 = vector.shape_cast %swap3A_80 : vector<1x16xf32> to vector<16xf32>
            %swap3A_82 = vector.shape_cast %mul3A_77 : vector<16xf32> to vector<1x16xf32>
            tpu.vector_store %arg12[%swap3A_78, %swap3A_79], %swap3A_82 {strides = array<i32>} : memref<80x64xf32, #tpu.memory_space<vmem>>, vector<1x16xf32>,
            %get3A_83 = arith.index_cast %add3A_61 : i32 to index
            %get3A_84 = arith.constant 32 : index
            %get3A_85 = tpu.vector_load %arg11[%get3A_83, %get3A_84] {strides = array<i32>} : memref<80x128xf32, #tpu.memory_space<vmem>>, vector<1x16xf32>,
            %get3A_86 = vector.shape_cast %get3A_85 : vector<1x16xf32> to vector<16xf32>
            %mul3A_87 = vector.broadcast %squeeze3A : f32 to vector<16xf32>
            %mul3A_88 = arith.mulf %get3A_86, %mul3A_87 : vector<16xf32>
            %swap3A_89 = arith.index_cast %add3A_61 : i32 to index
            %swap3A_90 = arith.constant 32 : index
            %swap3A_91 = tpu.vector_load %arg12[%swap3A_89, %swap3A_90] {strides = array<i32>} : memref<80x64xf32, #tpu.memory_space<vmem>>, vector<1x16xf32>,
            %swap3A_92 = vector.shape_cast %swap3A_91 : vector<1x16xf32> to vector<16xf32>
            %swap3A_93 = vector.shape_cast %mul3A_88 : vector<16xf32> to vector<1x16xf32>
            tpu.vector_store %arg12[%swap3A_89, %swap3A_90], %swap3A_93 {strides = array<i32>} : memref<80x64xf32, #tpu.memory_space<vmem>>, vector<1x16xf32>,
            %get3A_94 = arith.index_cast %add3A_61 : i32 to index
            %get3A_95 = arith.constant 48 : index
            %get3A_96 = tpu.vector_load %arg11[%get3A_94, %get3A_95] {strides = array<i32>} : memref<80x128xf32, #tpu.memory_space<vmem>>, vector<1x16xf32>,
            %get3A_97 = vector.shape_cast %get3A_96 : vector<1x16xf32> to vector<16xf32>
            %mul3A_98 = vector.broadcast %squeeze3A : f32 to vector<16xf32>
            %mul3A_99 = arith.mulf %get3A_97, %mul3A_98 : vector<16xf32>
            %swap3A_100 = arith.index_cast %add3A_61 : i32 to index
            %swap3A_101 = arith.constant 48 : index
            %swap3A_102 = tpu.vector_load %arg12[%swap3A_100, %swap3A_101] {strides = array<i32>} : memref<80x64xf32, #tpu.memory_space<vmem>>, vector<1x16xf32>,
            %swap3A_103 = vector.shape_cast %swap3A_102 : vector<1x16xf32> to vector<16xf32>
            %swap3A_104 = vector.shape_cast %mul3A_99 : vector<16xf32> to vector<1x16xf32>
            tpu.vector_store %arg12[%swap3A_100, %swap3A_101], %swap3A_104 {strides = array<i32>} : memref<80x64xf32, #tpu.memory_space<vmem>>, vector<1x16xf32>,
            %slice3A_105 = vector.extract_strided_slice %get3A_58 {offsets = [1], sizes = [1], strides = [1]} : vector<16xf32> to vector<1xf32>
            %squeeze3A_106 = vector.extract %slice3A_105[0] : f32 from vector<1xf32>
            %mul3A_107 = arith.constant 16 : i32
            %mul3A_108 = arith.muli %scan3A_53, %mul3A_107 : i32
            %add3A_109 = arith.constant 1 : i32
            %add3A_110 = arith.addi %mul3A_108, %add3A_109 : i32
            %get3A_111 = arith.index_cast %add3A_110 : i32 to index
            %get3A_112 = arith.constant 0 : index
            %get3A_113 = tpu.vector_load %arg11[%get3A_111, %get3A_112] {strides = array<i32>} : memref<80x128xf32, #tpu.memory_space<vmem>>, vector<1x16xf32>,
            %get3A_114 = vector.shape_cast %get3A_113 : vector<1x16xf32> to vector<16xf32>
            %mul3A_115 = vector.broadcast %squeeze3A_106 : f32 to vector<16xf32>
            %mul3A_116 = arith.mulf %get3A_114, %mul3A_115 : vector<16xf32>
            %swap3A_117 = arith.index_cast %add3A_110 : i32 to index
            %swap3A_118 = arith.constant 0 : index
            %swap3A_119 = tpu.vector_load %arg12[%swap3A_117, %swap3A_118] {strides = array<i32>} : memref<80x64xf32, #tpu.memory_space<vmem>>, vector<1x16xf32>,
            %swap3A_120 = vector.shape_cast %swap3A_119 : vector<1x16xf32> to vector<16xf32>
            %swap3A_121 = vector.shape_cast %mul3A_116 : vector<16xf32> to vector<1x16xf32>
            tpu.vector_store %arg12[%swap3A_117, %swap3A_118], %swap3A_121 {strides = array<i32>} : memref<80x64xf32, #tpu.memory_space<vmem>>, vector<1x16xf32>,
            %get3A_122 = arith.index_cast %add3A_110 : i32 to index
            %get3A_123 = arith.constant 16 : index
            %get3A_124 = tpu.vector_load %arg11[%get3A_122, %get3A_123] {strides = array<i32>} : memref<80x128xf32, #tpu.memory_space<vmem>>, vector<1x16xf32>,
            %get3A_125 = vector.shape_cast %get3A_124 : vector<1x16xf32> to vector<16xf32>
            %mul3A_126 = vector.broadcast %squeeze3A_106 : f32 to vector<16xf32>
            %mul3A_127 = arith.mulf %get3A_125, %mul3A_126 : vector<16xf32>
            %swap3A_128 = arith.index_cast %add3A_110 : i32 to index
            %swap3A_129 = arith.constant 16 : index
            %swap3A_130 = tpu.vector_load %arg12[%swap3A_128, %swap3A_129] {strides = array<i32>} : memref<80x64xf32, #tpu.memory_space<vmem>>, vector<1x16xf32>,
            %swap3A_131 = vector.shape_cast %swap3A_130 : vector<1x16xf32> to vector<16xf32>
            %swap3A_132 = vector.shape_cast %mul3A_127 : vector<16xf32> to vector<1x16xf32>
            tpu.vector_store %arg12[%swap3A_128, %swap3A_129], %swap3A_132 {strides = array<i32>} : memref<80x64xf32, #tpu.memory_space<vmem>>, vector<1x16xf32>,
            %get3A_133 = arith.index_cast %add3A_110 : i32 to index
            %get3A_134 = arith.constant 32 : index
            %get3A_135 = tpu.vector_load %arg11[%get3A_133, %get3A_134] {strides = array<i32>} : memref<80x128xf32, #tpu.memory_space<vmem>>, vector<1x16xf32>,
            %get3A_136 = vector.shape_cast %get3A_135 : vector<1x16xf32> to vector<16xf32>
            %mul3A_137 = vector.broadcast %squeeze3A_106 : f32 to vector<16xf32>
            %mul3A_138 = arith.mulf %get3A_136, %mul3A_137 : vector<16xf32>
            %swap3A_139 = arith.index_cast %add3A_110 : i32 to index
            %swap3A_140 = arith.constant 32 : index
            %swap3A_141 = tpu.vector_load %arg12[%swap3A_139, %swap3A_140] {strides = array<i32>} : memref<80x64xf32, #tpu.memory_space<vmem>>, vector<1x16xf32>,
            %swap3A_142 = vector.shape_cast %swap3A_141 : vector<1x16xf32> to vector<16xf32>
            %swap3A_143 = vector.shape_cast %mul3A_138 : vector<16xf32> to vector<1x16xf32>
            tpu.vector_store %arg12[%swap3A_139, %swap3A_140], %swap3A_143 {strides = array<i32>} : memref<80x64xf32, #tpu.memory_space<vmem>>, vector<1x16xf32>,
            %get3A_144 = arith.index_cast %add3A_110 : i32 to index
            %get3A_145 = arith.constant 48 : index
            %get3A_146 = tpu.vector_load %arg11[%get3A_144, %get3A_145] {strides = array<i32>} : memref<80x128xf32, #tpu.memory_space<vmem>>, vector<1x16xf32>,
            %get3A_147 = vector.shape_cast %get3A_146 : vector<1x16xf32> to vector<16xf32>
            %mul3A_148 = vector.broadcast %squeeze3A_106 : f32 to vector<16xf32>
            %mul3A_149 = arith.mulf %get3A_147, %mul3A_148 : vector<16xf32>
            %swap3A_150 = arith.index_cast %add3A_110 : i32 to index
            %swap3A_151 = arith.constant 48 : index
            %swap3A_152 = tpu.vector_load %arg12[%swap3A_150, %swap3A_151] {strides = array<i32>} : memref<80x64xf32, #tpu.memory_space<vmem>>, vector<1x16xf32>,
            %swap3A_153 = vector.shape_cast %swap3A_152 : vector<1x16xf32> to vector<16xf32>
            %swap3A_154 = vector.shape_cast %mul3A_149 : vector<16xf32> to vector<1x16xf32>
            tpu.vector_store %arg12[%swap3A_150, %swap3A_151], %swap3A_154 {strides = array<i32>} : memref<80x64xf32, #tpu.memory_space<vmem>>, vector<1x16xf32>,
            %slice3A_155 = vector.extract_strided_slice %get3A_58 {offsets = [2], sizes = [1], strides = [1]} : vector<16xf32> to vector<1xf32>
            %squeeze3A_156 = vector.extract %slice3A_155[0] : f32 from vector<1xf32>
            %mul3A_157 = arith.constant 16 : i32
            %mul3A_158 = arith.muli %scan3A_53, %mul3A_157 : i32
            %add3A_159 = arith.constant 2 : i32
            %add3A_160 = arith.addi %mul3A_158, %add3A_159 : i32
            %get3A_161 = arith.index_cast %add3A_160 : i32 to index
            %get3A_162 = arith.constant 0 : index
            %get3A_163 = tpu.vector_load %arg11[%get3A_161, %get3A_162] {strides = array<i32>} : memref<80x128xf32, #tpu.memory_space<vmem>>, vector<1x16xf32>,
            %get3A_164 = vector.shape_cast %get3A_163 : vector<1x16xf32> to vector<16xf32>
            %mul3A_165 = vector.broadcast %squeeze3A_156 : f32 to vector<16xf32>
            %mul3A_166 = arith.mulf %get3A_164, %mul3A_165 : vector<16xf32>
            %swap3A_167 = arith.index_cast %add3A_160 : i32 to index
            %swap3A_168 = arith.constant 0 : index
            %swap3A_169 = tpu.vector_load %arg12[%swap3A_167, %swap3A_168] {strides = array<i32>} : memref<80x64xf32, #tpu.memory_space<vmem>>, vector<1x16xf32>,
            %swap3A_170 = vector.shape_cast %swap3A_169 : vector<1x16xf32> to vector<16xf32>
            %swap3A_171 = vector.shape_cast %mul3A_166 : vector<16xf32> to vector<1x16xf32>
            tpu.vector_store %arg12[%swap3A_167, %swap3A_168], %swap3A_171 {strides = array<i32>} : memref<80x64xf32, #tpu.memory_space<vmem>>, vector<1x16xf32>,
            %get3A_172 = arith.index_cast %add3A_160 : i32 to index
            %get3A_173 = arith.constant 16 : index
            %get3A_174 = tpu.vector_load %arg11[%get3A_172, %get3A_173] {strides = array<i32>} : memref<80x128xf32, #tpu.memory_space<vmem>>, vector<1x16xf32>,
            %get3A_175 = vector.shape_cast %get3A_174 : vector<1x16xf32> to vector<16xf32>
            %mul3A_176 = vector.broadcast %squeeze3A_156 : f32 to vector<16xf32>
            %mul3A_177 = arith.mulf %get3A_175, %mul3A_176 : vector<16xf32>
            %swap3A_178 = arith.index_cast %add3A_160 : i32 to index
            %swap3A_179 = arith.constant 16 : index
            %swap3A_180 = tpu.vector_load %arg12[%swap3A_178, %swap3A_179] {strides = array<i32>} : memref<80x64xf32, #tpu.memory_space<vmem>>, vector<1x16xf32>,
            %swap3A_181 = vector.shape_cast %swap3A_180 : vector<1x16xf32> to vector<16xf32>
            %swap3A_182 = vector.shape_cast %mul3A_177 : vector<16xf32> to vector<1x16xf32>
            tpu.vector_store %arg12[%swap3A_178, %swap3A_179], %swap3A_182 {strides = array<i32>} : memref<80x64xf32, #tpu.memory_space<vmem>>, vector<1x16xf32>,
            %get3A_183 = arith.index_cast %add3A_160 : i32 to index
            %get3A_184 = arith.constant 32 : index
            %get3A_185 = tpu.vector_load %arg11[%get3A_183, %get3A_184] {strides = array<i32>} : memref<80x128xf32, #tpu.memory_space<vmem>>, vector<1x16xf32>,
            %get3A_186 = vector.shape_cast %get3A_185 : vector<1x16xf32> to vector<16xf32>
            %mul3A_187 = vector.broadcast %squeeze3A_156 : f32 to vector<16xf32>
            %mul3A_188 = arith.mulf %get3A_186, %mul3A_187 : vector<16xf32>
            %swap3A_189 = arith.index_cast %add3A_160 : i32 to index
            %swap3A_190 = arith.constant 32 : index
            %swap3A_191 = tpu.vector_load %arg12[%swap3A_189, %swap3A_190] {strides = array<i32>} : memref<80x64xf32, #tpu.memory_space<vmem>>, vector<1x16xf32>,
            %swap3A_192 = vector.shape_cast %swap3A_191 : vector<1x16xf32> to vector<16xf32>
            %swap3A_193 = vector.shape_cast %mul3A_188 : vector<16xf32> to vector<1x16xf32>
            tpu.vector_store %arg12[%swap3A_189, %swap3A_190], %swap3A_193 {strides = array<i32>} : memref<80x64xf32, #tpu.memory_space<vmem>>, vector<1x16xf32>,
            %get3A_194 = arith.index_cast %add3A_160 : i32 to index
            %get3A_195 = arith.constant 48 : index
            %get3A_196 = tpu.vector_load %arg11[%get3A_194, %get3A_195] {strides = array<i32>} : memref<80x128xf32, #tpu.memory_space<vmem>>, vector<1x16xf32>,
            %get3A_197 = vector.shape_cast %get3A_196 : vector<1x16xf32> to vector<16xf32>
            %mul3A_198 = vector.broadcast %squeeze3A_156 : f32 to vector<16xf32>
            %mul3A_199 = arith.mulf %get3A_197, %mul3A_198 : vector<16xf32>
            %swap3A_200 = arith.index_cast %add3A_160 : i32 to index
            %swap3A_201 = arith.constant 48 : index
            %swap3A_202 = tpu.vector_load %arg12[%swap3A_200, %swap3A_201] {strides = array<i32>} : memref<80x64xf32, #tpu.memory_space<vmem>>, vector<1x16xf32>,
            %swap3A_203 = vector.shape_cast %swap3A_202 : vector<1x16xf32> to vector<16xf32>
            %swap3A_204 = vector.shape_cast %mul3A_199 : vector<16xf32> to vector<1x16xf32>
            tpu.vector_store %arg12[%swap3A_200, %swap3A_201], %swap3A_204 {strides = array<i32>} : memref<80x64xf32, #tpu.memory_space<vmem>>, vector<1x16xf32>,
            %slice3A_205 = vector.extract_strided_slice %get3A_58 {offsets = [3], sizes = [1], strides = [1]} : vector<16xf32> to vector<1xf32>
            %squeeze3A_206 = vector.extract %slice3A_205[0] : f32 from vector<1xf32>
            %mul3A_207 = arith.constant 16 : i32
            %mul3A_208 = arith.muli %scan3A_53, %mul3A_207 : i32
            %add3A_209 = arith.constant 3 : i32
            %add3A_210 = arith.addi %mul3A_208, %add3A_209 : i32
            %get3A_211 = arith.index_cast %add3A_210 : i32 to index
            %get3A_212 = arith.constant 0 : index
            %get3A_213 = tpu.vector_load %arg11[%get3A_211, %get3A_212] {strides = array<i32>} : memref<80x128xf32, #tpu.memory_space<vmem>>, vector<1x16xf32>,
            %get3A_214 = vector.shape_cast %get3A_213 : vector<1x16xf32> to vector<16xf32>
            %mul3A_215 = vector.broadcast %squeeze3A_206 : f32 to vector<16xf32>
            %mul3A_216 = arith.mulf %get3A_214, %mul3A_215 : vector<16xf32>
            %swap3A_217 = arith.index_cast %add3A_210 : i32 to index
            %swap3A_218 = arith.constant 0 : index
            %swap3A_219 = tpu.vector_load %arg12[%swap3A_217, %swap3A_218] {strides = array<i32>} : memref<80x64xf32, #tpu.memory_space<vmem>>, vector<1x16xf32>,
            %swap3A_220 = vector.shape_cast %swap3A_219 : vector<1x16xf32> to vector<16xf32>
            %swap3A_221 = vector.shape_cast %mul3A_216 : vector<16xf32> to vector<1x16xf32>
            tpu.vector_store %arg12[%swap3A_217, %swap3A_218], %swap3A_221 {strides = array<i32>} : memref<80x64xf32, #tpu.memory_space<vmem>>, vector<1x16xf32>,
            %get3A_222 = arith.index_cast %add3A_210 : i32 to index
            %get3A_223 = arith.constant 16 : index
            %get3A_224 = tpu.vector_load %arg11[%get3A_222, %get3A_223] {strides = array<i32>} : memref<80x128xf32, #tpu.memory_space<vmem>>, vector<1x16xf32>,
            %get3A_225 = vector.shape_cast %get3A_224 : vector<1x16xf32> to vector<16xf32>
            %mul3A_226 = vector.broadcast %squeeze3A_206 : f32 to vector<16xf32>
            %mul3A_227 = arith.mulf %get3A_225, %mul3A_226 : vector<16xf32>
            %swap3A_228 = arith.index_cast %add3A_210 : i32 to index
            %swap3A_229 = arith.constant 16 : index
            %swap3A_230 = tpu.vector_load %arg12[%swap3A_228, %swap3A_229] {strides = array<i32>} : memref<80x64xf32, #tpu.memory_space<vmem>>, vector<1x16xf32>,
            %swap3A_231 = vector.shape_cast %swap3A_230 : vector<1x16xf32> to vector<16xf32>
            %swap3A_232 = vector.shape_cast %mul3A_227 : vector<16xf32> to vector<1x16xf32>
            tpu.vector_store %arg12[%swap3A_228, %swap3A_229], %swap3A_232 {strides = array<i32>} : memref<80x64xf32, #tpu.memory_space<vmem>>, vector<1x16xf32>,
            %get3A_233 = arith.index_cast %add3A_210 : i32 to index
            %get3A_234 = arith.constant 32 : index
            %get3A_235 = tpu.vector_load %arg11[%get3A_233, %get3A_234] {strides = array<i32>} : memref<80x128xf32, #tpu.memory_space<vmem>>, vector<1x16xf32>,
            %get3A_236 = vector.shape_cast %get3A_235 : vector<1x16xf32> to vector<16xf32>
            %mul3A_237 = vector.broadcast %squeeze3A_206 : f32 to vector<16xf32>
            %mul3A_238 = arith.mulf %get3A_236, %mul3A_237 : vector<16xf32>
            %swap3A_239 = arith.index_cast %add3A_210 : i32 to index
            %swap3A_240 = arith.constant 32 : index
            %swap3A_241 = tpu.vector_load %arg12[%swap3A_239, %swap3A_240] {strides = array<i32>} : memref<80x64xf32, #tpu.memory_space<vmem>>, vector<1x16xf32>,
            %swap3A_242 = vector.shape_cast %swap3A_241 : vector<1x16xf32> to vector<16xf32>
            %swap3A_243 = vector.shape_cast %mul3A_238 : vector<16xf32> to vector<1x16xf32>
            tpu.vector_store %arg12[%swap3A_239, %swap3A_240], %swap3A_243 {strides = array<i32>} : memref<80x64xf32, #tpu.memory_space<vmem>>, vector<1x16xf32>,
            %get3A_244 = arith.index_cast %add3A_210 : i32 to index
            %get3A_245 = arith.constant 48 : index
            %get3A_246 = tpu.vector_load %arg11[%get3A_244, %get3A_245] {strides = array<i32>} : memref<80x128xf32, #tpu.memory_space<vmem>>, vector<1x16xf32>,
            %get3A_247 = vector.shape_cast %get3A_246 : vector<1x16xf32> to vector<16xf32>
            %mul3A_248 = vector.broadcast %squeeze3A_206 : f32 to vector<16xf32>
            %mul3A_249 = arith.mulf %get3A_247, %mul3A_248 : vector<16xf32>
            %swap3A_250 = arith.index_cast %add3A_210 : i32 to index
            %swap3A_251 = arith.constant 48 : index
            %swap3A_252 = tpu.vector_load %arg12[%swap3A_250, %swap3A_251] {strides = array<i32>} : memref<80x64xf32, #tpu.memory_space<vmem>>, vector<1x16xf32>,
            %swap3A_253 = vector.shape_cast %swap3A_252 : vector<1x16xf32> to vector<16xf32>
            %swap3A_254 = vector.shape_cast %mul3A_249 : vector<16xf32> to vector<1x16xf32>
            tpu.vector_store %arg12[%swap3A_250, %swap3A_251], %swap3A_254 {strides = array<i32>} : memref<80x64xf32, #tpu.memory_space<vmem>>, vector<1x16xf32>,
            %slice3A_255 = vector.extract_strided_slice %get3A_58 {offsets = [4], sizes = [1], strides = [1]} : vector<16xf32> to vector<1xf32>
            %squeeze3A_256 = vector.extract %slice3A_255[0] : f32 from vector<1xf32>
            %mul3A_257 = arith.constant 16 : i32
            %mul3A_258 = arith.muli %scan3A_53, %mul3A_257 : i32
            %add3A_259 = arith.constant 4 : i32
            %add3A_260 = arith.addi %mul3A_258, %add3A_259 : i32
            %get3A_261 = arith.index_cast %add3A_260 : i32 to index
            %get3A_262 = arith.constant 0 : index
            %get3A_263 = tpu.vector_load %arg11[%get3A_261, %get3A_262] {strides = array<i32>} : memref<80x128xf32, #tpu.memory_space<vmem>>, vector<1x16xf32>,
            %get3A_264 = vector.shape_cast %get3A_263 : vector<1x16xf32> to vector<16xf32>
            %mul3A_265 = vector.broadcast %squeeze3A_256 : f32 to vector<16xf32>
            %mul3A_266 = arith.mulf %get3A_264, %mul3A_265 : vector<16xf32>
            %swap3A_267 = arith.index_cast %add3A_260 : i32 to index
            %swap3A_268 = arith.constant 0 : index
            %swap3A_269 = tpu.vector_load %arg12[%swap3A_267, %swap3A_268] {strides = array<i32>} : memref<80x64xf32, #tpu.memory_space<vmem>>, vector<1x16xf32>,
            %swap3A_270 = vector.shape_cast %swap3A_269 : vector<1x16xf32> to vector<16xf32>
            %swap3A_271 = vector.shape_cast %mul3A_266 : vector<16xf32> to vector<1x16xf32>
            tpu.vector_store %arg12[%swap3A_267, %swap3A_268], %swap3A_271 {strides = array<i32>} : memref<80x64xf32, #tpu.memory_space<vmem>>, vector<1x16xf32>,
            %get3A_272 = arith.index_cast %add3A_260 : i32 to index
            %get3A_273 = arith.constant 16 : index
            %get3A_274 = tpu.vector_load %arg11[%get3A_272, %get3A_273] {strides = array<i32>} : memref<80x128xf32, #tpu.memory_space<vmem>>, vector<1x16xf32>,
            %get3A_275 = vector.shape_cast %get3A_274 : vector<1x16xf32> to vector<16xf32>
            %mul3A_276 = vector.broadcast %squeeze3A_256 : f32 to vector<16xf32>
            %mul3A_277 = arith.mulf %get3A_275, %mul3A_276 : vector<16xf32>
            %swap3A_278 = arith.index_cast %add3A_260 : i32 to index
            %swap3A_279 = arith.constant 16 : index
            %swap3A_280 = tpu.vector_load %arg12[%swap3A_278, %swap3A_279] {strides = array<i32>} : memref<80x64xf32, #tpu.memory_space<vmem>>, vector<1x16xf32>,
            %swap3A_281 = vector.shape_cast %swap3A_280 : vector<1x16xf32> to vector<16xf32>
            %swap3A_282 = vector.shape_cast %mul3A_277 : vector<16xf32> to vector<1x16xf32>
            tpu.vector_store %arg12[%swap3A_278, %swap3A_279], %swap3A_282 {strides = array<i32>} : memref<80x64xf32, #tpu.memory_space<vmem>>, vector<1x16xf32>,
            %get3A_283 = arith.index_cast %add3A_260 : i32 to index
            %get3A_284 = arith.constant 32 : index
            %get3A_285 = tpu.vector_load %arg11[%get3A_283, %get3A_284] {strides = array<i32>} : memref<80x128xf32, #tpu.memory_space<vmem>>, vector<1x16xf32>,
            %get3A_286 = vector.shape_cast %get3A_285 : vector<1x16xf32> to vector<16xf32>
            %mul3A_287 = vector.broadcast %squeeze3A_256 : f32 to vector<16xf32>
            %mul3A_288 = arith.mulf %get3A_286, %mul3A_287 : vector<16xf32>
            %swap3A_289 = arith.index_cast %add3A_260 : i32 to index
            %swap3A_290 = arith.constant 32 : index
            %swap3A_291 = tpu.vector_load %arg12[%swap3A_289, %swap3A_290] {strides = array<i32>} : memref<80x64xf32, #tpu.memory_space<vmem>>, vector<1x16xf32>,
            %swap3A_292 = vector.shape_cast %swap3A_291 : vector<1x16xf32> to vector<16xf32>
            %swap3A_293 = vector.shape_cast %mul3A_288 : vector<16xf32> to vector<1x16xf32>
            tpu.vector_store %arg12[%swap3A_289, %swap3A_290], %swap3A_293 {strides = array<i32>} : memref<80x64xf32, #tpu.memory_space<vmem>>, vector<1x16xf32>,
            %get3A_294 = arith.index_cast %add3A_260 : i32 to index
            %get3A_295 = arith.constant 48 : index
            %get3A_296 = tpu.vector_load %arg11[%get3A_294, %get3A_295] {strides = array<i32>} : memref<80x128xf32, #tpu.memory_space<vmem>>, vector<1x16xf32>,
            %get3A_297 = vector.shape_cast %get3A_296 : vector<1x16xf32> to vector<16xf32>
            %mul3A_298 = vector.broadcast %squeeze3A_256 : f32 to vector<16xf32>
            %mul3A_299 = arith.mulf %get3A_297, %mul3A_298 : vector<16xf32>
            %swap3A_300 = arith.index_cast %add3A_260 : i32 to index
            %swap3A_301 = arith.constant 48 : index
            %swap3A_302 = tpu.vector_load %arg12[%swap3A_300, %swap3A_301] {strides = array<i32>} : memref<80x64xf32, #tpu.memory_space<vmem>>, vector<1x16xf32>,
            %swap3A_303 = vector.shape_cast %swap3A_302 : vector<1x16xf32> to vector<16xf32>
            %swap3A_304 = vector.shape_cast %mul3A_299 : vector<16xf32> to vector<1x16xf32>
            tpu.vector_store %arg12[%swap3A_300, %swap3A_301], %swap3A_304 {strides = array<i32>} : memref<80x64xf32, #tpu.memory_space<vmem>>, vector<1x16xf32>,
            %slice3A_305 = vector.extract_strided_slice %get3A_58 {offsets = [5], sizes = [1], strides = [1]} : vector<16xf32> to vector<1xf32>
            %squeeze3A_306 = vector.extract %slice3A_305[0] : f32 from vector<1xf32>
            %mul3A_307 = arith.constant 16 : i32
            %mul3A_308 = arith.muli %scan3A_53, %mul3A_307 : i32
            %add3A_309 = arith.constant 5 : i32
            %add3A_310 = arith.addi %mul3A_308, %add3A_309 : i32
            %get3A_311 = arith.index_cast %add3A_310 : i32 to index
            %get3A_312 = arith.constant 0 : index
            %get3A_313 = tpu.vector_load %arg11[%get3A_311, %get3A_312] {strides = array<i32>} : memref<80x128xf32, #tpu.memory_space<vmem>>, vector<1x16xf32>,
            %get3A_314 = vector.shape_cast %get3A_313 : vector<1x16xf32> to vector<16xf32>
            %mul3A_315 = vector.broadcast %squeeze3A_306 : f32 to vector<16xf32>
            %mul3A_316 = arith.mulf %get3A_314, %mul3A_315 : vector<16xf32>
            %swap3A_317 = arith.index_cast %add3A_310 : i32 to index
            %swap3A_318 = arith.constant 0 : index
            %swap3A_319 = tpu.vector_load %arg12[%swap3A_317, %swap3A_318] {strides = array<i32>} : memref<80x64xf32, #tpu.memory_space<vmem>>, vector<1x16xf32>,
            %swap3A_320 = vector.shape_cast %swap3A_319 : vector<1x16xf32> to vector<16xf32>
            %swap3A_321 = vector.shape_cast %mul3A_316 : vector<16xf32> to vector<1x16xf32>
            tpu.vector_store %arg12[%swap3A_317, %swap3A_318], %swap3A_321 {strides = array<i32>} : memref<80x64xf32, #tpu.memory_space<vmem>>, vector<1x16xf32>,
            %get3A_322 = arith.index_cast %add3A_310 : i32 to index
            %get3A_323 = arith.constant 16 : index
            %get3A_324 = tpu.vector_load %arg11[%get3A_322, %get3A_323] {strides = array<i32>} : memref<80x128xf32, #tpu.memory_space<vmem>>, vector<1x16xf32>,
            %get3A_325 = vector.shape_cast %get3A_324 : vector<1x16xf32> to vector<16xf32>
            %mul3A_326 = vector.broadcast %squeeze3A_306 : f32 to vector<16xf32>
            %mul3A_327 = arith.mulf %get3A_325, %mul3A_326 : vector<16xf32>
            %swap3A_328 = arith.index_cast %add3A_310 : i32 to index
            %swap3A_329 = arith.constant 16 : index
            %swap3A_330 = tpu.vector_load %arg12[%swap3A_328, %swap3A_329] {strides = array<i32>} : memref<80x64xf32, #tpu.memory_space<vmem>>, vector<1x16xf32>,
            %swap3A_331 = vector.shape_cast %swap3A_330 : vector<1x16xf32> to vector<16xf32>
            %swap3A_332 = vector.shape_cast %mul3A_327 : vector<16xf32> to vector<1x16xf32>
            tpu.vector_store %arg12[%swap3A_328, %swap3A_329], %swap3A_332 {strides = array<i32>} : memref<80x64xf32, #tpu.memory_space<vmem>>, vector<1x16xf32>,
            %get3A_333 = arith.index_cast %add3A_310 : i32 to index
            %get3A_334 = arith.constant 32 : index
            %get3A_335 = tpu.vector_load %arg11[%get3A_333, %get3A_334] {strides = array<i32>} : memref<80x128xf32, #tpu.memory_space<vmem>>, vector<1x16xf32>,
            %get3A_336 = vector.shape_cast %get3A_335 : vector<1x16xf32> to vector<16xf32>
            %mul3A_337 = vector.broadcast %squeeze3A_306 : f32 to vector<16xf32>
            %mul3A_338 = arith.mulf %get3A_336, %mul3A_337 : vector<16xf32>
            %swap3A_339 = arith.index_cast %add3A_310 : i32 to index
            %swap3A_340 = arith.constant 32 : index
            %swap3A_341 = tpu.vector_load %arg12[%swap3A_339, %swap3A_340] {strides = array<i32>} : memref<80x64xf32, #tpu.memory_space<vmem>>, vector<1x16xf32>,
            %swap3A_342 = vector.shape_cast %swap3A_341 : vector<1x16xf32> to vector<16xf32>
            %swap3A_343 = vector.shape_cast %mul3A_338 : vector<16xf32> to vector<1x16xf32>
            tpu.vector_store %arg12[%swap3A_339, %swap3A_340], %swap3A_343 {strides = array<i32>} : memref<80x64xf32, #tpu.memory_space<vmem>>, vector<1x16xf32>,
            %get3A_344 = arith.index_cast %add3A_310 : i32 to index
            %get3A_345 = arith.constant 48 : index
            %get3A_346 = tpu.vector_load %arg11[%get3A_344, %get3A_345] {strides = array<i32>} : memref<80x128xf32, #tpu.memory_space<vmem>>, vector<1x16xf32>,
            %get3A_347 = vector.shape_cast %get3A_346 : vector<1x16xf32> to vector<16xf32>
            %mul3A_348 = vector.broadcast %squeeze3A_306 : f32 to vector<16xf32>
            %mul3A_349 = arith.mulf %get3A_347, %mul3A_348 : vector<16xf32>
            %swap3A_350 = arith.index_cast %add3A_310 : i32 to index
            %swap3A_351 = arith.constant 48 : index
            %swap3A_352 = tpu.vector_load %arg12[%swap3A_350, %swap3A_351] {strides = array<i32>} : memref<80x64xf32, #tpu.memory_space<vmem>>, vector<1x16xf32>,
            %swap3A_353 = vector.shape_cast %swap3A_352 : vector<1x16xf32> to vector<16xf32>
            %swap3A_354 = vector.shape_cast %mul3A_349 : vector<16xf32> to vector<1x16xf32>
            tpu.vector_store %arg12[%swap3A_350, %swap3A_351], %swap3A_354 {strides = array<i32>} : memref<80x64xf32, #tpu.memory_space<vmem>>, vector<1x16xf32>,
            %slice3A_355 = vector.extract_strided_slice %get3A_58 {offsets = [6], sizes = [1], strides = [1]} : vector<16xf32> to vector<1xf32>
            %squeeze3A_356 = vector.extract %slice3A_355[0] : f32 from vector<1xf32>
            %mul3A_357 = arith.constant 16 : i32
            %mul3A_358 = arith.muli %scan3A_53, %mul3A_357 : i32
            %add3A_359 = arith.constant 6 : i32
            %add3A_360 = arith.addi %mul3A_358, %add3A_359 : i32
            %get3A_361 = arith.index_cast %add3A_360 : i32 to index
            %get3A_362 = arith.constant 0 : index
            %get3A_363 = tpu.vector_load %arg11[%get3A_361, %get3A_362] {strides = array<i32>} : memref<80x128xf32, #tpu.memory_space<vmem>>, vector<1x16xf32>,
            %get3A_364 = vector.shape_cast %get3A_363 : vector<1x16xf32> to vector<16xf32>
            %mul3A_365 = vector.broadcast %squeeze3A_356 : f32 to vector<16xf32>
            %mul3A_366 = arith.mulf %get3A_364, %mul3A_365 : vector<16xf32>
            %swap3A_367 = arith.index_cast %add3A_360 : i32 to index
            %swap3A_368 = arith.constant 0 : index
            %swap3A_369 = tpu.vector_load %arg12[%swap3A_367, %swap3A_368] {strides = array<i32>} : memref<80x64xf32, #tpu.memory_space<vmem>>, vector<1x16xf32>,
            %swap3A_370 = vector.shape_cast %swap3A_369 : vector<1x16xf32> to vector<16xf32>
            %swap3A_371 = vector.shape_cast %mul3A_366 : vector<16xf32> to vector<1x16xf32>
            tpu.vector_store %arg12[%swap3A_367, %swap3A_368], %swap3A_371 {strides = array<i32>} : memref<80x64xf32, #tpu.memory_space<vmem>>, vector<1x16xf32>,
            %get3A_372 = arith.index_cast %add3A_360 : i32 to index
            %get3A_373 = arith.constant 16 : index
            %get3A_374 = tpu.vector_load %arg11[%get3A_372, %get3A_373] {strides = array<i32>} : memref<80x128xf32, #tpu.memory_space<vmem>>, vector<1x16xf32>,
            %get3A_375 = vector.shape_cast %get3A_374 : vector<1x16xf32> to vector<16xf32>
            %mul3A_376 = vector.broadcast %squeeze3A_356 : f32 to vector<16xf32>
            %mul3A_377 = arith.mulf %get3A_375, %mul3A_376 : vector<16xf32>
            %swap3A_378 = arith.index_cast %add3A_360 : i32 to index
            %swap3A_379 = arith.constant 16 : index
            %swap3A_380 = tpu.vector_load %arg12[%swap3A_378, %swap3A_379] {strides = array<i32>} : memref<80x64xf32, #tpu.memory_space<vmem>>, vector<1x16xf32>,
            %swap3A_381 = vector.shape_cast %swap3A_380 : vector<1x16xf32> to vector<16xf32>
            %swap3A_382 = vector.shape_cast %mul3A_377 : vector<16xf32> to vector<1x16xf32>
            tpu.vector_store %arg12[%swap3A_378, %swap3A_379], %swap3A_382 {strides = array<i32>} : memref<80x64xf32, #tpu.memory_space<vmem>>, vector<1x16xf32>,
            %get3A_383 = arith.index_cast %add3A_360 : i32 to index
            %get3A_384 = arith.constant 32 : index
            %get3A_385 = tpu.vector_load %arg11[%get3A_383, %get3A_384] {strides = array<i32>} : memref<80x128xf32, #tpu.memory_space<vmem>>, vector<1x16xf32>,
            %get3A_386 = vector.shape_cast %get3A_385 : vector<1x16xf32> to vector<16xf32>
            %mul3A_387 = vector.broadcast %squeeze3A_356 : f32 to vector<16xf32>
            %mul3A_388 = arith.mulf %get3A_386, %mul3A_387 : vector<16xf32>
            %swap3A_389 = arith.index_cast %add3A_360 : i32 to index
            %swap3A_390 = arith.constant 32 : index
            %swap3A_391 = tpu.vector_load %arg12[%swap3A_389, %swap3A_390] {strides = array<i32>} : memref<80x64xf32, #tpu.memory_space<vmem>>, vector<1x16xf32>,
            %swap3A_392 = vector.shape_cast %swap3A_391 : vector<1x16xf32> to vector<16xf32>
            %swap3A_393 = vector.shape_cast %mul3A_388 : vector<16xf32> to vector<1x16xf32>
            tpu.vector_store %arg12[%swap3A_389, %swap3A_390], %swap3A_393 {strides = array<i32>} : memref<80x64xf32, #tpu.memory_space<vmem>>, vector<1x16xf32>,
            %get3A_394 = arith.index_cast %add3A_360 : i32 to index
            %get3A_395 = arith.constant 48 : index
            %get3A_396 = tpu.vector_load %arg11[%get3A_394, %get3A_395] {strides = array<i32>} : memref<80x128xf32, #tpu.memory_space<vmem>>, vector<1x16xf32>,
            %get3A_397 = vector.shape_cast %get3A_396 : vector<1x16xf32> to vector<16xf32>
            %mul3A_398 = vector.broadcast %squeeze3A_356 : f32 to vector<16xf32>
            %mul3A_399 = arith.mulf %get3A_397, %mul3A_398 : vector<16xf32>
            %swap3A_400 = arith.index_cast %add3A_360 : i32 to index
            %swap3A_401 = arith.constant 48 : index
            %swap3A_402 = tpu.vector_load %arg12[%swap3A_400, %swap3A_401] {strides = array<i32>} : memref<80x64xf32, #tpu.memory_space<vmem>>, vector<1x16xf32>,
            %swap3A_403 = vector.shape_cast %swap3A_402 : vector<1x16xf32> to vector<16xf32>
            %swap3A_404 = vector.shape_cast %mul3A_399 : vector<16xf32> to vector<1x16xf32>
            tpu.vector_store %arg12[%swap3A_400, %swap3A_401], %swap3A_404 {strides = array<i32>} : memref<80x64xf32, #tpu.memory_space<vmem>>, vector<1x16xf32>,
            %slice3A_405 = vector.extract_strided_slice %get3A_58 {offsets = [7], sizes = [1], strides = [1]} : vector<16xf32> to vector<1xf32>
            %squeeze3A_406 = vector.extract %slice3A_405[0] : f32 from vector<1xf32>
            %mul3A_407 = arith.constant 16 : i32
            %mul3A_408 = arith.muli %scan3A_53, %mul3A_407 : i32
            %add3A_409 = arith.constant 7 : i32
            %add3A_410 = arith.addi %mul3A_408, %add3A_409 : i32
            %get3A_411 = arith.index_cast %add3A_410 : i32 to index
            %get3A_412 = arith.constant 0 : index
            %get3A_413 = tpu.vector_load %arg11[%get3A_411, %get3A_412] {strides = array<i32>} : memref<80x128xf32, #tpu.memory_space<vmem>>, vector<1x16xf32>,
            %get3A_414 = vector.shape_cast %get3A_413 : vector<1x16xf32> to vector<16xf32>
            %mul3A_415 = vector.broadcast %squeeze3A_406 : f32 to vector<16xf32>
            %mul3A_416 = arith.mulf %get3A_414, %mul3A_415 : vector<16xf32>
            %swap3A_417 = arith.index_cast %add3A_410 : i32 to index
            %swap3A_418 = arith.constant 0 : index
            %swap3A_419 = tpu.vector_load %arg12[%swap3A_417, %swap3A_418] {strides = array<i32>} : memref<80x64xf32, #tpu.memory_space<vmem>>, vector<1x16xf32>,
            %swap3A_420 = vector.shape_cast %swap3A_419 : vector<1x16xf32> to vector<16xf32>
            %swap3A_421 = vector.shape_cast %mul3A_416 : vector<16xf32> to vector<1x16xf32>
            tpu.vector_store %arg12[%swap3A_417, %swap3A_418], %swap3A_421 {strides = array<i32>} : memref<80x64xf32, #tpu.memory_space<vmem>>, vector<1x16xf32>,
            %get3A_422 = arith.index_cast %add3A_410 : i32 to index
            %get3A_423 = arith.constant 16 : index
            %get3A_424 = tpu.vector_load %arg11[%get3A_422, %get3A_423] {strides = array<i32>} : memref<80x128xf32, #tpu.memory_space<vmem>>, vector<1x16xf32>,
            %get3A_425 = vector.shape_cast %get3A_424 : vector<1x16xf32> to vector<16xf32>
            %mul3A_426 = vector.broadcast %squeeze3A_406 : f32 to vector<16xf32>
            %mul3A_427 = arith.mulf %get3A_425, %mul3A_426 : vector<16xf32>
            %swap3A_428 = arith.index_cast %add3A_410 : i32 to index
            %swap3A_429 = arith.constant 16 : index
            %swap3A_430 = tpu.vector_load %arg12[%swap3A_428, %swap3A_429] {strides = array<i32>} : memref<80x64xf32, #tpu.memory_space<vmem>>, vector<1x16xf32>,
            %swap3A_431 = vector.shape_cast %swap3A_430 : vector<1x16xf32> to vector<16xf32>
            %swap3A_432 = vector.shape_cast %mul3A_427 : vector<16xf32> to vector<1x16xf32>
            tpu.vector_store %arg12[%swap3A_428, %swap3A_429], %swap3A_432 {strides = array<i32>} : memref<80x64xf32, #tpu.memory_space<vmem>>, vector<1x16xf32>,
            %get3A_433 = arith.index_cast %add3A_410 : i32 to index
            %get3A_434 = arith.constant 32 : index
            %get3A_435 = tpu.vector_load %arg11[%get3A_433, %get3A_434] {strides = array<i32>} : memref<80x128xf32, #tpu.memory_space<vmem>>, vector<1x16xf32>,
            %get3A_436 = vector.shape_cast %get3A_435 : vector<1x16xf32> to vector<16xf32>
            %mul3A_437 = vector.broadcast %squeeze3A_406 : f32 to vector<16xf32>
            %mul3A_438 = arith.mulf %get3A_436, %mul3A_437 : vector<16xf32>
            %swap3A_439 = arith.index_cast %add3A_410 : i32 to index
            %swap3A_440 = arith.constant 32 : index
            %swap3A_441 = tpu.vector_load %arg12[%swap3A_439, %swap3A_440] {strides = array<i32>} : memref<80x64xf32, #tpu.memory_space<vmem>>, vector<1x16xf32>,
            %swap3A_442 = vector.shape_cast %swap3A_441 : vector<1x16xf32> to vector<16xf32>
            %swap3A_443 = vector.shape_cast %mul3A_438 : vector<16xf32> to vector<1x16xf32>
            tpu.vector_store %arg12[%swap3A_439, %swap3A_440], %swap3A_443 {strides = array<i32>} : memref<80x64xf32, #tpu.memory_space<vmem>>, vector<1x16xf32>,
            %get3A_444 = arith.index_cast %add3A_410 : i32 to index
            %get3A_445 = arith.constant 48 : index
            %get3A_446 = tpu.vector_load %arg11[%get3A_444, %get3A_445] {strides = array<i32>} : memref<80x128xf32, #tpu.memory_space<vmem>>, vector<1x16xf32>,
            %get3A_447 = vector.shape_cast %get3A_446 : vector<1x16xf32> to vector<16xf32>
            %mul3A_448 = vector.broadcast %squeeze3A_406 : f32 to vector<16xf32>
            %mul3A_449 = arith.mulf %get3A_447, %mul3A_448 : vector<16xf32>
            %swap3A_450 = arith.index_cast %add3A_410 : i32 to index
            %swap3A_451 = arith.constant 48 : index
            %swap3A_452 = tpu.vector_load %arg12[%swap3A_450, %swap3A_451] {strides = array<i32>} : memref<80x64xf32, #tpu.memory_space<vmem>>, vector<1x16xf32>,
            %swap3A_453 = vector.shape_cast %swap3A_452 : vector<1x16xf32> to vector<16xf32>
            %swap3A_454 = vector.shape_cast %mul3A_449 : vector<16xf32> to vector<1x16xf32>
            tpu.vector_store %arg12[%swap3A_450, %swap3A_451], %swap3A_454 {strides = array<i32>} : memref<80x64xf32, #tpu.memory_space<vmem>>, vector<1x16xf32>,
            %slice3A_455 = vector.extract_strided_slice %get3A_58 {offsets = [8], sizes = [1], strides = [1]} : vector<16xf32> to vector<1xf32>
            %squeeze3A_456 = vector.extract %slice3A_455[0] : f32 from vector<1xf32>
            %mul3A_457 = arith.constant 16 : i32
            %mul3A_458 = arith.muli %scan3A_53, %mul3A_457 : i32
            %add3A_459 = arith.constant 8 : i32
            %add3A_460 = arith.addi %mul3A_458, %add3A_459 : i32
            %get3A_461 = arith.index_cast %add3A_460 : i32 to index
            %get3A_462 = arith.constant 0 : index
            %get3A_463 = tpu.vector_load %arg11[%get3A_461, %get3A_462] {strides = array<i32>} : memref<80x128xf32, #tpu.memory_space<vmem>>, vector<1x16xf32>,
            %get3A_464 = vector.shape_cast %get3A_463 : vector<1x16xf32> to vector<16xf32>
            %mul3A_465 = vector.broadcast %squeeze3A_456 : f32 to vector<16xf32>
            %mul3A_466 = arith.mulf %get3A_464, %mul3A_465 : vector<16xf32>
            %swap3A_467 = arith.index_cast %add3A_460 : i32 to index
            %swap3A_468 = arith.constant 0 : index
            %swap3A_469 = tpu.vector_load %arg12[%swap3A_467, %swap3A_468] {strides = array<i32>} : memref<80x64xf32, #tpu.memory_space<vmem>>, vector<1x16xf32>,
            %swap3A_470 = vector.shape_cast %swap3A_469 : vector<1x16xf32> to vector<16xf32>
            %swap3A_471 = vector.shape_cast %mul3A_466 : vector<16xf32> to vector<1x16xf32>
            tpu.vector_store %arg12[%swap3A_467, %swap3A_468], %swap3A_471 {strides = array<i32>} : memref<80x64xf32, #tpu.memory_space<vmem>>, vector<1x16xf32>,
            %get3A_472 = arith.index_cast %add3A_460 : i32 to index
            %get3A_473 = arith.constant 16 : index
            %get3A_474 = tpu.vector_load %arg11[%get3A_472, %get3A_473] {strides = array<i32>} : memref<80x128xf32, #tpu.memory_space<vmem>>, vector<1x16xf32>,
            %get3A_475 = vector.shape_cast %get3A_474 : vector<1x16xf32> to vector<16xf32>
            %mul3A_476 = vector.broadcast %squeeze3A_456 : f32 to vector<16xf32>
            %mul3A_477 = arith.mulf %get3A_475, %mul3A_476 : vector<16xf32>
            %swap3A_478 = arith.index_cast %add3A_460 : i32 to index
            %swap3A_479 = arith.constant 16 : index
            %swap3A_480 = tpu.vector_load %arg12[%swap3A_478, %swap3A_479] {strides = array<i32>} : memref<80x64xf32, #tpu.memory_space<vmem>>, vector<1x16xf32>,
            %swap3A_481 = vector.shape_cast %swap3A_480 : vector<1x16xf32> to vector<16xf32>
            %swap3A_482 = vector.shape_cast %mul3A_477 : vector<16xf32> to vector<1x16xf32>
            tpu.vector_store %arg12[%swap3A_478, %swap3A_479], %swap3A_482 {strides = array<i32>} : memref<80x64xf32, #tpu.memory_space<vmem>>, vector<1x16xf32>,
            %get3A_483 = arith.index_cast %add3A_460 : i32 to index
            %get3A_484 = arith.constant 32 : index
            %get3A_485 = tpu.vector_load %arg11[%get3A_483, %get3A_484] {strides = array<i32>} : memref<80x128xf32, #tpu.memory_space<vmem>>, vector<1x16xf32>,
            %get3A_486 = vector.shape_cast %get3A_485 : vector<1x16xf32> to vector<16xf32>
            %mul3A_487 = vector.broadcast %squeeze3A_456 : f32 to vector<16xf32>
            %mul3A_488 = arith.mulf %get3A_486, %mul3A_487 : vector<16xf32>
            %swap3A_489 = arith.index_cast %add3A_460 : i32 to index
            %swap3A_490 = arith.constant 32 : index
            %swap3A_491 = tpu.vector_load %arg12[%swap3A_489, %swap3A_490] {strides = array<i32>} : memref<80x64xf32, #tpu.memory_space<vmem>>, vector<1x16xf32>,
            %swap3A_492 = vector.shape_cast %swap3A_491 : vector<1x16xf32> to vector<16xf32>
            %swap3A_493 = vector.shape_cast %mul3A_488 : vector<16xf32> to vector<1x16xf32>
            tpu.vector_store %arg12[%swap3A_489, %swap3A_490], %swap3A_493 {strides = array<i32>} : memref<80x64xf32, #tpu.memory_space<vmem>>, vector<1x16xf32>,
            %get3A_494 = arith.index_cast %add3A_460 : i32 to index
            %get3A_495 = arith.constant 48 : index
            %get3A_496 = tpu.vector_load %arg11[%get3A_494, %get3A_495] {strides = array<i32>} : memref<80x128xf32, #tpu.memory_space<vmem>>, vector<1x16xf32>,
            %get3A_497 = vector.shape_cast %get3A_496 : vector<1x16xf32> to vector<16xf32>
            %mul3A_498 = vector.broadcast %squeeze3A_456 : f32 to vector<16xf32>
            %mul3A_499 = arith.mulf %get3A_497, %mul3A_498 : vector<16xf32>
            %swap3A_500 = arith.index_cast %add3A_460 : i32 to index
            %swap3A_501 = arith.constant 48 : index
            %swap3A_502 = tpu.vector_load %arg12[%swap3A_500, %swap3A_501] {strides = array<i32>} : memref<80x64xf32, #tpu.memory_space<vmem>>, vector<1x16xf32>,
            %swap3A_503 = vector.shape_cast %swap3A_502 : vector<1x16xf32> to vector<16xf32>
            %swap3A_504 = vector.shape_cast %mul3A_499 : vector<16xf32> to vector<1x16xf32>
            tpu.vector_store %arg12[%swap3A_500, %swap3A_501], %swap3A_504 {strides = array<i32>} : memref<80x64xf32, #tpu.memory_space<vmem>>, vector<1x16xf32>,
            %slice3A_505 = vector.extract_strided_slice %get3A_58 {offsets = [9], sizes = [1], strides = [1]} : vector<16xf32> to vector<1xf32>
            %squeeze3A_506 = vector.extract %slice3A_505[0] : f32 from vector<1xf32>
            %mul3A_507 = arith.constant 16 : i32
            %mul3A_508 = arith.muli %scan3A_53, %mul3A_507 : i32
            %add3A_509 = arith.constant 9 : i32
            %add3A_510 = arith.addi %mul3A_508, %add3A_509 : i32
            %get3A_511 = arith.index_cast %add3A_510 : i32 to index
            %get3A_512 = arith.constant 0 : index
            %get3A_513 = tpu.vector_load %arg11[%get3A_511, %get3A_512] {strides = array<i32>} : memref<80x128xf32, #tpu.memory_space<vmem>>, vector<1x16xf32>,
            %get3A_514 = vector.shape_cast %get3A_513 : vector<1x16xf32> to vector<16xf32>
            %mul3A_515 = vector.broadcast %squeeze3A_506 : f32 to vector<16xf32>
            %mul3A_516 = arith.mulf %get3A_514, %mul3A_515 : vector<16xf32>
            %swap3A_517 = arith.index_cast %add3A_510 : i32 to index
            %swap3A_518 = arith.constant 0 : index
            %swap3A_519 = tpu.vector_load %arg12[%swap3A_517, %swap3A_518] {strides = array<i32>} : memref<80x64xf32, #tpu.memory_space<vmem>>, vector<1x16xf32>,
            %swap3A_520 = vector.shape_cast %swap3A_519 : vector<1x16xf32> to vector<16xf32>
            %swap3A_521 = vector.shape_cast %mul3A_516 : vector<16xf32> to vector<1x16xf32>
            tpu.vector_store %arg12[%swap3A_517, %swap3A_518], %swap3A_521 {strides = array<i32>} : memref<80x64xf32, #tpu.memory_space<vmem>>, vector<1x16xf32>,
            %get3A_522 = arith.index_cast %add3A_510 : i32 to index
            %get3A_523 = arith.constant 16 : index
            %get3A_524 = tpu.vector_load %arg11[%get3A_522, %get3A_523] {strides = array<i32>} : memref<80x128xf32, #tpu.memory_space<vmem>>, vector<1x16xf32>,
            %get3A_525 = vector.shape_cast %get3A_524 : vector<1x16xf32> to vector<16xf32>
            %mul3A_526 = vector.broadcast %squeeze3A_506 : f32 to vector<16xf32>
            %mul3A_527 = arith.mulf %get3A_525, %mul3A_526 : vector<16xf32>
            %swap3A_528 = arith.index_cast %add3A_510 : i32 to index
            %swap3A_529 = arith.constant 16 : index
            %swap3A_530 = tpu.vector_load %arg12[%swap3A_528, %swap3A_529] {strides = array<i32>} : memref<80x64xf32, #tpu.memory_space<vmem>>, vector<1x16xf32>,
            %swap3A_531 = vector.shape_cast %swap3A_530 : vector<1x16xf32> to vector<16xf32>
            %swap3A_532 = vector.shape_cast %mul3A_527 : vector<16xf32> to vector<1x16xf32>
            tpu.vector_store %arg12[%swap3A_528, %swap3A_529], %swap3A_532 {strides = array<i32>} : memref<80x64xf32, #tpu.memory_space<vmem>>, vector<1x16xf32>,
            %get3A_533 = arith.index_cast %add3A_510 : i32 to index
            %get3A_534 = arith.constant 32 : index
            %get3A_535 = tpu.vector_load %arg11[%get3A_533, %get3A_534] {strides = array<i32>} : memref<80x128xf32, #tpu.memory_space<vmem>>, vector<1x16xf32>,
            %get3A_536 = vector.shape_cast %get3A_535 : vector<1x16xf32> to vector<16xf32>
            %mul3A_537 = vector.broadcast %squeeze3A_506 : f32 to vector<16xf32>
            %mul3A_538 = arith.mulf %get3A_536, %mul3A_537 : vector<16xf32>
            %swap3A_539 = arith.index_cast %add3A_510 : i32 to index
            %swap3A_540 = arith.constant 32 : index
            %swap3A_541 = tpu.vector_load %arg12[%swap3A_539, %swap3A_540] {strides = array<i32>} : memref<80x64xf32, #tpu.memory_space<vmem>>, vector<1x16xf32>,
            %swap3A_542 = vector.shape_cast %swap3A_541 : vector<1x16xf32> to vector<16xf32>
            %swap3A_543 = vector.shape_cast %mul3A_538 : vector<16xf32> to vector<1x16xf32>
            tpu.vector_store %arg12[%swap3A_539, %swap3A_540], %swap3A_543 {strides = array<i32>} : memref<80x64xf32, #tpu.memory_space<vmem>>, vector<1x16xf32>,
            %get3A_544 = arith.index_cast %add3A_510 : i32 to index
            %get3A_545 = arith.constant 48 : index
            %get3A_546 = tpu.vector_load %arg11[%get3A_544, %get3A_545] {strides = array<i32>} : memref<80x128xf32, #tpu.memory_space<vmem>>, vector<1x16xf32>,
            %get3A_547 = vector.shape_cast %get3A_546 : vector<1x16xf32> to vector<16xf32>
            %mul3A_548 = vector.broadcast %squeeze3A_506 : f32 to vector<16xf32>
            %mul3A_549 = arith.mulf %get3A_547, %mul3A_548 : vector<16xf32>
            %swap3A_550 = arith.index_cast %add3A_510 : i32 to index
            %swap3A_551 = arith.constant 48 : index
            %swap3A_552 = tpu.vector_load %arg12[%swap3A_550, %swap3A_551] {strides = array<i32>} : memref<80x64xf32, #tpu.memory_space<vmem>>, vector<1x16xf32>,
            %swap3A_553 = vector.shape_cast %swap3A_552 : vector<1x16xf32> to vector<16xf32>
            %swap3A_554 = vector.shape_cast %mul3A_549 : vector<16xf32> to vector<1x16xf32>
            tpu.vector_store %arg12[%swap3A_550, %swap3A_551], %swap3A_554 {strides = array<i32>} : memref<80x64xf32, #tpu.memory_space<vmem>>, vector<1x16xf32>,
            %slice3A_555 = vector.extract_strided_slice %get3A_58 {offsets = [10], sizes = [1], strides = [1]} : vector<16xf32> to vector<1xf32>
            %squeeze3A_556 = vector.extract %slice3A_555[0] : f32 from vector<1xf32>
            %mul3A_557 = arith.constant 16 : i32
            %mul3A_558 = arith.muli %scan3A_53, %mul3A_557 : i32
            %add3A_559 = arith.constant 10 : i32
            %add3A_560 = arith.addi %mul3A_558, %add3A_559 : i32
            %get3A_561 = arith.index_cast %add3A_560 : i32 to index
            %get3A_562 = arith.constant 0 : index
            %get3A_563 = tpu.vector_load %arg11[%get3A_561, %get3A_562] {strides = array<i32>} : memref<80x128xf32, #tpu.memory_space<vmem>>, vector<1x16xf32>,
            %get3A_564 = vector.shape_cast %get3A_563 : vector<1x16xf32> to vector<16xf32>
            %mul3A_565 = vector.broadcast %squeeze3A_556 : f32 to vector<16xf32>
            %mul3A_566 = arith.mulf %get3A_564, %mul3A_565 : vector<16xf32>
            %swap3A_567 = arith.index_cast %add3A_560 : i32 to index
            %swap3A_568 = arith.constant 0 : index
            %swap3A_569 = tpu.vector_load %arg12[%swap3A_567, %swap3A_568] {strides = array<i32>} : memref<80x64xf32, #tpu.memory_space<vmem>>, vector<1x16xf32>,
            %swap3A_570 = vector.shape_cast %swap3A_569 : vector<1x16xf32> to vector<16xf32>
            %swap3A_571 = vector.shape_cast %mul3A_566 : vector<16xf32> to vector<1x16xf32>
            tpu.vector_store %arg12[%swap3A_567, %swap3A_568], %swap3A_571 {strides = array<i32>} : memref<80x64xf32, #tpu.memory_space<vmem>>, vector<1x16xf32>,
            %get3A_572 = arith.index_cast %add3A_560 : i32 to index
            %get3A_573 = arith.constant 16 : index
            %get3A_574 = tpu.vector_load %arg11[%get3A_572, %get3A_573] {strides = array<i32>} : memref<80x128xf32, #tpu.memory_space<vmem>>, vector<1x16xf32>,
            %get3A_575 = vector.shape_cast %get3A_574 : vector<1x16xf32> to vector<16xf32>
            %mul3A_576 = vector.broadcast %squeeze3A_556 : f32 to vector<16xf32>
            %mul3A_577 = arith.mulf %get3A_575, %mul3A_576 : vector<16xf32>
            %swap3A_578 = arith.index_cast %add3A_560 : i32 to index
            %swap3A_579 = arith.constant 16 : index
            %swap3A_580 = tpu.vector_load %arg12[%swap3A_578, %swap3A_579] {strides = array<i32>} : memref<80x64xf32, #tpu.memory_space<vmem>>, vector<1x16xf32>,
            %swap3A_581 = vector.shape_cast %swap3A_580 : vector<1x16xf32> to vector<16xf32>
            %swap3A_582 = vector.shape_cast %mul3A_577 : vector<16xf32> to vector<1x16xf32>
            tpu.vector_store %arg12[%swap3A_578, %swap3A_579], %swap3A_582 {strides = array<i32>} : memref<80x64xf32, #tpu.memory_space<vmem>>, vector<1x16xf32>,
            %get3A_583 = arith.index_cast %add3A_560 : i32 to index
            %get3A_584 = arith.constant 32 : index
            %get3A_585 = tpu.vector_load %arg11[%get3A_583, %get3A_584] {strides = array<i32>} : memref<80x128xf32, #tpu.memory_space<vmem>>, vector<1x16xf32>,
            %get3A_586 = vector.shape_cast %get3A_585 : vector<1x16xf32> to vector<16xf32>
            %mul3A_587 = vector.broadcast %squeeze3A_556 : f32 to vector<16xf32>
            %mul3A_588 = arith.mulf %get3A_586, %mul3A_587 : vector<16xf32>
            %swap3A_589 = arith.index_cast %add3A_560 : i32 to index
            %swap3A_590 = arith.constant 32 : index
            %swap3A_591 = tpu.vector_load %arg12[%swap3A_589, %swap3A_590] {strides = array<i32>} : memref<80x64xf32, #tpu.memory_space<vmem>>, vector<1x16xf32>,
            %swap3A_592 = vector.shape_cast %swap3A_591 : vector<1x16xf32> to vector<16xf32>
            %swap3A_593 = vector.shape_cast %mul3A_588 : vector<16xf32> to vector<1x16xf32>
            tpu.vector_store %arg12[%swap3A_589, %swap3A_590], %swap3A_593 {strides = array<i32>} : memref<80x64xf32, #tpu.memory_space<vmem>>, vector<1x16xf32>,
            %get3A_594 = arith.index_cast %add3A_560 : i32 to index
            %get3A_595 = arith.constant 48 : index
            %get3A_596 = tpu.vector_load %arg11[%get3A_594, %get3A_595] {strides = array<i32>} : memref<80x128xf32, #tpu.memory_space<vmem>>, vector<1x16xf32>,
            %get3A_597 = vector.shape_cast %get3A_596 : vector<1x16xf32> to vector<16xf32>
            %mul3A_598 = vector.broadcast %squeeze3A_556 : f32 to vector<16xf32>
            %mul3A_599 = arith.mulf %get3A_597, %mul3A_598 : vector<16xf32>
            %swap3A_600 = arith.index_cast %add3A_560 : i32 to index
            %swap3A_601 = arith.constant 48 : index
            %swap3A_602 = tpu.vector_load %arg12[%swap3A_600, %swap3A_601] {strides = array<i32>} : memref<80x64xf32, #tpu.memory_space<vmem>>, vector<1x16xf32>,
            %swap3A_603 = vector.shape_cast %swap3A_602 : vector<1x16xf32> to vector<16xf32>
            %swap3A_604 = vector.shape_cast %mul3A_599 : vector<16xf32> to vector<1x16xf32>
            tpu.vector_store %arg12[%swap3A_600, %swap3A_601], %swap3A_604 {strides = array<i32>} : memref<80x64xf32, #tpu.memory_space<vmem>>, vector<1x16xf32>,
            %slice3A_605 = vector.extract_strided_slice %get3A_58 {offsets = [11], sizes = [1], strides = [1]} : vector<16xf32> to vector<1xf32>
            %squeeze3A_606 = vector.extract %slice3A_605[0] : f32 from vector<1xf32>
            %mul3A_607 = arith.constant 16 : i32
            %mul3A_608 = arith.muli %scan3A_53, %mul3A_607 : i32
            %add3A_609 = arith.constant 11 : i32
            %add3A_610 = arith.addi %mul3A_608, %add3A_609 : i32
            %get3A_611 = arith.index_cast %add3A_610 : i32 to index
            %get3A_612 = arith.constant 0 : index
            %get3A_613 = tpu.vector_load %arg11[%get3A_611, %get3A_612] {strides = array<i32>} : memref<80x128xf32, #tpu.memory_space<vmem>>, vector<1x16xf32>,
            %get3A_614 = vector.shape_cast %get3A_613 : vector<1x16xf32> to vector<16xf32>
            %mul3A_615 = vector.broadcast %squeeze3A_606 : f32 to vector<16xf32>
            %mul3A_616 = arith.mulf %get3A_614, %mul3A_615 : vector<16xf32>
            %swap3A_617 = arith.index_cast %add3A_610 : i32 to index
            %swap3A_618 = arith.constant 0 : index
            %swap3A_619 = tpu.vector_load %arg12[%swap3A_617, %swap3A_618] {strides = array<i32>} : memref<80x64xf32, #tpu.memory_space<vmem>>, vector<1x16xf32>,
            %swap3A_620 = vector.shape_cast %swap3A_619 : vector<1x16xf32> to vector<16xf32>
            %swap3A_621 = vector.shape_cast %mul3A_616 : vector<16xf32> to vector<1x16xf32>
            tpu.vector_store %arg12[%swap3A_617, %swap3A_618], %swap3A_621 {strides = array<i32>} : memref<80x64xf32, #tpu.memory_space<vmem>>, vector<1x16xf32>,
            %get3A_622 = arith.index_cast %add3A_610 : i32 to index
            %get3A_623 = arith.constant 16 : index
            %get3A_624 = tpu.vector_load %arg11[%get3A_622, %get3A_623] {strides = array<i32>} : memref<80x128xf32, #tpu.memory_space<vmem>>, vector<1x16xf32>,
            %get3A_625 = vector.shape_cast %get3A_624 : vector<1x16xf32> to vector<16xf32>
            %mul3A_626 = vector.broadcast %squeeze3A_606 : f32 to vector<16xf32>
            %mul3A_627 = arith.mulf %get3A_625, %mul3A_626 : vector<16xf32>
            %swap3A_628 = arith.index_cast %add3A_610 : i32 to index
            %swap3A_629 = arith.constant 16 : index
            %swap3A_630 = tpu.vector_load %arg12[%swap3A_628, %swap3A_629] {strides = array<i32>} : memref<80x64xf32, #tpu.memory_space<vmem>>, vector<1x16xf32>,
            %swap3A_631 = vector.shape_cast %swap3A_630 : vector<1x16xf32> to vector<16xf32>
            %swap3A_632 = vector.shape_cast %mul3A_627 : vector<16xf32> to vector<1x16xf32>
            tpu.vector_store %arg12[%swap3A_628, %swap3A_629], %swap3A_632 {strides = array<i32>} : memref<80x64xf32, #tpu.memory_space<vmem>>, vector<1x16xf32>,
            %get3A_633 = arith.index_cast %add3A_610 : i32 to index
            %get3A_634 = arith.constant 32 : index
            %get3A_635 = tpu.vector_load %arg11[%get3A_633, %get3A_634] {strides = array<i32>} : memref<80x128xf32, #tpu.memory_space<vmem>>, vector<1x16xf32>,
            %get3A_636 = vector.shape_cast %get3A_635 : vector<1x16xf32> to vector<16xf32>
            %mul3A_637 = vector.broadcast %squeeze3A_606 : f32 to vector<16xf32>
            %mul3A_638 = arith.mulf %get3A_636, %mul3A_637 : vector<16xf32>
            %swap3A_639 = arith.index_cast %add3A_610 : i32 to index
            %swap3A_640 = arith.constant 32 : index
            %swap3A_641 = tpu.vector_load %arg12[%swap3A_639, %swap3A_640] {strides = array<i32>} : memref<80x64xf32, #tpu.memory_space<vmem>>, vector<1x16xf32>,
            %swap3A_642 = vector.shape_cast %swap3A_641 : vector<1x16xf32> to vector<16xf32>
            %swap3A_643 = vector.shape_cast %mul3A_638 : vector<16xf32> to vector<1x16xf32>
            tpu.vector_store %arg12[%swap3A_639, %swap3A_640], %swap3A_643 {strides = array<i32>} : memref<80x64xf32, #tpu.memory_space<vmem>>, vector<1x16xf32>,
            %get3A_644 = arith.index_cast %add3A_610 : i32 to index
            %get3A_645 = arith.constant 48 : index
            %get3A_646 = tpu.vector_load %arg11[%get3A_644, %get3A_645] {strides = array<i32>} : memref<80x128xf32, #tpu.memory_space<vmem>>, vector<1x16xf32>,
            %get3A_647 = vector.shape_cast %get3A_646 : vector<1x16xf32> to vector<16xf32>
            %mul3A_648 = vector.broadcast %squeeze3A_606 : f32 to vector<16xf32>
            %mul3A_649 = arith.mulf %get3A_647, %mul3A_648 : vector<16xf32>
            %swap3A_650 = arith.index_cast %add3A_610 : i32 to index
            %swap3A_651 = arith.constant 48 : index
            %swap3A_652 = tpu.vector_load %arg12[%swap3A_650, %swap3A_651] {strides = array<i32>} : memref<80x64xf32, #tpu.memory_space<vmem>>, vector<1x16xf32>,
            %swap3A_653 = vector.shape_cast %swap3A_652 : vector<1x16xf32> to vector<16xf32>
            %swap3A_654 = vector.shape_cast %mul3A_649 : vector<16xf32> to vector<1x16xf32>
            tpu.vector_store %arg12[%swap3A_650, %swap3A_651], %swap3A_654 {strides = array<i32>} : memref<80x64xf32, #tpu.memory_space<vmem>>, vector<1x16xf32>,
            %slice3A_655 = vector.extract_strided_slice %get3A_58 {offsets = [12], sizes = [1], strides = [1]} : vector<16xf32> to vector<1xf32>
            %squeeze3A_656 = vector.extract %slice3A_655[0] : f32 from vector<1xf32>
            %mul3A_657 = arith.constant 16 : i32
            %mul3A_658 = arith.muli %scan3A_53, %mul3A_657 : i32
            %add3A_659 = arith.constant 12 : i32
            %add3A_660 = arith.addi %mul3A_658, %add3A_659 : i32
            %get3A_661 = arith.index_cast %add3A_660 : i32 to index
            %get3A_662 = arith.constant 0 : index
            %get3A_663 = tpu.vector_load %arg11[%get3A_661, %get3A_662] {strides = array<i32>} : memref<80x128xf32, #tpu.memory_space<vmem>>, vector<1x16xf32>,
            %get3A_664 = vector.shape_cast %get3A_663 : vector<1x16xf32> to vector<16xf32>
            %mul3A_665 = vector.broadcast %squeeze3A_656 : f32 to vector<16xf32>
            %mul3A_666 = arith.mulf %get3A_664, %mul3A_665 : vector<16xf32>
            %swap3A_667 = arith.index_cast %add3A_660 : i32 to index
            %swap3A_668 = arith.constant 0 : index
            %swap3A_669 = tpu.vector_load %arg12[%swap3A_667, %swap3A_668] {strides = array<i32>} : memref<80x64xf32, #tpu.memory_space<vmem>>, vector<1x16xf32>,
            %swap3A_670 = vector.shape_cast %swap3A_669 : vector<1x16xf32> to vector<16xf32>
            %swap3A_671 = vector.shape_cast %mul3A_666 : vector<16xf32> to vector<1x16xf32>
            tpu.vector_store %arg12[%swap3A_667, %swap3A_668], %swap3A_671 {strides = array<i32>} : memref<80x64xf32, #tpu.memory_space<vmem>>, vector<1x16xf32>,
            %get3A_672 = arith.index_cast %add3A_660 : i32 to index
            %get3A_673 = arith.constant 16 : index
            %get3A_674 = tpu.vector_load %arg11[%get3A_672, %get3A_673] {strides = array<i32>} : memref<80x128xf32, #tpu.memory_space<vmem>>, vector<1x16xf32>,
            %get3A_675 = vector.shape_cast %get3A_674 : vector<1x16xf32> to vector<16xf32>
            %mul3A_676 = vector.broadcast %squeeze3A_656 : f32 to vector<16xf32>
            %mul3A_677 = arith.mulf %get3A_675, %mul3A_676 : vector<16xf32>
            %swap3A_678 = arith.index_cast %add3A_660 : i32 to index
            %swap3A_679 = arith.constant 16 : index
            %swap3A_680 = tpu.vector_load %arg12[%swap3A_678, %swap3A_679] {strides = array<i32>} : memref<80x64xf32, #tpu.memory_space<vmem>>, vector<1x16xf32>,
            %swap3A_681 = vector.shape_cast %swap3A_680 : vector<1x16xf32> to vector<16xf32>
            %swap3A_682 = vector.shape_cast %mul3A_677 : vector<16xf32> to vector<1x16xf32>
            tpu.vector_store %arg12[%swap3A_678, %swap3A_679], %swap3A_682 {strides = array<i32>} : memref<80x64xf32, #tpu.memory_space<vmem>>, vector<1x16xf32>,
            %get3A_683 = arith.index_cast %add3A_660 : i32 to index
            %get3A_684 = arith.constant 32 : index
            %get3A_685 = tpu.vector_load %arg11[%get3A_683, %get3A_684] {strides = array<i32>} : memref<80x128xf32, #tpu.memory_space<vmem>>, vector<1x16xf32>,
            %get3A_686 = vector.shape_cast %get3A_685 : vector<1x16xf32> to vector<16xf32>
            %mul3A_687 = vector.broadcast %squeeze3A_656 : f32 to vector<16xf32>
            %mul3A_688 = arith.mulf %get3A_686, %mul3A_687 : vector<16xf32>
            %swap3A_689 = arith.index_cast %add3A_660 : i32 to index
            %swap3A_690 = arith.constant 32 : index
            %swap3A_691 = tpu.vector_load %arg12[%swap3A_689, %swap3A_690] {strides = array<i32>} : memref<80x64xf32, #tpu.memory_space<vmem>>, vector<1x16xf32>,
            %swap3A_692 = vector.shape_cast %swap3A_691 : vector<1x16xf32> to vector<16xf32>
            %swap3A_693 = vector.shape_cast %mul3A_688 : vector<16xf32> to vector<1x16xf32>
            tpu.vector_store %arg12[%swap3A_689, %swap3A_690], %swap3A_693 {strides = array<i32>} : memref<80x64xf32, #tpu.memory_space<vmem>>, vector<1x16xf32>,
            %get3A_694 = arith.index_cast %add3A_660 : i32 to index
            %get3A_695 = arith.constant 48 : index
            %get3A_696 = tpu.vector_load %arg11[%get3A_694, %get3A_695] {strides = array<i32>} : memref<80x128xf32, #tpu.memory_space<vmem>>, vector<1x16xf32>,
            %get3A_697 = vector.shape_cast %get3A_696 : vector<1x16xf32> to vector<16xf32>
            %mul3A_698 = vector.broadcast %squeeze3A_656 : f32 to vector<16xf32>
            %mul3A_699 = arith.mulf %get3A_697, %mul3A_698 : vector<16xf32>
            %swap3A_700 = arith.index_cast %add3A_660 : i32 to index
            %swap3A_701 = arith.constant 48 : index
            %swap3A_702 = tpu.vector_load %arg12[%swap3A_700, %swap3A_701] {strides = array<i32>} : memref<80x64xf32, #tpu.memory_space<vmem>>, vector<1x16xf32>,
            %swap3A_703 = vector.shape_cast %swap3A_702 : vector<1x16xf32> to vector<16xf32>
            %swap3A_704 = vector.shape_cast %mul3A_699 : vector<16xf32> to vector<1x16xf32>
            tpu.vector_store %arg12[%swap3A_700, %swap3A_701], %swap3A_704 {strides = array<i32>} : memref<80x64xf32, #tpu.memory_space<vmem>>, vector<1x16xf32>,
            %slice3A_705 = vector.extract_strided_slice %get3A_58 {offsets = [13], sizes = [1], strides = [1]} : vector<16xf32> to vector<1xf32>
            %squeeze3A_706 = vector.extract %slice3A_705[0] : f32 from vector<1xf32>
            %mul3A_707 = arith.constant 16 : i32
            %mul3A_708 = arith.muli %scan3A_53, %mul3A_707 : i32
            %add3A_709 = arith.constant 13 : i32
            %add3A_710 = arith.addi %mul3A_708, %add3A_709 : i32
            %get3A_711 = arith.index_cast %add3A_710 : i32 to index
            %get3A_712 = arith.constant 0 : index
            %get3A_713 = tpu.vector_load %arg11[%get3A_711, %get3A_712] {strides = array<i32>} : memref<80x128xf32, #tpu.memory_space<vmem>>, vector<1x16xf32>,
            %get3A_714 = vector.shape_cast %get3A_713 : vector<1x16xf32> to vector<16xf32>
            %mul3A_715 = vector.broadcast %squeeze3A_706 : f32 to vector<16xf32>
            %mul3A_716 = arith.mulf %get3A_714, %mul3A_715 : vector<16xf32>
            %swap3A_717 = arith.index_cast %add3A_710 : i32 to index
            %swap3A_718 = arith.constant 0 : index
            %swap3A_719 = tpu.vector_load %arg12[%swap3A_717, %swap3A_718] {strides = array<i32>} : memref<80x64xf32, #tpu.memory_space<vmem>>, vector<1x16xf32>,
            %swap3A_720 = vector.shape_cast %swap3A_719 : vector<1x16xf32> to vector<16xf32>
            %swap3A_721 = vector.shape_cast %mul3A_716 : vector<16xf32> to vector<1x16xf32>
            tpu.vector_store %arg12[%swap3A_717, %swap3A_718], %swap3A_721 {strides = array<i32>} : memref<80x64xf32, #tpu.memory_space<vmem>>, vector<1x16xf32>,
            %get3A_722 = arith.index_cast %add3A_710 : i32 to index
            %get3A_723 = arith.constant 16 : index
            %get3A_724 = tpu.vector_load %arg11[%get3A_722, %get3A_723] {strides = array<i32>} : memref<80x128xf32, #tpu.memory_space<vmem>>, vector<1x16xf32>,
            %get3A_725 = vector.shape_cast %get3A_724 : vector<1x16xf32> to vector<16xf32>
            %mul3A_726 = vector.broadcast %squeeze3A_706 : f32 to vector<16xf32>
            %mul3A_727 = arith.mulf %get3A_725, %mul3A_726 : vector<16xf32>
            %swap3A_728 = arith.index_cast %add3A_710 : i32 to index
            %swap3A_729 = arith.constant 16 : index
            %swap3A_730 = tpu.vector_load %arg12[%swap3A_728, %swap3A_729] {strides = array<i32>} : memref<80x64xf32, #tpu.memory_space<vmem>>, vector<1x16xf32>,
            %swap3A_731 = vector.shape_cast %swap3A_730 : vector<1x16xf32> to vector<16xf32>
            %swap3A_732 = vector.shape_cast %mul3A_727 : vector<16xf32> to vector<1x16xf32>
            tpu.vector_store %arg12[%swap3A_728, %swap3A_729], %swap3A_732 {strides = array<i32>} : memref<80x64xf32, #tpu.memory_space<vmem>>, vector<1x16xf32>,
            %get3A_733 = arith.index_cast %add3A_710 : i32 to index
            %get3A_734 = arith.constant 32 : index
            %get3A_735 = tpu.vector_load %arg11[%get3A_733, %get3A_734] {strides = array<i32>} : memref<80x128xf32, #tpu.memory_space<vmem>>, vector<1x16xf32>,
            %get3A_736 = vector.shape_cast %get3A_735 : vector<1x16xf32> to vector<16xf32>
            %mul3A_737 = vector.broadcast %squeeze3A_706 : f32 to vector<16xf32>
            %mul3A_738 = arith.mulf %get3A_736, %mul3A_737 : vector<16xf32>
            %swap3A_739 = arith.index_cast %add3A_710 : i32 to index
            %swap3A_740 = arith.constant 32 : index
            %swap3A_741 = tpu.vector_load %arg12[%swap3A_739, %swap3A_740] {strides = array<i32>} : memref<80x64xf32, #tpu.memory_space<vmem>>, vector<1x16xf32>,
            %swap3A_742 = vector.shape_cast %swap3A_741 : vector<1x16xf32> to vector<16xf32>
            %swap3A_743 = vector.shape_cast %mul3A_738 : vector<16xf32> to vector<1x16xf32>
            tpu.vector_store %arg12[%swap3A_739, %swap3A_740], %swap3A_743 {strides = array<i32>} : memref<80x64xf32, #tpu.memory_space<vmem>>, vector<1x16xf32>,
            %get3A_744 = arith.index_cast %add3A_710 : i32 to index
            %get3A_745 = arith.constant 48 : index
            %get3A_746 = tpu.vector_load %arg11[%get3A_744, %get3A_745] {strides = array<i32>} : memref<80x128xf32, #tpu.memory_space<vmem>>, vector<1x16xf32>,
            %get3A_747 = vector.shape_cast %get3A_746 : vector<1x16xf32> to vector<16xf32>
            %mul3A_748 = vector.broadcast %squeeze3A_706 : f32 to vector<16xf32>
            %mul3A_749 = arith.mulf %get3A_747, %mul3A_748 : vector<16xf32>
            %swap3A_750 = arith.index_cast %add3A_710 : i32 to index
            %swap3A_751 = arith.constant 48 : index
            %swap3A_752 = tpu.vector_load %arg12[%swap3A_750, %swap3A_751] {strides = array<i32>} : memref<80x64xf32, #tpu.memory_space<vmem>>, vector<1x16xf32>,
            %swap3A_753 = vector.shape_cast %swap3A_752 : vector<1x16xf32> to vector<16xf32>
            %swap3A_754 = vector.shape_cast %mul3A_749 : vector<16xf32> to vector<1x16xf32>
            tpu.vector_store %arg12[%swap3A_750, %swap3A_751], %swap3A_754 {strides = array<i32>} : memref<80x64xf32, #tpu.memory_space<vmem>>, vector<1x16xf32>,
            %slice3A_755 = vector.extract_strided_slice %get3A_58 {offsets = [14], sizes = [1], strides = [1]} : vector<16xf32> to vector<1xf32>
            %squeeze3A_756 = vector.extract %slice3A_755[0] : f32 from vector<1xf32>
            %mul3A_757 = arith.constant 16 : i32
            %mul3A_758 = arith.muli %scan3A_53, %mul3A_757 : i32
            %add3A_759 = arith.constant 14 : i32
            %add3A_760 = arith.addi %mul3A_758, %add3A_759 : i32
            %get3A_761 = arith.index_cast %add3A_760 : i32 to index
            %get3A_762 = arith.constant 0 : index
            %get3A_763 = tpu.vector_load %arg11[%get3A_761, %get3A_762] {strides = array<i32>} : memref<80x128xf32, #tpu.memory_space<vmem>>, vector<1x16xf32>,
            %get3A_764 = vector.shape_cast %get3A_763 : vector<1x16xf32> to vector<16xf32>
            %mul3A_765 = vector.broadcast %squeeze3A_756 : f32 to vector<16xf32>
            %mul3A_766 = arith.mulf %get3A_764, %mul3A_765 : vector<16xf32>
            %swap3A_767 = arith.index_cast %add3A_760 : i32 to index
            %swap3A_768 = arith.constant 0 : index
            %swap3A_769 = tpu.vector_load %arg12[%swap3A_767, %swap3A_768] {strides = array<i32>} : memref<80x64xf32, #tpu.memory_space<vmem>>, vector<1x16xf32>,
            %swap3A_770 = vector.shape_cast %swap3A_769 : vector<1x16xf32> to vector<16xf32>
            %swap3A_771 = vector.shape_cast %mul3A_766 : vector<16xf32> to vector<1x16xf32>
            tpu.vector_store %arg12[%swap3A_767, %swap3A_768], %swap3A_771 {strides = array<i32>} : memref<80x64xf32, #tpu.memory_space<vmem>>, vector<1x16xf32>,
            %get3A_772 = arith.index_cast %add3A_760 : i32 to index
            %get3A_773 = arith.constant 16 : index
            %get3A_774 = tpu.vector_load %arg11[%get3A_772, %get3A_773] {strides = array<i32>} : memref<80x128xf32, #tpu.memory_space<vmem>>, vector<1x16xf32>,
            %get3A_775 = vector.shape_cast %get3A_774 : vector<1x16xf32> to vector<16xf32>
            %mul3A_776 = vector.broadcast %squeeze3A_756 : f32 to vector<16xf32>
            %mul3A_777 = arith.mulf %get3A_775, %mul3A_776 : vector<16xf32>
            %swap3A_778 = arith.index_cast %add3A_760 : i32 to index
            %swap3A_779 = arith.constant 16 : index
            %swap3A_780 = tpu.vector_load %arg12[%swap3A_778, %swap3A_779] {strides = array<i32>} : memref<80x64xf32, #tpu.memory_space<vmem>>, vector<1x16xf32>,
            %swap3A_781 = vector.shape_cast %swap3A_780 : vector<1x16xf32> to vector<16xf32>
            %swap3A_782 = vector.shape_cast %mul3A_777 : vector<16xf32> to vector<1x16xf32>
            tpu.vector_store %arg12[%swap3A_778, %swap3A_779], %swap3A_782 {strides = array<i32>} : memref<80x64xf32, #tpu.memory_space<vmem>>, vector<1x16xf32>,
            %get3A_783 = arith.index_cast %add3A_760 : i32 to index
            %get3A_784 = arith.constant 32 : index
            %get3A_785 = tpu.vector_load %arg11[%get3A_783, %get3A_784] {strides = array<i32>} : memref<80x128xf32, #tpu.memory_space<vmem>>, vector<1x16xf32>,
            %get3A_786 = vector.shape_cast %get3A_785 : vector<1x16xf32> to vector<16xf32>
            %mul3A_787 = vector.broadcast %squeeze3A_756 : f32 to vector<16xf32>
            %mul3A_788 = arith.mulf %get3A_786, %mul3A_787 : vector<16xf32>
            %swap3A_789 = arith.index_cast %add3A_760 : i32 to index
            %swap3A_790 = arith.constant 32 : index
            %swap3A_791 = tpu.vector_load %arg12[%swap3A_789, %swap3A_790] {strides = array<i32>} : memref<80x64xf32, #tpu.memory_space<vmem>>, vector<1x16xf32>,
            %swap3A_792 = vector.shape_cast %swap3A_791 : vector<1x16xf32> to vector<16xf32>
            %swap3A_793 = vector.shape_cast %mul3A_788 : vector<16xf32> to vector<1x16xf32>
            tpu.vector_store %arg12[%swap3A_789, %swap3A_790], %swap3A_793 {strides = array<i32>} : memref<80x64xf32, #tpu.memory_space<vmem>>, vector<1x16xf32>,
            %get3A_794 = arith.index_cast %add3A_760 : i32 to index
            %get3A_795 = arith.constant 48 : index
            %get3A_796 = tpu.vector_load %arg11[%get3A_794, %get3A_795] {strides = array<i32>} : memref<80x128xf32, #tpu.memory_space<vmem>>, vector<1x16xf32>,
            %get3A_797 = vector.shape_cast %get3A_796 : vector<1x16xf32> to vector<16xf32>
            %mul3A_798 = vector.broadcast %squeeze3A_756 : f32 to vector<16xf32>
            %mul3A_799 = arith.mulf %get3A_797, %mul3A_798 : vector<16xf32>
            %swap3A_800 = arith.index_cast %add3A_760 : i32 to index
            %swap3A_801 = arith.constant 48 : index
            %swap3A_802 = tpu.vector_load %arg12[%swap3A_800, %swap3A_801] {strides = array<i32>} : memref<80x64xf32, #tpu.memory_space<vmem>>, vector<1x16xf32>,
            %swap3A_803 = vector.shape_cast %swap3A_802 : vector<1x16xf32> to vector<16xf32>
            %swap3A_804 = vector.shape_cast %mul3A_799 : vector<16xf32> to vector<1x16xf32>
            tpu.vector_store %arg12[%swap3A_800, %swap3A_801], %swap3A_804 {strides = array<i32>} : memref<80x64xf32, #tpu.memory_space<vmem>>, vector<1x16xf32>,
            %slice3A_805 = vector.extract_strided_slice %get3A_58 {offsets = [15], sizes = [1], strides = [1]} : vector<16xf32> to vector<1xf32>
            %squeeze3A_806 = vector.extract %slice3A_805[0] : f32 from vector<1xf32>
            %mul3A_807 = arith.constant 16 : i32
            %mul3A_808 = arith.muli %scan3A_53, %mul3A_807 : i32
            %add3A_809 = arith.constant 15 : i32
            %add3A_810 = arith.addi %mul3A_808, %add3A_809 : i32
            %get3A_811 = arith.index_cast %add3A_810 : i32 to index
            %get3A_812 = arith.constant 0 : index
            %get3A_813 = tpu.vector_load %arg11[%get3A_811, %get3A_812] {strides = array<i32>} : memref<80x128xf32, #tpu.memory_space<vmem>>, vector<1x16xf32>,
            %get3A_814 = vector.shape_cast %get3A_813 : vector<1x16xf32> to vector<16xf32>
            %mul3A_815 = vector.broadcast %squeeze3A_806 : f32 to vector<16xf32>
            %mul3A_816 = arith.mulf %get3A_814, %mul3A_815 : vector<16xf32>
            %swap3A_817 = arith.index_cast %add3A_810 : i32 to index
            %swap3A_818 = arith.constant 0 : index
            %swap3A_819 = tpu.vector_load %arg12[%swap3A_817, %swap3A_818] {strides = array<i32>} : memref<80x64xf32, #tpu.memory_space<vmem>>, vector<1x16xf32>,
            %swap3A_820 = vector.shape_cast %swap3A_819 : vector<1x16xf32> to vector<16xf32>
            %swap3A_821 = vector.shape_cast %mul3A_816 : vector<16xf32> to vector<1x16xf32>
            tpu.vector_store %arg12[%swap3A_817, %swap3A_818], %swap3A_821 {strides = array<i32>} : memref<80x64xf32, #tpu.memory_space<vmem>>, vector<1x16xf32>,
            %get3A_822 = arith.index_cast %add3A_810 : i32 to index
            %get3A_823 = arith.constant 16 : index
            %get3A_824 = tpu.vector_load %arg11[%get3A_822, %get3A_823] {strides = array<i32>} : memref<80x128xf32, #tpu.memory_space<vmem>>, vector<1x16xf32>,
            %get3A_825 = vector.shape_cast %get3A_824 : vector<1x16xf32> to vector<16xf32>
            %mul3A_826 = vector.broadcast %squeeze3A_806 : f32 to vector<16xf32>
            %mul3A_827 = arith.mulf %get3A_825, %mul3A_826 : vector<16xf32>
            %swap3A_828 = arith.index_cast %add3A_810 : i32 to index
            %swap3A_829 = arith.constant 16 : index
            %swap3A_830 = tpu.vector_load %arg12[%swap3A_828, %swap3A_829] {strides = array<i32>} : memref<80x64xf32, #tpu.memory_space<vmem>>, vector<1x16xf32>,
            %swap3A_831 = vector.shape_cast %swap3A_830 : vector<1x16xf32> to vector<16xf32>
            %swap3A_832 = vector.shape_cast %mul3A_827 : vector<16xf32> to vector<1x16xf32>
            tpu.vector_store %arg12[%swap3A_828, %swap3A_829], %swap3A_832 {strides = array<i32>} : memref<80x64xf32, #tpu.memory_space<vmem>>, vector<1x16xf32>,
            %get3A_833 = arith.index_cast %add3A_810 : i32 to index
            %get3A_834 = arith.constant 32 : index
            %get3A_835 = tpu.vector_load %arg11[%get3A_833, %get3A_834] {strides = array<i32>} : memref<80x128xf32, #tpu.memory_space<vmem>>, vector<1x16xf32>,
            %get3A_836 = vector.shape_cast %get3A_835 : vector<1x16xf32> to vector<16xf32>
            %mul3A_837 = vector.broadcast %squeeze3A_806 : f32 to vector<16xf32>
            %mul3A_838 = arith.mulf %get3A_836, %mul3A_837 : vector<16xf32>
            %swap3A_839 = arith.index_cast %add3A_810 : i32 to index
            %swap3A_840 = arith.constant 32 : index
            %swap3A_841 = tpu.vector_load %arg12[%swap3A_839, %swap3A_840] {strides = array<i32>} : memref<80x64xf32, #tpu.memory_space<vmem>>, vector<1x16xf32>,
            %swap3A_842 = vector.shape_cast %swap3A_841 : vector<1x16xf32> to vector<16xf32>
            %swap3A_843 = vector.shape_cast %mul3A_838 : vector<16xf32> to vector<1x16xf32>
            tpu.vector_store %arg12[%swap3A_839, %swap3A_840], %swap3A_843 {strides = array<i32>} : memref<80x64xf32, #tpu.memory_space<vmem>>, vector<1x16xf32>,
            %get3A_844 = arith.index_cast %add3A_810 : i32 to index
            %get3A_845 = arith.constant 48 : index
            %get3A_846 = tpu.vector_load %arg11[%get3A_844, %get3A_845] {strides = array<i32>} : memref<80x128xf32, #tpu.memory_space<vmem>>, vector<1x16xf32>,
            %get3A_847 = vector.shape_cast %get3A_846 : vector<1x16xf32> to vector<16xf32>
            %mul3A_848 = vector.broadcast %squeeze3A_806 : f32 to vector<16xf32>
            %mul3A_849 = arith.mulf %get3A_847, %mul3A_848 : vector<16xf32>
            %swap3A_850 = arith.index_cast %add3A_810 : i32 to index
            %swap3A_851 = arith.constant 48 : index
            %swap3A_852 = tpu.vector_load %arg12[%swap3A_850, %swap3A_851] {strides = array<i32>} : memref<80x64xf32, #tpu.memory_space<vmem>>, vector<1x16xf32>,
            %swap3A_853 = vector.shape_cast %swap3A_852 : vector<1x16xf32> to vector<16xf32>
            %swap3A_854 = vector.shape_cast %mul3A_849 : vector<16xf32> to vector<1x16xf32>
            tpu.vector_store %arg12[%swap3A_850, %swap3A_851], %swap3A_854 {strides = array<i32>} : memref<80x64xf32, #tpu.memory_space<vmem>>, vector<1x16xf32>,
            %scan3A_855 = arith.constant 0 : i32
            scf.yield %scan3A_855 : i32
          }
          %scan3A_52 = arith.constant 5 : i32
        } else {
        }
        %eq3A_40 = arith.constant 1 : i32
        %eq3A_41 = arith.cmpi eq, %arg0, %eq3A_40 : i32
        %convert_element_type3A_42 = arith.extui %eq3A_41 : i1 to i32
        %cond3A_43 = arith.constant 0 : i32
        %cond3A_44 = arith.cmpi ne, %convert_element_type3A_42, %cond3A_43 : i32
        scf.if %cond3A_44 {
          %scan3A_46 = arith.constant 0 : i32
          %scan3A_47 = arith.constant 0 : i32
          %scan3A_48 = arith.constant 5 : i32
          %scan3A_49 = arith.addi %scan3A_47, %scan3A_48 : i32
          %scan3A_50 = arith.constant 1 : i32
          %scan3A_51 = scf.for %scan3A_53 = %scan3A_47 to %scan3A_49 step %scan3A_50 iter_args(%scan3A_54 = %scan3A_46) -> (i32)  : i32 {
            %mul3A = arith.constant 16 : i32
            %mul3A_55 = arith.muli %scan3A_53, %mul3A : i32
            %get3A = arith.index_cast %scan3A_24 : i32 to index
            %get3A_56 = arith.index_cast %mul3A_55 : i32 to index
            %get3A_57 = tpu.vector_load %arg10[%get3A, %get3A_56] {strides = array<i32>} : memref<10x80xf32, #tpu.memory_space<vmem>>, vector<1x16xf32>,
            %get3A_58 = vector.shape_cast %get3A_57 : vector<1x16xf32> to vector<16xf32>
            %slice3A = vector.extract_strided_slice %get3A_58 {offsets = [0], sizes = [1], strides = [1]} : vector<16xf32> to vector<1xf32>
            %squeeze3A = vector.extract %slice3A[0] : f32 from vector<1xf32>
            %mul3A_59 = arith.constant 16 : i32
            %mul3A_60 = arith.muli %scan3A_53, %mul3A_59 : i32
            %add3A = arith.constant 0 : i32
            %add3A_61 = arith.addi %mul3A_60, %add3A : i32
            %get3A_62 = arith.index_cast %add3A_61 : i32 to index
            %get3A_63 = arith.constant 64 : index
            %get3A_64 = tpu.vector_load %arg11[%get3A_62, %get3A_63] {strides = array<i32>} : memref<80x128xf32, #tpu.memory_space<vmem>>, vector<1x16xf32>,
            %get3A_65 = vector.shape_cast %get3A_64 : vector<1x16xf32> to vector<16xf32>
            %mul3A_66 = vector.broadcast %squeeze3A : f32 to vector<16xf32>
            %mul3A_67 = arith.mulf %get3A_65, %mul3A_66 : vector<16xf32>
            %swap3A = arith.index_cast %add3A_61 : i32 to index
            %swap3A_68 = arith.constant 0 : index
            %swap3A_69 = tpu.vector_load %arg12[%swap3A, %swap3A_68] {strides = array<i32>} : memref<80x64xf32, #tpu.memory_space<vmem>>, vector<1x16xf32>,
            %swap3A_70 = vector.shape_cast %swap3A_69 : vector<1x16xf32> to vector<16xf32>
            %swap3A_71 = vector.shape_cast %mul3A_67 : vector<16xf32> to vector<1x16xf32>
            tpu.vector_store %arg12[%swap3A, %swap3A_68], %swap3A_71 {strides = array<i32>} : memref<80x64xf32, #tpu.memory_space<vmem>>, vector<1x16xf32>,
            %get3A_72 = arith.index_cast %add3A_61 : i32 to index
            %get3A_73 = arith.constant 80 : index
            %get3A_74 = tpu.vector_load %arg11[%get3A_72, %get3A_73] {strides = array<i32>} : memref<80x128xf32, #tpu.memory_space<vmem>>, vector<1x16xf32>,
            %get3A_75 = vector.shape_cast %get3A_74 : vector<1x16xf32> to vector<16xf32>
            %mul3A_76 = vector.broadcast %squeeze3A : f32 to vector<16xf32>
            %mul3A_77 = arith.mulf %get3A_75, %mul3A_76 : vector<16xf32>
            %swap3A_78 = arith.index_cast %add3A_61 : i32 to index
            %swap3A_79 = arith.constant 16 : index
            %swap3A_80 = tpu.vector_load %arg12[%swap3A_78, %swap3A_79] {strides = array<i32>} : memref<80x64xf32, #tpu.memory_space<vmem>>, vector<1x16xf32>,
            %swap3A_81 = vector.shape_cast %swap3A_80 : vector<1x16xf32> to vector<16xf32>
            %swap3A_82 = vector.shape_cast %mul3A_77 : vector<16xf32> to vector<1x16xf32>
            tpu.vector_store %arg12[%swap3A_78, %swap3A_79], %swap3A_82 {strides = array<i32>} : memref<80x64xf32, #tpu.memory_space<vmem>>, vector<1x16xf32>,
            %get3A_83 = arith.index_cast %add3A_61 : i32 to index
            %get3A_84 = arith.constant 96 : index
            %get3A_85 = tpu.vector_load %arg11[%get3A_83, %get3A_84] {strides = array<i32>} : memref<80x128xf32, #tpu.memory_space<vmem>>, vector<1x16xf32>,
            %get3A_86 = vector.shape_cast %get3A_85 : vector<1x16xf32> to vector<16xf32>
            %mul3A_87 = vector.broadcast %squeeze3A : f32 to vector<16xf32>
            %mul3A_88 = arith.mulf %get3A_86, %mul3A_87 : vector<16xf32>
            %swap3A_89 = arith.index_cast %add3A_61 : i32 to index
            %swap3A_90 = arith.constant 32 : index
            %swap3A_91 = tpu.vector_load %arg12[%swap3A_89, %swap3A_90] {strides = array<i32>} : memref<80x64xf32, #tpu.memory_space<vmem>>, vector<1x16xf32>,
            %swap3A_92 = vector.shape_cast %swap3A_91 : vector<1x16xf32> to vector<16xf32>
            %swap3A_93 = vector.shape_cast %mul3A_88 : vector<16xf32> to vector<1x16xf32>
            tpu.vector_store %arg12[%swap3A_89, %swap3A_90], %swap3A_93 {strides = array<i32>} : memref<80x64xf32, #tpu.memory_space<vmem>>, vector<1x16xf32>,
            %get3A_94 = arith.index_cast %add3A_61 : i32 to index
            %get3A_95 = arith.constant 112 : index
            %get3A_96 = tpu.vector_load %arg11[%get3A_94, %get3A_95] {strides = array<i32>} : memref<80x128xf32, #tpu.memory_space<vmem>>, vector<1x16xf32>,
            %get3A_97 = vector.shape_cast %get3A_96 : vector<1x16xf32> to vector<16xf32>
            %mul3A_98 = vector.broadcast %squeeze3A : f32 to vector<16xf32>
            %mul3A_99 = arith.mulf %get3A_97, %mul3A_98 : vector<16xf32>
            %swap3A_100 = arith.index_cast %add3A_61 : i32 to index
            %swap3A_101 = arith.constant 48 : index
            %swap3A_102 = tpu.vector_load %arg12[%swap3A_100, %swap3A_101] {strides = array<i32>} : memref<80x64xf32, #tpu.memory_space<vmem>>, vector<1x16xf32>,
            %swap3A_103 = vector.shape_cast %swap3A_102 : vector<1x16xf32> to vector<16xf32>
            %swap3A_104 = vector.shape_cast %mul3A_99 : vector<16xf32> to vector<1x16xf32>
            tpu.vector_store %arg12[%swap3A_100, %swap3A_101], %swap3A_104 {strides = array<i32>} : memref<80x64xf32, #tpu.memory_space<vmem>>, vector<1x16xf32>,
            %slice3A_105 = vector.extract_strided_slice %get3A_58 {offsets = [1], sizes = [1], strides = [1]} : vector<16xf32> to vector<1xf32>
            %squeeze3A_106 = vector.extract %slice3A_105[0] : f32 from vector<1xf32>
            %mul3A_107 = arith.constant 16 : i32
            %mul3A_108 = arith.muli %scan3A_53, %mul3A_107 : i32
            %add3A_109 = arith.constant 1 : i32
            %add3A_110 = arith.addi %mul3A_108, %add3A_109 : i32
            %get3A_111 = arith.index_cast %add3A_110 : i32 to index
            %get3A_112 = arith.constant 64 : index
            %get3A_113 = tpu.vector_load %arg11[%get3A_111, %get3A_112] {strides = array<i32>} : memref<80x128xf32, #tpu.memory_space<vmem>>, vector<1x16xf32>,
            %get3A_114 = vector.shape_cast %get3A_113 : vector<1x16xf32> to vector<16xf32>
            %mul3A_115 = vector.broadcast %squeeze3A_106 : f32 to vector<16xf32>
            %mul3A_116 = arith.mulf %get3A_114, %mul3A_115 : vector<16xf32>
            %swap3A_117 = arith.index_cast %add3A_110 : i32 to index
            %swap3A_118 = arith.constant 0 : index
            %swap3A_119 = tpu.vector_load %arg12[%swap3A_117, %swap3A_118] {strides = array<i32>} : memref<80x64xf32, #tpu.memory_space<vmem>>, vector<1x16xf32>,
            %swap3A_120 = vector.shape_cast %swap3A_119 : vector<1x16xf32> to vector<16xf32>
            %swap3A_121 = vector.shape_cast %mul3A_116 : vector<16xf32> to vector<1x16xf32>
            tpu.vector_store %arg12[%swap3A_117, %swap3A_118], %swap3A_121 {strides = array<i32>} : memref<80x64xf32, #tpu.memory_space<vmem>>, vector<1x16xf32>,
            %get3A_122 = arith.index_cast %add3A_110 : i32 to index
            %get3A_123 = arith.constant 80 : index
            %get3A_124 = tpu.vector_load %arg11[%get3A_122, %get3A_123] {strides = array<i32>} : memref<80x128xf32, #tpu.memory_space<vmem>>, vector<1x16xf32>,
            %get3A_125 = vector.shape_cast %get3A_124 : vector<1x16xf32> to vector<16xf32>
            %mul3A_126 = vector.broadcast %squeeze3A_106 : f32 to vector<16xf32>
            %mul3A_127 = arith.mulf %get3A_125, %mul3A_126 : vector<16xf32>
            %swap3A_128 = arith.index_cast %add3A_110 : i32 to index
            %swap3A_129 = arith.constant 16 : index
            %swap3A_130 = tpu.vector_load %arg12[%swap3A_128, %swap3A_129] {strides = array<i32>} : memref<80x64xf32, #tpu.memory_space<vmem>>, vector<1x16xf32>,
            %swap3A_131 = vector.shape_cast %swap3A_130 : vector<1x16xf32> to vector<16xf32>
            %swap3A_132 = vector.shape_cast %mul3A_127 : vector<16xf32> to vector<1x16xf32>
            tpu.vector_store %arg12[%swap3A_128, %swap3A_129], %swap3A_132 {strides = array<i32>} : memref<80x64xf32, #tpu.memory_space<vmem>>, vector<1x16xf32>,
            %get3A_133 = arith.index_cast %add3A_110 : i32 to index
            %get3A_134 = arith.constant 96 : index
            %get3A_135 = tpu.vector_load %arg11[%get3A_133, %get3A_134] {strides = array<i32>} : memref<80x128xf32, #tpu.memory_space<vmem>>, vector<1x16xf32>,
            %get3A_136 = vector.shape_cast %get3A_135 : vector<1x16xf32> to vector<16xf32>
            %mul3A_137 = vector.broadcast %squeeze3A_106 : f32 to vector<16xf32>
            %mul3A_138 = arith.mulf %get3A_136, %mul3A_137 : vector<16xf32>
            %swap3A_139 = arith.index_cast %add3A_110 : i32 to index
            %swap3A_140 = arith.constant 32 : index
            %swap3A_141 = tpu.vector_load %arg12[%swap3A_139, %swap3A_140] {strides = array<i32>} : memref<80x64xf32, #tpu.memory_space<vmem>>, vector<1x16xf32>,
            %swap3A_142 = vector.shape_cast %swap3A_141 : vector<1x16xf32> to vector<16xf32>
            %swap3A_143 = vector.shape_cast %mul3A_138 : vector<16xf32> to vector<1x16xf32>
            tpu.vector_store %arg12[%swap3A_139, %swap3A_140], %swap3A_143 {strides = array<i32>} : memref<80x64xf32, #tpu.memory_space<vmem>>, vector<1x16xf32>,
            %get3A_144 = arith.index_cast %add3A_110 : i32 to index
            %get3A_145 = arith.constant 112 : index
            %get3A_146 = tpu.vector_load %arg11[%get3A_144, %get3A_145] {strides = array<i32>} : memref<80x128xf32, #tpu.memory_space<vmem>>, vector<1x16xf32>,
            %get3A_147 = vector.shape_cast %get3A_146 : vector<1x16xf32> to vector<16xf32>
            %mul3A_148 = vector.broadcast %squeeze3A_106 : f32 to vector<16xf32>
            %mul3A_149 = arith.mulf %get3A_147, %mul3A_148 : vector<16xf32>
            %swap3A_150 = arith.index_cast %add3A_110 : i32 to index
            %swap3A_151 = arith.constant 48 : index
            %swap3A_152 = tpu.vector_load %arg12[%swap3A_150, %swap3A_151] {strides = array<i32>} : memref<80x64xf32, #tpu.memory_space<vmem>>, vector<1x16xf32>,
            %swap3A_153 = vector.shape_cast %swap3A_152 : vector<1x16xf32> to vector<16xf32>
            %swap3A_154 = vector.shape_cast %mul3A_149 : vector<16xf32> to vector<1x16xf32>
            tpu.vector_store %arg12[%swap3A_150, %swap3A_151], %swap3A_154 {strides = array<i32>} : memref<80x64xf32, #tpu.memory_space<vmem>>, vector<1x16xf32>,
            %slice3A_155 = vector.extract_strided_slice %get3A_58 {offsets = [2], sizes = [1], strides = [1]} : vector<16xf32> to vector<1xf32>
            %squeeze3A_156 = vector.extract %slice3A_155[0] : f32 from vector<1xf32>
            %mul3A_157 = arith.constant 16 : i32
            %mul3A_158 = arith.muli %scan3A_53, %mul3A_157 : i32
            %add3A_159 = arith.constant 2 : i32
            %add3A_160 = arith.addi %mul3A_158, %add3A_159 : i32
            %get3A_161 = arith.index_cast %add3A_160 : i32 to index
            %get3A_162 = arith.constant 64 : index
            %get3A_163 = tpu.vector_load %arg11[%get3A_161, %get3A_162] {strides = array<i32>} : memref<80x128xf32, #tpu.memory_space<vmem>>, vector<1x16xf32>,
            %get3A_164 = vector.shape_cast %get3A_163 : vector<1x16xf32> to vector<16xf32>
            %mul3A_165 = vector.broadcast %squeeze3A_156 : f32 to vector<16xf32>
            %mul3A_166 = arith.mulf %get3A_164, %mul3A_165 : vector<16xf32>
            %swap3A_167 = arith.index_cast %add3A_160 : i32 to index
            %swap3A_168 = arith.constant 0 : index
            %swap3A_169 = tpu.vector_load %arg12[%swap3A_167, %swap3A_168] {strides = array<i32>} : memref<80x64xf32, #tpu.memory_space<vmem>>, vector<1x16xf32>,
            %swap3A_170 = vector.shape_cast %swap3A_169 : vector<1x16xf32> to vector<16xf32>
            %swap3A_171 = vector.shape_cast %mul3A_166 : vector<16xf32> to vector<1x16xf32>
            tpu.vector_store %arg12[%swap3A_167, %swap3A_168], %swap3A_171 {strides = array<i32>} : memref<80x64xf32, #tpu.memory_space<vmem>>, vector<1x16xf32>,
            %get3A_172 = arith.index_cast %add3A_160 : i32 to index
            %get3A_173 = arith.constant 80 : index
            %get3A_174 = tpu.vector_load %arg11[%get3A_172, %get3A_173] {strides = array<i32>} : memref<80x128xf32, #tpu.memory_space<vmem>>, vector<1x16xf32>,
            %get3A_175 = vector.shape_cast %get3A_174 : vector<1x16xf32> to vector<16xf32>
            %mul3A_176 = vector.broadcast %squeeze3A_156 : f32 to vector<16xf32>
            %mul3A_177 = arith.mulf %get3A_175, %mul3A_176 : vector<16xf32>
            %swap3A_178 = arith.index_cast %add3A_160 : i32 to index
            %swap3A_179 = arith.constant 16 : index
            %swap3A_180 = tpu.vector_load %arg12[%swap3A_178, %swap3A_179] {strides = array<i32>} : memref<80x64xf32, #tpu.memory_space<vmem>>, vector<1x16xf32>,
            %swap3A_181 = vector.shape_cast %swap3A_180 : vector<1x16xf32> to vector<16xf32>
            %swap3A_182 = vector.shape_cast %mul3A_177 : vector<16xf32> to vector<1x16xf32>
            tpu.vector_store %arg12[%swap3A_178, %swap3A_179], %swap3A_182 {strides = array<i32>} : memref<80x64xf32, #tpu.memory_space<vmem>>, vector<1x16xf32>,
            %get3A_183 = arith.index_cast %add3A_160 : i32 to index
            %get3A_184 = arith.constant 96 : index
            %get3A_185 = tpu.vector_load %arg11[%get3A_183, %get3A_184] {strides = array<i32>} : memref<80x128xf32, #tpu.memory_space<vmem>>, vector<1x16xf32>,
            %get3A_186 = vector.shape_cast %get3A_185 : vector<1x16xf32> to vector<16xf32>
            %mul3A_187 = vector.broadcast %squeeze3A_156 : f32 to vector<16xf32>
            %mul3A_188 = arith.mulf %get3A_186, %mul3A_187 : vector<16xf32>
            %swap3A_189 = arith.index_cast %add3A_160 : i32 to index
            %swap3A_190 = arith.constant 32 : index
            %swap3A_191 = tpu.vector_load %arg12[%swap3A_189, %swap3A_190] {strides = array<i32>} : memref<80x64xf32, #tpu.memory_space<vmem>>, vector<1x16xf32>,
            %swap3A_192 = vector.shape_cast %swap3A_191 : vector<1x16xf32> to vector<16xf32>
            %swap3A_193 = vector.shape_cast %mul3A_188 : vector<16xf32> to vector<1x16xf32>
            tpu.vector_store %arg12[%swap3A_189, %swap3A_190], %swap3A_193 {strides = array<i32>} : memref<80x64xf32, #tpu.memory_space<vmem>>, vector<1x16xf32>,
            %get3A_194 = arith.index_cast %add3A_160 : i32 to index
            %get3A_195 = arith.constant 112 : index
            %get3A_196 = tpu.vector_load %arg11[%get3A_194, %get3A_195] {strides = array<i32>} : memref<80x128xf32, #tpu.memory_space<vmem>>, vector<1x16xf32>,
            %get3A_197 = vector.shape_cast %get3A_196 : vector<1x16xf32> to vector<16xf32>
            %mul3A_198 = vector.broadcast %squeeze3A_156 : f32 to vector<16xf32>
            %mul3A_199 = arith.mulf %get3A_197, %mul3A_198 : vector<16xf32>
            %swap3A_200 = arith.index_cast %add3A_160 : i32 to index
            %swap3A_201 = arith.constant 48 : index
            %swap3A_202 = tpu.vector_load %arg12[%swap3A_200, %swap3A_201] {strides = array<i32>} : memref<80x64xf32, #tpu.memory_space<vmem>>, vector<1x16xf32>,
            %swap3A_203 = vector.shape_cast %swap3A_202 : vector<1x16xf32> to vector<16xf32>
            %swap3A_204 = vector.shape_cast %mul3A_199 : vector<16xf32> to vector<1x16xf32>
            tpu.vector_store %arg12[%swap3A_200, %swap3A_201], %swap3A_204 {strides = array<i32>} : memref<80x64xf32, #tpu.memory_space<vmem>>, vector<1x16xf32>,
            %slice3A_205 = vector.extract_strided_slice %get3A_58 {offsets = [3], sizes = [1], strides = [1]} : vector<16xf32> to vector<1xf32>
            %squeeze3A_206 = vector.extract %slice3A_205[0] : f32 from vector<1xf32>
            %mul3A_207 = arith.constant 16 : i32
            %mul3A_208 = arith.muli %scan3A_53, %mul3A_207 : i32
            %add3A_209 = arith.constant 3 : i32
            %add3A_210 = arith.addi %mul3A_208, %add3A_209 : i32
            %get3A_211 = arith.index_cast %add3A_210 : i32 to index
            %get3A_212 = arith.constant 64 : index
            %get3A_213 = tpu.vector_load %arg11[%get3A_211, %get3A_212] {strides = array<i32>} : memref<80x128xf32, #tpu.memory_space<vmem>>, vector<1x16xf32>,
            %get3A_214 = vector.shape_cast %get3A_213 : vector<1x16xf32> to vector<16xf32>
            %mul3A_215 = vector.broadcast %squeeze3A_206 : f32 to vector<16xf32>
            %mul3A_216 = arith.mulf %get3A_214, %mul3A_215 : vector<16xf32>
            %swap3A_217 = arith.index_cast %add3A_210 : i32 to index
            %swap3A_218 = arith.constant 0 : index
            %swap3A_219 = tpu.vector_load %arg12[%swap3A_217, %swap3A_218] {strides = array<i32>} : memref<80x64xf32, #tpu.memory_space<vmem>>, vector<1x16xf32>,
            %swap3A_220 = vector.shape_cast %swap3A_219 : vector<1x16xf32> to vector<16xf32>
            %swap3A_221 = vector.shape_cast %mul3A_216 : vector<16xf32> to vector<1x16xf32>
            tpu.vector_store %arg12[%swap3A_217, %swap3A_218], %swap3A_221 {strides = array<i32>} : memref<80x64xf32, #tpu.memory_space<vmem>>, vector<1x16xf32>,
            %get3A_222 = arith.index_cast %add3A_210 : i32 to index
            %get3A_223 = arith.constant 80 : index
            %get3A_224 = tpu.vector_load %arg11[%get3A_222, %get3A_223] {strides = array<i32>} : memref<80x128xf32, #tpu.memory_space<vmem>>, vector<1x16xf32>,
            %get3A_225 = vector.shape_cast %get3A_224 : vector<1x16xf32> to vector<16xf32>
            %mul3A_226 = vector.broadcast %squeeze3A_206 : f32 to vector<16xf32>
            %mul3A_227 = arith.mulf %get3A_225, %mul3A_226 : vector<16xf32>
            %swap3A_228 = arith.index_cast %add3A_210 : i32 to index
            %swap3A_229 = arith.constant 16 : index
            %swap3A_230 = tpu.vector_load %arg12[%swap3A_228, %swap3A_229] {strides = array<i32>} : memref<80x64xf32, #tpu.memory_space<vmem>>, vector<1x16xf32>,
            %swap3A_231 = vector.shape_cast %swap3A_230 : vector<1x16xf32> to vector<16xf32>
            %swap3A_232 = vector.shape_cast %mul3A_227 : vector<16xf32> to vector<1x16xf32>
            tpu.vector_store %arg12[%swap3A_228, %swap3A_229], %swap3A_232 {strides = array<i32>} : memref<80x64xf32, #tpu.memory_space<vmem>>, vector<1x16xf32>,
            %get3A_233 = arith.index_cast %add3A_210 : i32 to index
            %get3A_234 = arith.constant 96 : index
            %get3A_235 = tpu.vector_load %arg11[%get3A_233, %get3A_234] {strides = array<i32>} : memref<80x128xf32, #tpu.memory_space<vmem>>, vector<1x16xf32>,
            %get3A_236 = vector.shape_cast %get3A_235 : vector<1x16xf32> to vector<16xf32>
            %mul3A_237 = vector.broadcast %squeeze3A_206 : f32 to vector<16xf32>
            %mul3A_238 = arith.mulf %get3A_236, %mul3A_237 : vector<16xf32>
            %swap3A_239 = arith.index_cast %add3A_210 : i32 to index
            %swap3A_240 = arith.constant 32 : index
            %swap3A_241 = tpu.vector_load %arg12[%swap3A_239, %swap3A_240] {strides = array<i32>} : memref<80x64xf32, #tpu.memory_space<vmem>>, vector<1x16xf32>,
            %swap3A_242 = vector.shape_cast %swap3A_241 : vector<1x16xf32> to vector<16xf32>
            %swap3A_243 = vector.shape_cast %mul3A_238 : vector<16xf32> to vector<1x16xf32>
            tpu.vector_store %arg12[%swap3A_239, %swap3A_240], %swap3A_243 {strides = array<i32>} : memref<80x64xf32, #tpu.memory_space<vmem>>, vector<1x16xf32>,
            %get3A_244 = arith.index_cast %add3A_210 : i32 to index
            %get3A_245 = arith.constant 112 : index
            %get3A_246 = tpu.vector_load %arg11[%get3A_244, %get3A_245] {strides = array<i32>} : memref<80x128xf32, #tpu.memory_space<vmem>>, vector<1x16xf32>,
            %get3A_247 = vector.shape_cast %get3A_246 : vector<1x16xf32> to vector<16xf32>
            %mul3A_248 = vector.broadcast %squeeze3A_206 : f32 to vector<16xf32>
            %mul3A_249 = arith.mulf %get3A_247, %mul3A_248 : vector<16xf32>
            %swap3A_250 = arith.index_cast %add3A_210 : i32 to index
            %swap3A_251 = arith.constant 48 : index
            %swap3A_252 = tpu.vector_load %arg12[%swap3A_250, %swap3A_251] {strides = array<i32>} : memref<80x64xf32, #tpu.memory_space<vmem>>, vector<1x16xf32>,
            %swap3A_253 = vector.shape_cast %swap3A_252 : vector<1x16xf32> to vector<16xf32>
            %swap3A_254 = vector.shape_cast %mul3A_249 : vector<16xf32> to vector<1x16xf32>
            tpu.vector_store %arg12[%swap3A_250, %swap3A_251], %swap3A_254 {strides = array<i32>} : memref<80x64xf32, #tpu.memory_space<vmem>>, vector<1x16xf32>,
            %slice3A_255 = vector.extract_strided_slice %get3A_58 {offsets = [4], sizes = [1], strides = [1]} : vector<16xf32> to vector<1xf32>
            %squeeze3A_256 = vector.extract %slice3A_255[0] : f32 from vector<1xf32>
            %mul3A_257 = arith.constant 16 : i32
            %mul3A_258 = arith.muli %scan3A_53, %mul3A_257 : i32
            %add3A_259 = arith.constant 4 : i32
            %add3A_260 = arith.addi %mul3A_258, %add3A_259 : i32
            %get3A_261 = arith.index_cast %add3A_260 : i32 to index
            %get3A_262 = arith.constant 64 : index
            %get3A_263 = tpu.vector_load %arg11[%get3A_261, %get3A_262] {strides = array<i32>} : memref<80x128xf32, #tpu.memory_space<vmem>>, vector<1x16xf32>,
            %get3A_264 = vector.shape_cast %get3A_263 : vector<1x16xf32> to vector<16xf32>
            %mul3A_265 = vector.broadcast %squeeze3A_256 : f32 to vector<16xf32>
            %mul3A_266 = arith.mulf %get3A_264, %mul3A_265 : vector<16xf32>
            %swap3A_267 = arith.index_cast %add3A_260 : i32 to index
            %swap3A_268 = arith.constant 0 : index
            %swap3A_269 = tpu.vector_load %arg12[%swap3A_267, %swap3A_268] {strides = array<i32>} : memref<80x64xf32, #tpu.memory_space<vmem>>, vector<1x16xf32>,
            %swap3A_270 = vector.shape_cast %swap3A_269 : vector<1x16xf32> to vector<16xf32>
            %swap3A_271 = vector.shape_cast %mul3A_266 : vector<16xf32> to vector<1x16xf32>
            tpu.vector_store %arg12[%swap3A_267, %swap3A_268], %swap3A_271 {strides = array<i32>} : memref<80x64xf32, #tpu.memory_space<vmem>>, vector<1x16xf32>,
            %get3A_272 = arith.index_cast %add3A_260 : i32 to index
            %get3A_273 = arith.constant 80 : index
            %get3A_274 = tpu.vector_load %arg11[%get3A_272, %get3A_273] {strides = array<i32>} : memref<80x128xf32, #tpu.memory_space<vmem>>, vector<1x16xf32>,
            %get3A_275 = vector.shape_cast %get3A_274 : vector<1x16xf32> to vector<16xf32>
            %mul3A_276 = vector.broadcast %squeeze3A_256 : f32 to vector<16xf32>
            %mul3A_277 = arith.mulf %get3A_275, %mul3A_276 : vector<16xf32>
            %swap3A_278 = arith.index_cast %add3A_260 : i32 to index
            %swap3A_279 = arith.constant 16 : index
            %swap3A_280 = tpu.vector_load %arg12[%swap3A_278, %swap3A_279] {strides = array<i32>} : memref<80x64xf32, #tpu.memory_space<vmem>>, vector<1x16xf32>,
            %swap3A_281 = vector.shape_cast %swap3A_280 : vector<1x16xf32> to vector<16xf32>
            %swap3A_282 = vector.shape_cast %mul3A_277 : vector<16xf32> to vector<1x16xf32>
            tpu.vector_store %arg12[%swap3A_278, %swap3A_279], %swap3A_282 {strides = array<i32>} : memref<80x64xf32, #tpu.memory_space<vmem>>, vector<1x16xf32>,
            %get3A_283 = arith.index_cast %add3A_260 : i32 to index
            %get3A_284 = arith.constant 96 : index
            %get3A_285 = tpu.vector_load %arg11[%get3A_283, %get3A_284] {strides = array<i32>} : memref<80x128xf32, #tpu.memory_space<vmem>>, vector<1x16xf32>,
            %get3A_286 = vector.shape_cast %get3A_285 : vector<1x16xf32> to vector<16xf32>
            %mul3A_287 = vector.broadcast %squeeze3A_256 : f32 to vector<16xf32>
            %mul3A_288 = arith.mulf %get3A_286, %mul3A_287 : vector<16xf32>
            %swap3A_289 = arith.index_cast %add3A_260 : i32 to index
            %swap3A_290 = arith.constant 32 : index
            %swap3A_291 = tpu.vector_load %arg12[%swap3A_289, %swap3A_290] {strides = array<i32>} : memref<80x64xf32, #tpu.memory_space<vmem>>, vector<1x16xf32>,
            %swap3A_292 = vector.shape_cast %swap3A_291 : vector<1x16xf32> to vector<16xf32>
            %swap3A_293 = vector.shape_cast %mul3A_288 : vector<16xf32> to vector<1x16xf32>
            tpu.vector_store %arg12[%swap3A_289, %swap3A_290], %swap3A_293 {strides = array<i32>} : memref<80x64xf32, #tpu.memory_space<vmem>>, vector<1x16xf32>,
            %get3A_294 = arith.index_cast %add3A_260 : i32 to index
            %get3A_295 = arith.constant 112 : index
            %get3A_296 = tpu.vector_load %arg11[%get3A_294, %get3A_295] {strides = array<i32>} : memref<80x128xf32, #tpu.memory_space<vmem>>, vector<1x16xf32>,
            %get3A_297 = vector.shape_cast %get3A_296 : vector<1x16xf32> to vector<16xf32>
            %mul3A_298 = vector.broadcast %squeeze3A_256 : f32 to vector<16xf32>
            %mul3A_299 = arith.mulf %get3A_297, %mul3A_298 : vector<16xf32>
            %swap3A_300 = arith.index_cast %add3A_260 : i32 to index
            %swap3A_301 = arith.constant 48 : index
            %swap3A_302 = tpu.vector_load %arg12[%swap3A_300, %swap3A_301] {strides = array<i32>} : memref<80x64xf32, #tpu.memory_space<vmem>>, vector<1x16xf32>,
            %swap3A_303 = vector.shape_cast %swap3A_302 : vector<1x16xf32> to vector<16xf32>
            %swap3A_304 = vector.shape_cast %mul3A_299 : vector<16xf32> to vector<1x16xf32>
            tpu.vector_store %arg12[%swap3A_300, %swap3A_301], %swap3A_304 {strides = array<i32>} : memref<80x64xf32, #tpu.memory_space<vmem>>, vector<1x16xf32>,
            %slice3A_305 = vector.extract_strided_slice %get3A_58 {offsets = [5], sizes = [1], strides = [1]} : vector<16xf32> to vector<1xf32>
            %squeeze3A_306 = vector.extract %slice3A_305[0] : f32 from vector<1xf32>
            %mul3A_307 = arith.constant 16 : i32
            %mul3A_308 = arith.muli %scan3A_53, %mul3A_307 : i32
            %add3A_309 = arith.constant 5 : i32
            %add3A_310 = arith.addi %mul3A_308, %add3A_309 : i32
            %get3A_311 = arith.index_cast %add3A_310 : i32 to index
            %get3A_312 = arith.constant 64 : index
            %get3A_313 = tpu.vector_load %arg11[%get3A_311, %get3A_312] {strides = array<i32>} : memref<80x128xf32, #tpu.memory_space<vmem>>, vector<1x16xf32>,
            %get3A_314 = vector.shape_cast %get3A_313 : vector<1x16xf32> to vector<16xf32>
            %mul3A_315 = vector.broadcast %squeeze3A_306 : f32 to vector<16xf32>
            %mul3A_316 = arith.mulf %get3A_314, %mul3A_315 : vector<16xf32>
            %swap3A_317 = arith.index_cast %add3A_310 : i32 to index
            %swap3A_318 = arith.constant 0 : index
            %swap3A_319 = tpu.vector_load %arg12[%swap3A_317, %swap3A_318] {strides = array<i32>} : memref<80x64xf32, #tpu.memory_space<vmem>>, vector<1x16xf32>,
            %swap3A_320 = vector.shape_cast %swap3A_319 : vector<1x16xf32> to vector<16xf32>
            %swap3A_321 = vector.shape_cast %mul3A_316 : vector<16xf32> to vector<1x16xf32>
            tpu.vector_store %arg12[%swap3A_317, %swap3A_318], %swap3A_321 {strides = array<i32>} : memref<80x64xf32, #tpu.memory_space<vmem>>, vector<1x16xf32>,
            %get3A_322 = arith.index_cast %add3A_310 : i32 to index
            %get3A_323 = arith.constant 80 : index
            %get3A_324 = tpu.vector_load %arg11[%get3A_322, %get3A_323] {strides = array<i32>} : memref<80x128xf32, #tpu.memory_space<vmem>>, vector<1x16xf32>,
            %get3A_325 = vector.shape_cast %get3A_324 : vector<1x16xf32> to vector<16xf32>
            %mul3A_326 = vector.broadcast %squeeze3A_306 : f32 to vector<16xf32>
            %mul3A_327 = arith.mulf %get3A_325, %mul3A_326 : vector<16xf32>
            %swap3A_328 = arith.index_cast %add3A_310 : i32 to index
            %swap3A_329 = arith.constant 16 : index
            %swap3A_330 = tpu.vector_load %arg12[%swap3A_328, %swap3A_329] {strides = array<i32>} : memref<80x64xf32, #tpu.memory_space<vmem>>, vector<1x16xf32>,
            %swap3A_331 = vector.shape_cast %swap3A_330 : vector<1x16xf32> to vector<16xf32>
            %swap3A_332 = vector.shape_cast %mul3A_327 : vector<16xf32> to vector<1x16xf32>
            tpu.vector_store %arg12[%swap3A_328, %swap3A_329], %swap3A_332 {strides = array<i32>} : memref<80x64xf32, #tpu.memory_space<vmem>>, vector<1x16xf32>,
            %get3A_333 = arith.index_cast %add3A_310 : i32 to index
            %get3A_334 = arith.constant 96 : index
            %get3A_335 = tpu.vector_load %arg11[%get3A_333, %get3A_334] {strides = array<i32>} : memref<80x128xf32, #tpu.memory_space<vmem>>, vector<1x16xf32>,
            %get3A_336 = vector.shape_cast %get3A_335 : vector<1x16xf32> to vector<16xf32>
            %mul3A_337 = vector.broadcast %squeeze3A_306 : f32 to vector<16xf32>
            %mul3A_338 = arith.mulf %get3A_336, %mul3A_337 : vector<16xf32>
            %swap3A_339 = arith.index_cast %add3A_310 : i32 to index
            %swap3A_340 = arith.constant 32 : index
            %swap3A_341 = tpu.vector_load %arg12[%swap3A_339, %swap3A_340] {strides = array<i32>} : memref<80x64xf32, #tpu.memory_space<vmem>>, vector<1x16xf32>,
            %swap3A_342 = vector.shape_cast %swap3A_341 : vector<1x16xf32> to vector<16xf32>
            %swap3A_343 = vector.shape_cast %mul3A_338 : vector<16xf32> to vector<1x16xf32>
            tpu.vector_store %arg12[%swap3A_339, %swap3A_340], %swap3A_343 {strides = array<i32>} : memref<80x64xf32, #tpu.memory_space<vmem>>, vector<1x16xf32>,
            %get3A_344 = arith.index_cast %add3A_310 : i32 to index
            %get3A_345 = arith.constant 112 : index
            %get3A_346 = tpu.vector_load %arg11[%get3A_344, %get3A_345] {strides = array<i32>} : memref<80x128xf32, #tpu.memory_space<vmem>>, vector<1x16xf32>,
            %get3A_347 = vector.shape_cast %get3A_346 : vector<1x16xf32> to vector<16xf32>
            %mul3A_348 = vector.broadcast %squeeze3A_306 : f32 to vector<16xf32>
            %mul3A_349 = arith.mulf %get3A_347, %mul3A_348 : vector<16xf32>
            %swap3A_350 = arith.index_cast %add3A_310 : i32 to index
            %swap3A_351 = arith.constant 48 : index
            %swap3A_352 = tpu.vector_load %arg12[%swap3A_350, %swap3A_351] {strides = array<i32>} : memref<80x64xf32, #tpu.memory_space<vmem>>, vector<1x16xf32>,
            %swap3A_353 = vector.shape_cast %swap3A_352 : vector<1x16xf32> to vector<16xf32>
            %swap3A_354 = vector.shape_cast %mul3A_349 : vector<16xf32> to vector<1x16xf32>
            tpu.vector_store %arg12[%swap3A_350, %swap3A_351], %swap3A_354 {strides = array<i32>} : memref<80x64xf32, #tpu.memory_space<vmem>>, vector<1x16xf32>,
            %slice3A_355 = vector.extract_strided_slice %get3A_58 {offsets = [6], sizes = [1], strides = [1]} : vector<16xf32> to vector<1xf32>
            %squeeze3A_356 = vector.extract %slice3A_355[0] : f32 from vector<1xf32>
            %mul3A_357 = arith.constant 16 : i32
            %mul3A_358 = arith.muli %scan3A_53, %mul3A_357 : i32
            %add3A_359 = arith.constant 6 : i32
            %add3A_360 = arith.addi %mul3A_358, %add3A_359 : i32
            %get3A_361 = arith.index_cast %add3A_360 : i32 to index
            %get3A_362 = arith.constant 64 : index
            %get3A_363 = tpu.vector_load %arg11[%get3A_361, %get3A_362] {strides = array<i32>} : memref<80x128xf32, #tpu.memory_space<vmem>>, vector<1x16xf32>,
            %get3A_364 = vector.shape_cast %get3A_363 : vector<1x16xf32> to vector<16xf32>
            %mul3A_365 = vector.broadcast %squeeze3A_356 : f32 to vector<16xf32>
            %mul3A_366 = arith.mulf %get3A_364, %mul3A_365 : vector<16xf32>
            %swap3A_367 = arith.index_cast %add3A_360 : i32 to index
            %swap3A_368 = arith.constant 0 : index
            %swap3A_369 = tpu.vector_load %arg12[%swap3A_367, %swap3A_368] {strides = array<i32>} : memref<80x64xf32, #tpu.memory_space<vmem>>, vector<1x16xf32>,
            %swap3A_370 = vector.shape_cast %swap3A_369 : vector<1x16xf32> to vector<16xf32>
            %swap3A_371 = vector.shape_cast %mul3A_366 : vector<16xf32> to vector<1x16xf32>
            tpu.vector_store %arg12[%swap3A_367, %swap3A_368], %swap3A_371 {strides = array<i32>} : memref<80x64xf32, #tpu.memory_space<vmem>>, vector<1x16xf32>,
            %get3A_372 = arith.index_cast %add3A_360 : i32 to index
            %get3A_373 = arith.constant 80 : index
            %get3A_374 = tpu.vector_load %arg11[%get3A_372, %get3A_373] {strides = array<i32>} : memref<80x128xf32, #tpu.memory_space<vmem>>, vector<1x16xf32>,
            %get3A_375 = vector.shape_cast %get3A_374 : vector<1x16xf32> to vector<16xf32>
            %mul3A_376 = vector.broadcast %squeeze3A_356 : f32 to vector<16xf32>
            %mul3A_377 = arith.mulf %get3A_375, %mul3A_376 : vector<16xf32>
            %swap3A_378 = arith.index_cast %add3A_360 : i32 to index
            %swap3A_379 = arith.constant 16 : index
            %swap3A_380 = tpu.vector_load %arg12[%swap3A_378, %swap3A_379] {strides = array<i32>} : memref<80x64xf32, #tpu.memory_space<vmem>>, vector<1x16xf32>,
            %swap3A_381 = vector.shape_cast %swap3A_380 : vector<1x16xf32> to vector<16xf32>
            %swap3A_382 = vector.shape_cast %mul3A_377 : vector<16xf32> to vector<1x16xf32>
            tpu.vector_store %arg12[%swap3A_378, %swap3A_379], %swap3A_382 {strides = array<i32>} : memref<80x64xf32, #tpu.memory_space<vmem>>, vector<1x16xf32>,
            %get3A_383 = arith.index_cast %add3A_360 : i32 to index
            %get3A_384 = arith.constant 96 : index
            %get3A_385 = tpu.vector_load %arg11[%get3A_383, %get3A_384] {strides = array<i32>} : memref<80x128xf32, #tpu.memory_space<vmem>>, vector<1x16xf32>,
            %get3A_386 = vector.shape_cast %get3A_385 : vector<1x16xf32> to vector<16xf32>
            %mul3A_387 = vector.broadcast %squeeze3A_356 : f32 to vector<16xf32>
            %mul3A_388 = arith.mulf %get3A_386, %mul3A_387 : vector<16xf32>
            %swap3A_389 = arith.index_cast %add3A_360 : i32 to index
            %swap3A_390 = arith.constant 32 : index
            %swap3A_391 = tpu.vector_load %arg12[%swap3A_389, %swap3A_390] {strides = array<i32>} : memref<80x64xf32, #tpu.memory_space<vmem>>, vector<1x16xf32>,
            %swap3A_392 = vector.shape_cast %swap3A_391 : vector<1x16xf32> to vector<16xf32>
            %swap3A_393 = vector.shape_cast %mul3A_388 : vector<16xf32> to vector<1x16xf32>
            tpu.vector_store %arg12[%swap3A_389, %swap3A_390], %swap3A_393 {strides = array<i32>} : memref<80x64xf32, #tpu.memory_space<vmem>>, vector<1x16xf32>,
            %get3A_394 = arith.index_cast %add3A_360 : i32 to index
            %get3A_395 = arith.constant 112 : index
            %get3A_396 = tpu.vector_load %arg11[%get3A_394, %get3A_395] {strides = array<i32>} : memref<80x128xf32, #tpu.memory_space<vmem>>, vector<1x16xf32>,
            %get3A_397 = vector.shape_cast %get3A_396 : vector<1x16xf32> to vector<16xf32>
            %mul3A_398 = vector.broadcast %squeeze3A_356 : f32 to vector<16xf32>
            %mul3A_399 = arith.mulf %get3A_397, %mul3A_398 : vector<16xf32>
            %swap3A_400 = arith.index_cast %add3A_360 : i32 to index
            %swap3A_401 = arith.constant 48 : index
            %swap3A_402 = tpu.vector_load %arg12[%swap3A_400, %swap3A_401] {strides = array<i32>} : memref<80x64xf32, #tpu.memory_space<vmem>>, vector<1x16xf32>,
            %swap3A_403 = vector.shape_cast %swap3A_402 : vector<1x16xf32> to vector<16xf32>
            %swap3A_404 = vector.shape_cast %mul3A_399 : vector<16xf32> to vector<1x16xf32>
            tpu.vector_store %arg12[%swap3A_400, %swap3A_401], %swap3A_404 {strides = array<i32>} : memref<80x64xf32, #tpu.memory_space<vmem>>, vector<1x16xf32>,
            %slice3A_405 = vector.extract_strided_slice %get3A_58 {offsets = [7], sizes = [1], strides = [1]} : vector<16xf32> to vector<1xf32>
            %squeeze3A_406 = vector.extract %slice3A_405[0] : f32 from vector<1xf32>
            %mul3A_407 = arith.constant 16 : i32
            %mul3A_408 = arith.muli %scan3A_53, %mul3A_407 : i32
            %add3A_409 = arith.constant 7 : i32
            %add3A_410 = arith.addi %mul3A_408, %add3A_409 : i32
            %get3A_411 = arith.index_cast %add3A_410 : i32 to index
            %get3A_412 = arith.constant 64 : index
            %get3A_413 = tpu.vector_load %arg11[%get3A_411, %get3A_412] {strides = array<i32>} : memref<80x128xf32, #tpu.memory_space<vmem>>, vector<1x16xf32>,
            %get3A_414 = vector.shape_cast %get3A_413 : vector<1x16xf32> to vector<16xf32>
            %mul3A_415 = vector.broadcast %squeeze3A_406 : f32 to vector<16xf32>
            %mul3A_416 = arith.mulf %get3A_414, %mul3A_415 : vector<16xf32>
            %swap3A_417 = arith.index_cast %add3A_410 : i32 to index
            %swap3A_418 = arith.constant 0 : index
            %swap3A_419 = tpu.vector_load %arg12[%swap3A_417, %swap3A_418] {strides = array<i32>} : memref<80x64xf32, #tpu.memory_space<vmem>>, vector<1x16xf32>,
            %swap3A_420 = vector.shape_cast %swap3A_419 : vector<1x16xf32> to vector<16xf32>
            %swap3A_421 = vector.shape_cast %mul3A_416 : vector<16xf32> to vector<1x16xf32>
            tpu.vector_store %arg12[%swap3A_417, %swap3A_418], %swap3A_421 {strides = array<i32>} : memref<80x64xf32, #tpu.memory_space<vmem>>, vector<1x16xf32>,
            %get3A_422 = arith.index_cast %add3A_410 : i32 to index
            %get3A_423 = arith.constant 80 : index
            %get3A_424 = tpu.vector_load %arg11[%get3A_422, %get3A_423] {strides = array<i32>} : memref<80x128xf32, #tpu.memory_space<vmem>>, vector<1x16xf32>,
            %get3A_425 = vector.shape_cast %get3A_424 : vector<1x16xf32> to vector<16xf32>
            %mul3A_426 = vector.broadcast %squeeze3A_406 : f32 to vector<16xf32>
            %mul3A_427 = arith.mulf %get3A_425, %mul3A_426 : vector<16xf32>
            %swap3A_428 = arith.index_cast %add3A_410 : i32 to index
            %swap3A_429 = arith.constant 16 : index
            %swap3A_430 = tpu.vector_load %arg12[%swap3A_428, %swap3A_429] {strides = array<i32>} : memref<80x64xf32, #tpu.memory_space<vmem>>, vector<1x16xf32>,
            %swap3A_431 = vector.shape_cast %swap3A_430 : vector<1x16xf32> to vector<16xf32>
            %swap3A_432 = vector.shape_cast %mul3A_427 : vector<16xf32> to vector<1x16xf32>
            tpu.vector_store %arg12[%swap3A_428, %swap3A_429], %swap3A_432 {strides = array<i32>} : memref<80x64xf32, #tpu.memory_space<vmem>>, vector<1x16xf32>,
            %get3A_433 = arith.index_cast %add3A_410 : i32 to index
            %get3A_434 = arith.constant 96 : index
            %get3A_435 = tpu.vector_load %arg11[%get3A_433, %get3A_434] {strides = array<i32>} : memref<80x128xf32, #tpu.memory_space<vmem>>, vector<1x16xf32>,
            %get3A_436 = vector.shape_cast %get3A_435 : vector<1x16xf32> to vector<16xf32>
            %mul3A_437 = vector.broadcast %squeeze3A_406 : f32 to vector<16xf32>
            %mul3A_438 = arith.mulf %get3A_436, %mul3A_437 : vector<16xf32>
            %swap3A_439 = arith.index_cast %add3A_410 : i32 to index
            %swap3A_440 = arith.constant 32 : index
            %swap3A_441 = tpu.vector_load %arg12[%swap3A_439, %swap3A_440] {strides = array<i32>} : memref<80x64xf32, #tpu.memory_space<vmem>>, vector<1x16xf32>,
            %swap3A_442 = vector.shape_cast %swap3A_441 : vector<1x16xf32> to vector<16xf32>
            %swap3A_443 = vector.shape_cast %mul3A_438 : vector<16xf32> to vector<1x16xf32>
            tpu.vector_store %arg12[%swap3A_439, %swap3A_440], %swap3A_443 {strides = array<i32>} : memref<80x64xf32, #tpu.memory_space<vmem>>, vector<1x16xf32>,
            %get3A_444 = arith.index_cast %add3A_410 : i32 to index
            %get3A_445 = arith.constant 112 : index
            %get3A_446 = tpu.vector_load %arg11[%get3A_444, %get3A_445] {strides = array<i32>} : memref<80x128xf32, #tpu.memory_space<vmem>>, vector<1x16xf32>,
            %get3A_447 = vector.shape_cast %get3A_446 : vector<1x16xf32> to vector<16xf32>
            %mul3A_448 = vector.broadcast %squeeze3A_406 : f32 to vector<16xf32>
            %mul3A_449 = arith.mulf %get3A_447, %mul3A_448 : vector<16xf32>
            %swap3A_450 = arith.index_cast %add3A_410 : i32 to index
            %swap3A_451 = arith.constant 48 : index
            %swap3A_452 = tpu.vector_load %arg12[%swap3A_450, %swap3A_451] {strides = array<i32>} : memref<80x64xf32, #tpu.memory_space<vmem>>, vector<1x16xf32>,
            %swap3A_453 = vector.shape_cast %swap3A_452 : vector<1x16xf32> to vector<16xf32>
            %swap3A_454 = vector.shape_cast %mul3A_449 : vector<16xf32> to vector<1x16xf32>
            tpu.vector_store %arg12[%swap3A_450, %swap3A_451], %swap3A_454 {strides = array<i32>} : memref<80x64xf32, #tpu.memory_space<vmem>>, vector<1x16xf32>,
            %slice3A_455 = vector.extract_strided_slice %get3A_58 {offsets = [8], sizes = [1], strides = [1]} : vector<16xf32> to vector<1xf32>
            %squeeze3A_456 = vector.extract %slice3A_455[0] : f32 from vector<1xf32>
            %mul3A_457 = arith.constant 16 : i32
            %mul3A_458 = arith.muli %scan3A_53, %mul3A_457 : i32
            %add3A_459 = arith.constant 8 : i32
            %add3A_460 = arith.addi %mul3A_458, %add3A_459 : i32
            %get3A_461 = arith.index_cast %add3A_460 : i32 to index
            %get3A_462 = arith.constant 64 : index
            %get3A_463 = tpu.vector_load %arg11[%get3A_461, %get3A_462] {strides = array<i32>} : memref<80x128xf32, #tpu.memory_space<vmem>>, vector<1x16xf32>,
            %get3A_464 = vector.shape_cast %get3A_463 : vector<1x16xf32> to vector<16xf32>
            %mul3A_465 = vector.broadcast %squeeze3A_456 : f32 to vector<16xf32>
            %mul3A_466 = arith.mulf %get3A_464, %mul3A_465 : vector<16xf32>
            %swap3A_467 = arith.index_cast %add3A_460 : i32 to index
            %swap3A_468 = arith.constant 0 : index
            %swap3A_469 = tpu.vector_load %arg12[%swap3A_467, %swap3A_468] {strides = array<i32>} : memref<80x64xf32, #tpu.memory_space<vmem>>, vector<1x16xf32>,
            %swap3A_470 = vector.shape_cast %swap3A_469 : vector<1x16xf32> to vector<16xf32>
            %swap3A_471 = vector.shape_cast %mul3A_466 : vector<16xf32> to vector<1x16xf32>
            tpu.vector_store %arg12[%swap3A_467, %swap3A_468], %swap3A_471 {strides = array<i32>} : memref<80x64xf32, #tpu.memory_space<vmem>>, vector<1x16xf32>,
            %get3A_472 = arith.index_cast %add3A_460 : i32 to index
            %get3A_473 = arith.constant 80 : index
            %get3A_474 = tpu.vector_load %arg11[%get3A_472, %get3A_473] {strides = array<i32>} : memref<80x128xf32, #tpu.memory_space<vmem>>, vector<1x16xf32>,
            %get3A_475 = vector.shape_cast %get3A_474 : vector<1x16xf32> to vector<16xf32>
            %mul3A_476 = vector.broadcast %squeeze3A_456 : f32 to vector<16xf32>
            %mul3A_477 = arith.mulf %get3A_475, %mul3A_476 : vector<16xf32>
            %swap3A_478 = arith.index_cast %add3A_460 : i32 to index
            %swap3A_479 = arith.constant 16 : index
            %swap3A_480 = tpu.vector_load %arg12[%swap3A_478, %swap3A_479] {strides = array<i32>} : memref<80x64xf32, #tpu.memory_space<vmem>>, vector<1x16xf32>,
            %swap3A_481 = vector.shape_cast %swap3A_480 : vector<1x16xf32> to vector<16xf32>
            %swap3A_482 = vector.shape_cast %mul3A_477 : vector<16xf32> to vector<1x16xf32>
            tpu.vector_store %arg12[%swap3A_478, %swap3A_479], %swap3A_482 {strides = array<i32>} : memref<80x64xf32, #tpu.memory_space<vmem>>, vector<1x16xf32>,
            %get3A_483 = arith.index_cast %add3A_460 : i32 to index
            %get3A_484 = arith.constant 96 : index
            %get3A_485 = tpu.vector_load %arg11[%get3A_483, %get3A_484] {strides = array<i32>} : memref<80x128xf32, #tpu.memory_space<vmem>>, vector<1x16xf32>,
            %get3A_486 = vector.shape_cast %get3A_485 : vector<1x16xf32> to vector<16xf32>
            %mul3A_487 = vector.broadcast %squeeze3A_456 : f32 to vector<16xf32>
            %mul3A_488 = arith.mulf %get3A_486, %mul3A_487 : vector<16xf32>
            %swap3A_489 = arith.index_cast %add3A_460 : i32 to index
            %swap3A_490 = arith.constant 32 : index
            %swap3A_491 = tpu.vector_load %arg12[%swap3A_489, %swap3A_490] {strides = array<i32>} : memref<80x64xf32, #tpu.memory_space<vmem>>, vector<1x16xf32>,
            %swap3A_492 = vector.shape_cast %swap3A_491 : vector<1x16xf32> to vector<16xf32>
            %swap3A_493 = vector.shape_cast %mul3A_488 : vector<16xf32> to vector<1x16xf32>
            tpu.vector_store %arg12[%swap3A_489, %swap3A_490], %swap3A_493 {strides = array<i32>} : memref<80x64xf32, #tpu.memory_space<vmem>>, vector<1x16xf32>,
            %get3A_494 = arith.index_cast %add3A_460 : i32 to index
            %get3A_495 = arith.constant 112 : index
            %get3A_496 = tpu.vector_load %arg11[%get3A_494, %get3A_495] {strides = array<i32>} : memref<80x128xf32, #tpu.memory_space<vmem>>, vector<1x16xf32>,
            %get3A_497 = vector.shape_cast %get3A_496 : vector<1x16xf32> to vector<16xf32>
            %mul3A_498 = vector.broadcast %squeeze3A_456 : f32 to vector<16xf32>
            %mul3A_499 = arith.mulf %get3A_497, %mul3A_498 : vector<16xf32>
            %swap3A_500 = arith.index_cast %add3A_460 : i32 to index
            %swap3A_501 = arith.constant 48 : index
            %swap3A_502 = tpu.vector_load %arg12[%swap3A_500, %swap3A_501] {strides = array<i32>} : memref<80x64xf32, #tpu.memory_space<vmem>>, vector<1x16xf32>,
            %swap3A_503 = vector.shape_cast %swap3A_502 : vector<1x16xf32> to vector<16xf32>
            %swap3A_504 = vector.shape_cast %mul3A_499 : vector<16xf32> to vector<1x16xf32>
            tpu.vector_store %arg12[%swap3A_500, %swap3A_501], %swap3A_504 {strides = array<i32>} : memref<80x64xf32, #tpu.memory_space<vmem>>, vector<1x16xf32>,
            %slice3A_505 = vector.extract_strided_slice %get3A_58 {offsets = [9], sizes = [1], strides = [1]} : vector<16xf32> to vector<1xf32>
            %squeeze3A_506 = vector.extract %slice3A_505[0] : f32 from vector<1xf32>
            %mul3A_507 = arith.constant 16 : i32
            %mul3A_508 = arith.muli %scan3A_53, %mul3A_507 : i32
            %add3A_509 = arith.constant 9 : i32
            %add3A_510 = arith.addi %mul3A_508, %add3A_509 : i32
            %get3A_511 = arith.index_cast %add3A_510 : i32 to index
            %get3A_512 = arith.constant 64 : index
            %get3A_513 = tpu.vector_load %arg11[%get3A_511, %get3A_512] {strides = array<i32>} : memref<80x128xf32, #tpu.memory_space<vmem>>, vector<1x16xf32>,
            %get3A_514 = vector.shape_cast %get3A_513 : vector<1x16xf32> to vector<16xf32>
            %mul3A_515 = vector.broadcast %squeeze3A_506 : f32 to vector<16xf32>
            %mul3A_516 = arith.mulf %get3A_514, %mul3A_515 : vector<16xf32>
            %swap3A_517 = arith.index_cast %add3A_510 : i32 to index
            %swap3A_518 = arith.constant 0 : index
            %swap3A_519 = tpu.vector_load %arg12[%swap3A_517, %swap3A_518] {strides = array<i32>} : memref<80x64xf32, #tpu.memory_space<vmem>>, vector<1x16xf32>,
            %swap3A_520 = vector.shape_cast %swap3A_519 : vector<1x16xf32> to vector<16xf32>
            %swap3A_521 = vector.shape_cast %mul3A_516 : vector<16xf32> to vector<1x16xf32>
            tpu.vector_store %arg12[%swap3A_517, %swap3A_518], %swap3A_521 {strides = array<i32>} : memref<80x64xf32, #tpu.memory_space<vmem>>, vector<1x16xf32>,
            %get3A_522 = arith.index_cast %add3A_510 : i32 to index
            %get3A_523 = arith.constant 80 : index
            %get3A_524 = tpu.vector_load %arg11[%get3A_522, %get3A_523] {strides = array<i32>} : memref<80x128xf32, #tpu.memory_space<vmem>>, vector<1x16xf32>,
            %get3A_525 = vector.shape_cast %get3A_524 : vector<1x16xf32> to vector<16xf32>
            %mul3A_526 = vector.broadcast %squeeze3A_506 : f32 to vector<16xf32>
            %mul3A_527 = arith.mulf %get3A_525, %mul3A_526 : vector<16xf32>
            %swap3A_528 = arith.index_cast %add3A_510 : i32 to index
            %swap3A_529 = arith.constant 16 : index
            %swap3A_530 = tpu.vector_load %arg12[%swap3A_528, %swap3A_529] {strides = array<i32>} : memref<80x64xf32, #tpu.memory_space<vmem>>, vector<1x16xf32>,
            %swap3A_531 = vector.shape_cast %swap3A_530 : vector<1x16xf32> to vector<16xf32>
            %swap3A_532 = vector.shape_cast %mul3A_527 : vector<16xf32> to vector<1x16xf32>
            tpu.vector_store %arg12[%swap3A_528, %swap3A_529], %swap3A_532 {strides = array<i32>} : memref<80x64xf32, #tpu.memory_space<vmem>>, vector<1x16xf32>,
            %get3A_533 = arith.index_cast %add3A_510 : i32 to index
            %get3A_534 = arith.constant 96 : index
            %get3A_535 = tpu.vector_load %arg11[%get3A_533, %get3A_534] {strides = array<i32>} : memref<80x128xf32, #tpu.memory_space<vmem>>, vector<1x16xf32>,
            %get3A_536 = vector.shape_cast %get3A_535 : vector<1x16xf32> to vector<16xf32>
            %mul3A_537 = vector.broadcast %squeeze3A_506 : f32 to vector<16xf32>
            %mul3A_538 = arith.mulf %get3A_536, %mul3A_537 : vector<16xf32>
            %swap3A_539 = arith.index_cast %add3A_510 : i32 to index
            %swap3A_540 = arith.constant 32 : index
            %swap3A_541 = tpu.vector_load %arg12[%swap3A_539, %swap3A_540] {strides = array<i32>} : memref<80x64xf32, #tpu.memory_space<vmem>>, vector<1x16xf32>,
            %swap3A_542 = vector.shape_cast %swap3A_541 : vector<1x16xf32> to vector<16xf32>
            %swap3A_543 = vector.shape_cast %mul3A_538 : vector<16xf32> to vector<1x16xf32>
            tpu.vector_store %arg12[%swap3A_539, %swap3A_540], %swap3A_543 {strides = array<i32>} : memref<80x64xf32, #tpu.memory_space<vmem>>, vector<1x16xf32>,
            %get3A_544 = arith.index_cast %add3A_510 : i32 to index
            %get3A_545 = arith.constant 112 : index
            %get3A_546 = tpu.vector_load %arg11[%get3A_544, %get3A_545] {strides = array<i32>} : memref<80x128xf32, #tpu.memory_space<vmem>>, vector<1x16xf32>,
            %get3A_547 = vector.shape_cast %get3A_546 : vector<1x16xf32> to vector<16xf32>
            %mul3A_548 = vector.broadcast %squeeze3A_506 : f32 to vector<16xf32>
            %mul3A_549 = arith.mulf %get3A_547, %mul3A_548 : vector<16xf32>
            %swap3A_550 = arith.index_cast %add3A_510 : i32 to index
            %swap3A_551 = arith.constant 48 : index
            %swap3A_552 = tpu.vector_load %arg12[%swap3A_550, %swap3A_551] {strides = array<i32>} : memref<80x64xf32, #tpu.memory_space<vmem>>, vector<1x16xf32>,
            %swap3A_553 = vector.shape_cast %swap3A_552 : vector<1x16xf32> to vector<16xf32>
            %swap3A_554 = vector.shape_cast %mul3A_549 : vector<16xf32> to vector<1x16xf32>
            tpu.vector_store %arg12[%swap3A_550, %swap3A_551], %swap3A_554 {strides = array<i32>} : memref<80x64xf32, #tpu.memory_space<vmem>>, vector<1x16xf32>,
            %slice3A_555 = vector.extract_strided_slice %get3A_58 {offsets = [10], sizes = [1], strides = [1]} : vector<16xf32> to vector<1xf32>
            %squeeze3A_556 = vector.extract %slice3A_555[0] : f32 from vector<1xf32>
            %mul3A_557 = arith.constant 16 : i32
            %mul3A_558 = arith.muli %scan3A_53, %mul3A_557 : i32
            %add3A_559 = arith.constant 10 : i32
            %add3A_560 = arith.addi %mul3A_558, %add3A_559 : i32
            %get3A_561 = arith.index_cast %add3A_560 : i32 to index
            %get3A_562 = arith.constant 64 : index
            %get3A_563 = tpu.vector_load %arg11[%get3A_561, %get3A_562] {strides = array<i32>} : memref<80x128xf32, #tpu.memory_space<vmem>>, vector<1x16xf32>,
            %get3A_564 = vector.shape_cast %get3A_563 : vector<1x16xf32> to vector<16xf32>
            %mul3A_565 = vector.broadcast %squeeze3A_556 : f32 to vector<16xf32>
            %mul3A_566 = arith.mulf %get3A_564, %mul3A_565 : vector<16xf32>
            %swap3A_567 = arith.index_cast %add3A_560 : i32 to index
            %swap3A_568 = arith.constant 0 : index
            %swap3A_569 = tpu.vector_load %arg12[%swap3A_567, %swap3A_568] {strides = array<i32>} : memref<80x64xf32, #tpu.memory_space<vmem>>, vector<1x16xf32>,
            %swap3A_570 = vector.shape_cast %swap3A_569 : vector<1x16xf32> to vector<16xf32>
            %swap3A_571 = vector.shape_cast %mul3A_566 : vector<16xf32> to vector<1x16xf32>
            tpu.vector_store %arg12[%swap3A_567, %swap3A_568], %swap3A_571 {strides = array<i32>} : memref<80x64xf32, #tpu.memory_space<vmem>>, vector<1x16xf32>,
            %get3A_572 = arith.index_cast %add3A_560 : i32 to index
            %get3A_573 = arith.constant 80 : index
            %get3A_574 = tpu.vector_load %arg11[%get3A_572, %get3A_573] {strides = array<i32>} : memref<80x128xf32, #tpu.memory_space<vmem>>, vector<1x16xf32>,
            %get3A_575 = vector.shape_cast %get3A_574 : vector<1x16xf32> to vector<16xf32>
            %mul3A_576 = vector.broadcast %squeeze3A_556 : f32 to vector<16xf32>
            %mul3A_577 = arith.mulf %get3A_575, %mul3A_576 : vector<16xf32>
            %swap3A_578 = arith.index_cast %add3A_560 : i32 to index
            %swap3A_579 = arith.constant 16 : index
            %swap3A_580 = tpu.vector_load %arg12[%swap3A_578, %swap3A_579] {strides = array<i32>} : memref<80x64xf32, #tpu.memory_space<vmem>>, vector<1x16xf32>,
            %swap3A_581 = vector.shape_cast %swap3A_580 : vector<1x16xf32> to vector<16xf32>
            %swap3A_582 = vector.shape_cast %mul3A_577 : vector<16xf32> to vector<1x16xf32>
            tpu.vector_store %arg12[%swap3A_578, %swap3A_579], %swap3A_582 {strides = array<i32>} : memref<80x64xf32, #tpu.memory_space<vmem>>, vector<1x16xf32>,
            %get3A_583 = arith.index_cast %add3A_560 : i32 to index
            %get3A_584 = arith.constant 96 : index
            %get3A_585 = tpu.vector_load %arg11[%get3A_583, %get3A_584] {strides = array<i32>} : memref<80x128xf32, #tpu.memory_space<vmem>>, vector<1x16xf32>,
            %get3A_586 = vector.shape_cast %get3A_585 : vector<1x16xf32> to vector<16xf32>
            %mul3A_587 = vector.broadcast %squeeze3A_556 : f32 to vector<16xf32>
            %mul3A_588 = arith.mulf %get3A_586, %mul3A_587 : vector<16xf32>
            %swap3A_589 = arith.index_cast %add3A_560 : i32 to index
            %swap3A_590 = arith.constant 32 : index
            %swap3A_591 = tpu.vector_load %arg12[%swap3A_589, %swap3A_590] {strides = array<i32>} : memref<80x64xf32, #tpu.memory_space<vmem>>, vector<1x16xf32>,
            %swap3A_592 = vector.shape_cast %swap3A_591 : vector<1x16xf32> to vector<16xf32>
            %swap3A_593 = vector.shape_cast %mul3A_588 : vector<16xf32> to vector<1x16xf32>
            tpu.vector_store %arg12[%swap3A_589, %swap3A_590], %swap3A_593 {strides = array<i32>} : memref<80x64xf32, #tpu.memory_space<vmem>>, vector<1x16xf32>,
            %get3A_594 = arith.index_cast %add3A_560 : i32 to index
            %get3A_595 = arith.constant 112 : index
            %get3A_596 = tpu.vector_load %arg11[%get3A_594, %get3A_595] {strides = array<i32>} : memref<80x128xf32, #tpu.memory_space<vmem>>, vector<1x16xf32>,
            %get3A_597 = vector.shape_cast %get3A_596 : vector<1x16xf32> to vector<16xf32>
            %mul3A_598 = vector.broadcast %squeeze3A_556 : f32 to vector<16xf32>
            %mul3A_599 = arith.mulf %get3A_597, %mul3A_598 : vector<16xf32>
            %swap3A_600 = arith.index_cast %add3A_560 : i32 to index
            %swap3A_601 = arith.constant 48 : index
            %swap3A_602 = tpu.vector_load %arg12[%swap3A_600, %swap3A_601] {strides = array<i32>} : memref<80x64xf32, #tpu.memory_space<vmem>>, vector<1x16xf32>,
            %swap3A_603 = vector.shape_cast %swap3A_602 : vector<1x16xf32> to vector<16xf32>
            %swap3A_604 = vector.shape_cast %mul3A_599 : vector<16xf32> to vector<1x16xf32>
            tpu.vector_store %arg12[%swap3A_600, %swap3A_601], %swap3A_604 {strides = array<i32>} : memref<80x64xf32, #tpu.memory_space<vmem>>, vector<1x16xf32>,
            %slice3A_605 = vector.extract_strided_slice %get3A_58 {offsets = [11], sizes = [1], strides = [1]} : vector<16xf32> to vector<1xf32>
            %squeeze3A_606 = vector.extract %slice3A_605[0] : f32 from vector<1xf32>
            %mul3A_607 = arith.constant 16 : i32
            %mul3A_608 = arith.muli %scan3A_53, %mul3A_607 : i32
            %add3A_609 = arith.constant 11 : i32
            %add3A_610 = arith.addi %mul3A_608, %add3A_609 : i32
            %get3A_611 = arith.index_cast %add3A_610 : i32 to index
            %get3A_612 = arith.constant 64 : index
            %get3A_613 = tpu.vector_load %arg11[%get3A_611, %get3A_612] {strides = array<i32>} : memref<80x128xf32, #tpu.memory_space<vmem>>, vector<1x16xf32>,
            %get3A_614 = vector.shape_cast %get3A_613 : vector<1x16xf32> to vector<16xf32>
            %mul3A_615 = vector.broadcast %squeeze3A_606 : f32 to vector<16xf32>
            %mul3A_616 = arith.mulf %get3A_614, %mul3A_615 : vector<16xf32>
            %swap3A_617 = arith.index_cast %add3A_610 : i32 to index
            %swap3A_618 = arith.constant 0 : index
            %swap3A_619 = tpu.vector_load %arg12[%swap3A_617, %swap3A_618] {strides = array<i32>} : memref<80x64xf32, #tpu.memory_space<vmem>>, vector<1x16xf32>,
            %swap3A_620 = vector.shape_cast %swap3A_619 : vector<1x16xf32> to vector<16xf32>
            %swap3A_621 = vector.shape_cast %mul3A_616 : vector<16xf32> to vector<1x16xf32>
            tpu.vector_store %arg12[%swap3A_617, %swap3A_618], %swap3A_621 {strides = array<i32>} : memref<80x64xf32, #tpu.memory_space<vmem>>, vector<1x16xf32>,
            %get3A_622 = arith.index_cast %add3A_610 : i32 to index
            %get3A_623 = arith.constant 80 : index
            %get3A_624 = tpu.vector_load %arg11[%get3A_622, %get3A_623] {strides = array<i32>} : memref<80x128xf32, #tpu.memory_space<vmem>>, vector<1x16xf32>,
            %get3A_625 = vector.shape_cast %get3A_624 : vector<1x16xf32> to vector<16xf32>
            %mul3A_626 = vector.broadcast %squeeze3A_606 : f32 to vector<16xf32>
            %mul3A_627 = arith.mulf %get3A_625, %mul3A_626 : vector<16xf32>
            %swap3A_628 = arith.index_cast %add3A_610 : i32 to index
            %swap3A_629 = arith.constant 16 : index
            %swap3A_630 = tpu.vector_load %arg12[%swap3A_628, %swap3A_629] {strides = array<i32>} : memref<80x64xf32, #tpu.memory_space<vmem>>, vector<1x16xf32>,
            %swap3A_631 = vector.shape_cast %swap3A_630 : vector<1x16xf32> to vector<16xf32>
            %swap3A_632 = vector.shape_cast %mul3A_627 : vector<16xf32> to vector<1x16xf32>
            tpu.vector_store %arg12[%swap3A_628, %swap3A_629], %swap3A_632 {strides = array<i32>} : memref<80x64xf32, #tpu.memory_space<vmem>>, vector<1x16xf32>,
            %get3A_633 = arith.index_cast %add3A_610 : i32 to index
            %get3A_634 = arith.constant 96 : index
            %get3A_635 = tpu.vector_load %arg11[%get3A_633, %get3A_634] {strides = array<i32>} : memref<80x128xf32, #tpu.memory_space<vmem>>, vector<1x16xf32>,
            %get3A_636 = vector.shape_cast %get3A_635 : vector<1x16xf32> to vector<16xf32>
            %mul3A_637 = vector.broadcast %squeeze3A_606 : f32 to vector<16xf32>
            %mul3A_638 = arith.mulf %get3A_636, %mul3A_637 : vector<16xf32>
            %swap3A_639 = arith.index_cast %add3A_610 : i32 to index
            %swap3A_640 = arith.constant 32 : index
            %swap3A_641 = tpu.vector_load %arg12[%swap3A_639, %swap3A_640] {strides = array<i32>} : memref<80x64xf32, #tpu.memory_space<vmem>>, vector<1x16xf32>,
            %swap3A_642 = vector.shape_cast %swap3A_641 : vector<1x16xf32> to vector<16xf32>
            %swap3A_643 = vector.shape_cast %mul3A_638 : vector<16xf32> to vector<1x16xf32>
            tpu.vector_store %arg12[%swap3A_639, %swap3A_640], %swap3A_643 {strides = array<i32>} : memref<80x64xf32, #tpu.memory_space<vmem>>, vector<1x16xf32>,
            %get3A_644 = arith.index_cast %add3A_610 : i32 to index
            %get3A_645 = arith.constant 112 : index
            %get3A_646 = tpu.vector_load %arg11[%get3A_644, %get3A_645] {strides = array<i32>} : memref<80x128xf32, #tpu.memory_space<vmem>>, vector<1x16xf32>,
            %get3A_647 = vector.shape_cast %get3A_646 : vector<1x16xf32> to vector<16xf32>
            %mul3A_648 = vector.broadcast %squeeze3A_606 : f32 to vector<16xf32>
            %mul3A_649 = arith.mulf %get3A_647, %mul3A_648 : vector<16xf32>
            %swap3A_650 = arith.index_cast %add3A_610 : i32 to index
            %swap3A_651 = arith.constant 48 : index
            %swap3A_652 = tpu.vector_load %arg12[%swap3A_650, %swap3A_651] {strides = array<i32>} : memref<80x64xf32, #tpu.memory_space<vmem>>, vector<1x16xf32>,
            %swap3A_653 = vector.shape_cast %swap3A_652 : vector<1x16xf32> to vector<16xf32>
            %swap3A_654 = vector.shape_cast %mul3A_649 : vector<16xf32> to vector<1x16xf32>
            tpu.vector_store %arg12[%swap3A_650, %swap3A_651], %swap3A_654 {strides = array<i32>} : memref<80x64xf32, #tpu.memory_space<vmem>>, vector<1x16xf32>,
            %slice3A_655 = vector.extract_strided_slice %get3A_58 {offsets = [12], sizes = [1], strides = [1]} : vector<16xf32> to vector<1xf32>
            %squeeze3A_656 = vector.extract %slice3A_655[0] : f32 from vector<1xf32>
            %mul3A_657 = arith.constant 16 : i32
            %mul3A_658 = arith.muli %scan3A_53, %mul3A_657 : i32
            %add3A_659 = arith.constant 12 : i32
            %add3A_660 = arith.addi %mul3A_658, %add3A_659 : i32
            %get3A_661 = arith.index_cast %add3A_660 : i32 to index
            %get3A_662 = arith.constant 64 : index
            %get3A_663 = tpu.vector_load %arg11[%get3A_661, %get3A_662] {strides = array<i32>} : memref<80x128xf32, #tpu.memory_space<vmem>>, vector<1x16xf32>,
            %get3A_664 = vector.shape_cast %get3A_663 : vector<1x16xf32> to vector<16xf32>
            %mul3A_665 = vector.broadcast %squeeze3A_656 : f32 to vector<16xf32>
            %mul3A_666 = arith.mulf %get3A_664, %mul3A_665 : vector<16xf32>
            %swap3A_667 = arith.index_cast %add3A_660 : i32 to index
            %swap3A_668 = arith.constant 0 : index
            %swap3A_669 = tpu.vector_load %arg12[%swap3A_667, %swap3A_668] {strides = array<i32>} : memref<80x64xf32, #tpu.memory_space<vmem>>, vector<1x16xf32>,
            %swap3A_670 = vector.shape_cast %swap3A_669 : vector<1x16xf32> to vector<16xf32>
            %swap3A_671 = vector.shape_cast %mul3A_666 : vector<16xf32> to vector<1x16xf32>
            tpu.vector_store %arg12[%swap3A_667, %swap3A_668], %swap3A_671 {strides = array<i32>} : memref<80x64xf32, #tpu.memory_space<vmem>>, vector<1x16xf32>,
            %get3A_672 = arith.index_cast %add3A_660 : i32 to index
            %get3A_673 = arith.constant 80 : index
            %get3A_674 = tpu.vector_load %arg11[%get3A_672, %get3A_673] {strides = array<i32>} : memref<80x128xf32, #tpu.memory_space<vmem>>, vector<1x16xf32>,
            %get3A_675 = vector.shape_cast %get3A_674 : vector<1x16xf32> to vector<16xf32>
            %mul3A_676 = vector.broadcast %squeeze3A_656 : f32 to vector<16xf32>
            %mul3A_677 = arith.mulf %get3A_675, %mul3A_676 : vector<16xf32>
            %swap3A_678 = arith.index_cast %add3A_660 : i32 to index
            %swap3A_679 = arith.constant 16 : index
            %swap3A_680 = tpu.vector_load %arg12[%swap3A_678, %swap3A_679] {strides = array<i32>} : memref<80x64xf32, #tpu.memory_space<vmem>>, vector<1x16xf32>,
            %swap3A_681 = vector.shape_cast %swap3A_680 : vector<1x16xf32> to vector<16xf32>
            %swap3A_682 = vector.shape_cast %mul3A_677 : vector<16xf32> to vector<1x16xf32>
            tpu.vector_store %arg12[%swap3A_678, %swap3A_679], %swap3A_682 {strides = array<i32>} : memref<80x64xf32, #tpu.memory_space<vmem>>, vector<1x16xf32>,
            %get3A_683 = arith.index_cast %add3A_660 : i32 to index
            %get3A_684 = arith.constant 96 : index
            %get3A_685 = tpu.vector_load %arg11[%get3A_683, %get3A_684] {strides = array<i32>} : memref<80x128xf32, #tpu.memory_space<vmem>>, vector<1x16xf32>,
            %get3A_686 = vector.shape_cast %get3A_685 : vector<1x16xf32> to vector<16xf32>
            %mul3A_687 = vector.broadcast %squeeze3A_656 : f32 to vector<16xf32>
            %mul3A_688 = arith.mulf %get3A_686, %mul3A_687 : vector<16xf32>
            %swap3A_689 = arith.index_cast %add3A_660 : i32 to index
            %swap3A_690 = arith.constant 32 : index
            %swap3A_691 = tpu.vector_load %arg12[%swap3A_689, %swap3A_690] {strides = array<i32>} : memref<80x64xf32, #tpu.memory_space<vmem>>, vector<1x16xf32>,
            %swap3A_692 = vector.shape_cast %swap3A_691 : vector<1x16xf32> to vector<16xf32>
            %swap3A_693 = vector.shape_cast %mul3A_688 : vector<16xf32> to vector<1x16xf32>
            tpu.vector_store %arg12[%swap3A_689, %swap3A_690], %swap3A_693 {strides = array<i32>} : memref<80x64xf32, #tpu.memory_space<vmem>>, vector<1x16xf32>,
            %get3A_694 = arith.index_cast %add3A_660 : i32 to index
            %get3A_695 = arith.constant 112 : index
            %get3A_696 = tpu.vector_load %arg11[%get3A_694, %get3A_695] {strides = array<i32>} : memref<80x128xf32, #tpu.memory_space<vmem>>, vector<1x16xf32>,
            %get3A_697 = vector.shape_cast %get3A_696 : vector<1x16xf32> to vector<16xf32>
            %mul3A_698 = vector.broadcast %squeeze3A_656 : f32 to vector<16xf32>
            %mul3A_699 = arith.mulf %get3A_697, %mul3A_698 : vector<16xf32>
            %swap3A_700 = arith.index_cast %add3A_660 : i32 to index
            %swap3A_701 = arith.constant 48 : index
            %swap3A_702 = tpu.vector_load %arg12[%swap3A_700, %swap3A_701] {strides = array<i32>} : memref<80x64xf32, #tpu.memory_space<vmem>>, vector<1x16xf32>,
            %swap3A_703 = vector.shape_cast %swap3A_702 : vector<1x16xf32> to vector<16xf32>
            %swap3A_704 = vector.shape_cast %mul3A_699 : vector<16xf32> to vector<1x16xf32>
            tpu.vector_store %arg12[%swap3A_700, %swap3A_701], %swap3A_704 {strides = array<i32>} : memref<80x64xf32, #tpu.memory_space<vmem>>, vector<1x16xf32>,
            %slice3A_705 = vector.extract_strided_slice %get3A_58 {offsets = [13], sizes = [1], strides = [1]} : vector<16xf32> to vector<1xf32>
            %squeeze3A_706 = vector.extract %slice3A_705[0] : f32 from vector<1xf32>
            %mul3A_707 = arith.constant 16 : i32
            %mul3A_708 = arith.muli %scan3A_53, %mul3A_707 : i32
            %add3A_709 = arith.constant 13 : i32
            %add3A_710 = arith.addi %mul3A_708, %add3A_709 : i32
            %get3A_711 = arith.index_cast %add3A_710 : i32 to index
            %get3A_712 = arith.constant 64 : index
            %get3A_713 = tpu.vector_load %arg11[%get3A_711, %get3A_712] {strides = array<i32>} : memref<80x128xf32, #tpu.memory_space<vmem>>, vector<1x16xf32>,
            %get3A_714 = vector.shape_cast %get3A_713 : vector<1x16xf32> to vector<16xf32>
            %mul3A_715 = vector.broadcast %squeeze3A_706 : f32 to vector<16xf32>
            %mul3A_716 = arith.mulf %get3A_714, %mul3A_715 : vector<16xf32>
            %swap3A_717 = arith.index_cast %add3A_710 : i32 to index
            %swap3A_718 = arith.constant 0 : index
            %swap3A_719 = tpu.vector_load %arg12[%swap3A_717, %swap3A_718] {strides = array<i32>} : memref<80x64xf32, #tpu.memory_space<vmem>>, vector<1x16xf32>,
            %swap3A_720 = vector.shape_cast %swap3A_719 : vector<1x16xf32> to vector<16xf32>
            %swap3A_721 = vector.shape_cast %mul3A_716 : vector<16xf32> to vector<1x16xf32>
            tpu.vector_store %arg12[%swap3A_717, %swap3A_718], %swap3A_721 {strides = array<i32>} : memref<80x64xf32, #tpu.memory_space<vmem>>, vector<1x16xf32>,
            %get3A_722 = arith.index_cast %add3A_710 : i32 to index
            %get3A_723 = arith.constant 80 : index
            %get3A_724 = tpu.vector_load %arg11[%get3A_722, %get3A_723] {strides = array<i32>} : memref<80x128xf32, #tpu.memory_space<vmem>>, vector<1x16xf32>,
            %get3A_725 = vector.shape_cast %get3A_724 : vector<1x16xf32> to vector<16xf32>
            %mul3A_726 = vector.broadcast %squeeze3A_706 : f32 to vector<16xf32>
            %mul3A_727 = arith.mulf %get3A_725, %mul3A_726 : vector<16xf32>
            %swap3A_728 = arith.index_cast %add3A_710 : i32 to index
            %swap3A_729 = arith.constant 16 : index
            %swap3A_730 = tpu.vector_load %arg12[%swap3A_728, %swap3A_729] {strides = array<i32>} : memref<80x64xf32, #tpu.memory_space<vmem>>, vector<1x16xf32>,
            %swap3A_731 = vector.shape_cast %swap3A_730 : vector<1x16xf32> to vector<16xf32>
            %swap3A_732 = vector.shape_cast %mul3A_727 : vector<16xf32> to vector<1x16xf32>
            tpu.vector_store %arg12[%swap3A_728, %swap3A_729], %swap3A_732 {strides = array<i32>} : memref<80x64xf32, #tpu.memory_space<vmem>>, vector<1x16xf32>,
            %get3A_733 = arith.index_cast %add3A_710 : i32 to index
            %get3A_734 = arith.constant 96 : index
            %get3A_735 = tpu.vector_load %arg11[%get3A_733, %get3A_734] {strides = array<i32>} : memref<80x128xf32, #tpu.memory_space<vmem>>, vector<1x16xf32>,
            %get3A_736 = vector.shape_cast %get3A_735 : vector<1x16xf32> to vector<16xf32>
            %mul3A_737 = vector.broadcast %squeeze3A_706 : f32 to vector<16xf32>
            %mul3A_738 = arith.mulf %get3A_736, %mul3A_737 : vector<16xf32>
            %swap3A_739 = arith.index_cast %add3A_710 : i32 to index
            %swap3A_740 = arith.constant 32 : index
            %swap3A_741 = tpu.vector_load %arg12[%swap3A_739, %swap3A_740] {strides = array<i32>} : memref<80x64xf32, #tpu.memory_space<vmem>>, vector<1x16xf32>,
            %swap3A_742 = vector.shape_cast %swap3A_741 : vector<1x16xf32> to vector<16xf32>
            %swap3A_743 = vector.shape_cast %mul3A_738 : vector<16xf32> to vector<1x16xf32>
            tpu.vector_store %arg12[%swap3A_739, %swap3A_740], %swap3A_743 {strides = array<i32>} : memref<80x64xf32, #tpu.memory_space<vmem>>, vector<1x16xf32>,
            %get3A_744 = arith.index_cast %add3A_710 : i32 to index
            %get3A_745 = arith.constant 112 : index
            %get3A_746 = tpu.vector_load %arg11[%get3A_744, %get3A_745] {strides = array<i32>} : memref<80x128xf32, #tpu.memory_space<vmem>>, vector<1x16xf32>,
            %get3A_747 = vector.shape_cast %get3A_746 : vector<1x16xf32> to vector<16xf32>
            %mul3A_748 = vector.broadcast %squeeze3A_706 : f32 to vector<16xf32>
            %mul3A_749 = arith.mulf %get3A_747, %mul3A_748 : vector<16xf32>
            %swap3A_750 = arith.index_cast %add3A_710 : i32 to index
            %swap3A_751 = arith.constant 48 : index
            %swap3A_752 = tpu.vector_load %arg12[%swap3A_750, %swap3A_751] {strides = array<i32>} : memref<80x64xf32, #tpu.memory_space<vmem>>, vector<1x16xf32>,
            %swap3A_753 = vector.shape_cast %swap3A_752 : vector<1x16xf32> to vector<16xf32>
            %swap3A_754 = vector.shape_cast %mul3A_749 : vector<16xf32> to vector<1x16xf32>
            tpu.vector_store %arg12[%swap3A_750, %swap3A_751], %swap3A_754 {strides = array<i32>} : memref<80x64xf32, #tpu.memory_space<vmem>>, vector<1x16xf32>,
            %slice3A_755 = vector.extract_strided_slice %get3A_58 {offsets = [14], sizes = [1], strides = [1]} : vector<16xf32> to vector<1xf32>
            %squeeze3A_756 = vector.extract %slice3A_755[0] : f32 from vector<1xf32>
            %mul3A_757 = arith.constant 16 : i32
            %mul3A_758 = arith.muli %scan3A_53, %mul3A_757 : i32
            %add3A_759 = arith.constant 14 : i32
            %add3A_760 = arith.addi %mul3A_758, %add3A_759 : i32
            %get3A_761 = arith.index_cast %add3A_760 : i32 to index
            %get3A_762 = arith.constant 64 : index
            %get3A_763 = tpu.vector_load %arg11[%get3A_761, %get3A_762] {strides = array<i32>} : memref<80x128xf32, #tpu.memory_space<vmem>>, vector<1x16xf32>,
            %get3A_764 = vector.shape_cast %get3A_763 : vector<1x16xf32> to vector<16xf32>
            %mul3A_765 = vector.broadcast %squeeze3A_756 : f32 to vector<16xf32>
            %mul3A_766 = arith.mulf %get3A_764, %mul3A_765 : vector<16xf32>
            %swap3A_767 = arith.index_cast %add3A_760 : i32 to index
            %swap3A_768 = arith.constant 0 : index
            %swap3A_769 = tpu.vector_load %arg12[%swap3A_767, %swap3A_768] {strides = array<i32>} : memref<80x64xf32, #tpu.memory_space<vmem>>, vector<1x16xf32>,
            %swap3A_770 = vector.shape_cast %swap3A_769 : vector<1x16xf32> to vector<16xf32>
            %swap3A_771 = vector.shape_cast %mul3A_766 : vector<16xf32> to vector<1x16xf32>
            tpu.vector_store %arg12[%swap3A_767, %swap3A_768], %swap3A_771 {strides = array<i32>} : memref<80x64xf32, #tpu.memory_space<vmem>>, vector<1x16xf32>,
            %get3A_772 = arith.index_cast %add3A_760 : i32 to index
            %get3A_773 = arith.constant 80 : index
            %get3A_774 = tpu.vector_load %arg11[%get3A_772, %get3A_773] {strides = array<i32>} : memref<80x128xf32, #tpu.memory_space<vmem>>, vector<1x16xf32>,
            %get3A_775 = vector.shape_cast %get3A_774 : vector<1x16xf32> to vector<16xf32>
            %mul3A_776 = vector.broadcast %squeeze3A_756 : f32 to vector<16xf32>
            %mul3A_777 = arith.mulf %get3A_775, %mul3A_776 : vector<16xf32>
            %swap3A_778 = arith.index_cast %add3A_760 : i32 to index
            %swap3A_779 = arith.constant 16 : index
            %swap3A_780 = tpu.vector_load %arg12[%swap3A_778, %swap3A_779] {strides = array<i32>} : memref<80x64xf32, #tpu.memory_space<vmem>>, vector<1x16xf32>,
            %swap3A_781 = vector.shape_cast %swap3A_780 : vector<1x16xf32> to vector<16xf32>
            %swap3A_782 = vector.shape_cast %mul3A_777 : vector<16xf32> to vector<1x16xf32>
            tpu.vector_store %arg12[%swap3A_778, %swap3A_779], %swap3A_782 {strides = array<i32>} : memref<80x64xf32, #tpu.memory_space<vmem>>, vector<1x16xf32>,
            %get3A_783 = arith.index_cast %add3A_760 : i32 to index
            %get3A_784 = arith.constant 96 : index
            %get3A_785 = tpu.vector_load %arg11[%get3A_783, %get3A_784] {strides = array<i32>} : memref<80x128xf32, #tpu.memory_space<vmem>>, vector<1x16xf32>,
            %get3A_786 = vector.shape_cast %get3A_785 : vector<1x16xf32> to vector<16xf32>
            %mul3A_787 = vector.broadcast %squeeze3A_756 : f32 to vector<16xf32>
            %mul3A_788 = arith.mulf %get3A_786, %mul3A_787 : vector<16xf32>
            %swap3A_789 = arith.index_cast %add3A_760 : i32 to index
            %swap3A_790 = arith.constant 32 : index
            %swap3A_791 = tpu.vector_load %arg12[%swap3A_789, %swap3A_790] {strides = array<i32>} : memref<80x64xf32, #tpu.memory_space<vmem>>, vector<1x16xf32>,
            %swap3A_792 = vector.shape_cast %swap3A_791 : vector<1x16xf32> to vector<16xf32>
            %swap3A_793 = vector.shape_cast %mul3A_788 : vector<16xf32> to vector<1x16xf32>
            tpu.vector_store %arg12[%swap3A_789, %swap3A_790], %swap3A_793 {strides = array<i32>} : memref<80x64xf32, #tpu.memory_space<vmem>>, vector<1x16xf32>,
            %get3A_794 = arith.index_cast %add3A_760 : i32 to index
            %get3A_795 = arith.constant 112 : index
            %get3A_796 = tpu.vector_load %arg11[%get3A_794, %get3A_795] {strides = array<i32>} : memref<80x128xf32, #tpu.memory_space<vmem>>, vector<1x16xf32>,
            %get3A_797 = vector.shape_cast %get3A_796 : vector<1x16xf32> to vector<16xf32>
            %mul3A_798 = vector.broadcast %squeeze3A_756 : f32 to vector<16xf32>
            %mul3A_799 = arith.mulf %get3A_797, %mul3A_798 : vector<16xf32>
            %swap3A_800 = arith.index_cast %add3A_760 : i32 to index
            %swap3A_801 = arith.constant 48 : index
            %swap3A_802 = tpu.vector_load %arg12[%swap3A_800, %swap3A_801] {strides = array<i32>} : memref<80x64xf32, #tpu.memory_space<vmem>>, vector<1x16xf32>,
            %swap3A_803 = vector.shape_cast %swap3A_802 : vector<1x16xf32> to vector<16xf32>
            %swap3A_804 = vector.shape_cast %mul3A_799 : vector<16xf32> to vector<1x16xf32>
            tpu.vector_store %arg12[%swap3A_800, %swap3A_801], %swap3A_804 {strides = array<i32>} : memref<80x64xf32, #tpu.memory_space<vmem>>, vector<1x16xf32>,
            %slice3A_805 = vector.extract_strided_slice %get3A_58 {offsets = [15], sizes = [1], strides = [1]} : vector<16xf32> to vector<1xf32>
            %squeeze3A_806 = vector.extract %slice3A_805[0] : f32 from vector<1xf32>
            %mul3A_807 = arith.constant 16 : i32
            %mul3A_808 = arith.muli %scan3A_53, %mul3A_807 : i32
            %add3A_809 = arith.constant 15 : i32
            %add3A_810 = arith.addi %mul3A_808, %add3A_809 : i32
            %get3A_811 = arith.index_cast %add3A_810 : i32 to index
            %get3A_812 = arith.constant 64 : index
            %get3A_813 = tpu.vector_load %arg11[%get3A_811, %get3A_812] {strides = array<i32>} : memref<80x128xf32, #tpu.memory_space<vmem>>, vector<1x16xf32>,
            %get3A_814 = vector.shape_cast %get3A_813 : vector<1x16xf32> to vector<16xf32>
            %mul3A_815 = vector.broadcast %squeeze3A_806 : f32 to vector<16xf32>
            %mul3A_816 = arith.mulf %get3A_814, %mul3A_815 : vector<16xf32>
            %swap3A_817 = arith.index_cast %add3A_810 : i32 to index
            %swap3A_818 = arith.constant 0 : index
            %swap3A_819 = tpu.vector_load %arg12[%swap3A_817, %swap3A_818] {strides = array<i32>} : memref<80x64xf32, #tpu.memory_space<vmem>>, vector<1x16xf32>,
            %swap3A_820 = vector.shape_cast %swap3A_819 : vector<1x16xf32> to vector<16xf32>
            %swap3A_821 = vector.shape_cast %mul3A_816 : vector<16xf32> to vector<1x16xf32>
            tpu.vector_store %arg12[%swap3A_817, %swap3A_818], %swap3A_821 {strides = array<i32>} : memref<80x64xf32, #tpu.memory_space<vmem>>, vector<1x16xf32>,
            %get3A_822 = arith.index_cast %add3A_810 : i32 to index
            %get3A_823 = arith.constant 80 : index
            %get3A_824 = tpu.vector_load %arg11[%get3A_822, %get3A_823] {strides = array<i32>} : memref<80x128xf32, #tpu.memory_space<vmem>>, vector<1x16xf32>,
            %get3A_825 = vector.shape_cast %get3A_824 : vector<1x16xf32> to vector<16xf32>
            %mul3A_826 = vector.broadcast %squeeze3A_806 : f32 to vector<16xf32>
            %mul3A_827 = arith.mulf %get3A_825, %mul3A_826 : vector<16xf32>
            %swap3A_828 = arith.index_cast %add3A_810 : i32 to index
            %swap3A_829 = arith.constant 16 : index
            %swap3A_830 = tpu.vector_load %arg12[%swap3A_828, %swap3A_829] {strides = array<i32>} : memref<80x64xf32, #tpu.memory_space<vmem>>, vector<1x16xf32>,
            %swap3A_831 = vector.shape_cast %swap3A_830 : vector<1x16xf32> to vector<16xf32>
            %swap3A_832 = vector.shape_cast %mul3A_827 : vector<16xf32> to vector<1x16xf32>
            tpu.vector_store %arg12[%swap3A_828, %swap3A_829], %swap3A_832 {strides = array<i32>} : memref<80x64xf32, #tpu.memory_space<vmem>>, vector<1x16xf32>,
            %get3A_833 = arith.index_cast %add3A_810 : i32 to index
            %get3A_834 = arith.constant 96 : index
            %get3A_835 = tpu.vector_load %arg11[%get3A_833, %get3A_834] {strides = array<i32>} : memref<80x128xf32, #tpu.memory_space<vmem>>, vector<1x16xf32>,
            %get3A_836 = vector.shape_cast %get3A_835 : vector<1x16xf32> to vector<16xf32>
            %mul3A_837 = vector.broadcast %squeeze3A_806 : f32 to vector<16xf32>
            %mul3A_838 = arith.mulf %get3A_836, %mul3A_837 : vector<16xf32>
            %swap3A_839 = arith.index_cast %add3A_810 : i32 to index
            %swap3A_840 = arith.constant 32 : index
            %swap3A_841 = tpu.vector_load %arg12[%swap3A_839, %swap3A_840] {strides = array<i32>} : memref<80x64xf32, #tpu.memory_space<vmem>>, vector<1x16xf32>,
            %swap3A_842 = vector.shape_cast %swap3A_841 : vector<1x16xf32> to vector<16xf32>
            %swap3A_843 = vector.shape_cast %mul3A_838 : vector<16xf32> to vector<1x16xf32>
            tpu.vector_store %arg12[%swap3A_839, %swap3A_840], %swap3A_843 {strides = array<i32>} : memref<80x64xf32, #tpu.memory_space<vmem>>, vector<1x16xf32>,
            %get3A_844 = arith.index_cast %add3A_810 : i32 to index
            %get3A_845 = arith.constant 112 : index
            %get3A_846 = tpu.vector_load %arg11[%get3A_844, %get3A_845] {strides = array<i32>} : memref<80x128xf32, #tpu.memory_space<vmem>>, vector<1x16xf32>,
            %get3A_847 = vector.shape_cast %get3A_846 : vector<1x16xf32> to vector<16xf32>
            %mul3A_848 = vector.broadcast %squeeze3A_806 : f32 to vector<16xf32>
            %mul3A_849 = arith.mulf %get3A_847, %mul3A_848 : vector<16xf32>
            %swap3A_850 = arith.index_cast %add3A_810 : i32 to index
            %swap3A_851 = arith.constant 48 : index
            %swap3A_852 = tpu.vector_load %arg12[%swap3A_850, %swap3A_851] {strides = array<i32>} : memref<80x64xf32, #tpu.memory_space<vmem>>, vector<1x16xf32>,
            %swap3A_853 = vector.shape_cast %swap3A_852 : vector<1x16xf32> to vector<16xf32>
            %swap3A_854 = vector.shape_cast %mul3A_849 : vector<16xf32> to vector<1x16xf32>
            tpu.vector_store %arg12[%swap3A_850, %swap3A_851], %swap3A_854 {strides = array<i32>} : memref<80x64xf32, #tpu.memory_space<vmem>>, vector<1x16xf32>,
            %scan3A_855 = arith.constant 0 : i32
            scf.yield %scan3A_855 : i32
          }
          %scan3A_52 = arith.constant 5 : i32
        } else {
        }
        "tpu.region"() ({
          %run_scoped3A = tpu.sem_alloc : memref<!tpu.dma_semaphore, #tpu.memory_space<semaphore_mem>>
          %dma_start3A_46 = arith.constant 0 : i32
          %dma_start3A_47 = tpu.memref_slice %arg9[%scan3A_24, %dma_start3A_46] : memref<10x80xi32, #tpu.memory_space<vmem>> -> memref<1x80xi32, #tpu.memory_space<vmem>>
          %dma_start3A_48 = tpu.memref_squeeze %dma_start3A_47 : memref<1x80xi32, #tpu.memory_space<vmem>> -> memref<80xi32, #tpu.memory_space<vmem>>
          %dma_start3A_49 = arith.constant 0 : i32
          %dma_start3A_50 = arith.constant 0 : i32
          %dma_start3A_51 = tpu.memref_slice %arg13[%dma_start3A_49, %dma_start3A_50] : memref<10000x64xf32, #tpu.memory_space<vmem_shared>> -> memref<10000x64xf32, #tpu.memory_space<vmem_shared>>
          tpu.enqueue_indirect_dma source(%arg12 : memref<80x64xf32, #tpu.memory_space<vmem>>) target(%dma_start3A_51 : memref<10000x64xf32, #tpu.memory_space<vmem_shared>>) offsets(%dma_start3A_48 : memref<80xi32, #tpu.memory_space<vmem>>) semaphore(%run_scoped3A : memref<!tpu.dma_semaphore, #tpu.memory_space<semaphore_mem>>) {add = true}
          %dma_wait3A_52 = arith.constant 0 : i32
          %dma_wait3A_53 = tpu.memref_slice %arg9[%scan3A_24, %dma_wait3A_52] : memref<10x80xi32, #tpu.memory_space<vmem>> -> memref<1x80xi32, #tpu.memory_space<vmem>>
          %dma_wait3A_54 = tpu.memref_squeeze %dma_wait3A_53 : memref<1x80xi32, #tpu.memory_space<vmem>> -> memref<80xi32, #tpu.memory_space<vmem>>
          %dma_wait3A_55 = arith.constant 0 : i32
          %dma_wait3A_56 = arith.constant 0 : i32
          %dma_wait3A_57 = tpu.memref_slice %arg13[%dma_wait3A_55, %dma_wait3A_56] : memref<10000x64xf32, #tpu.memory_space<vmem_shared>> -> memref<10000x64xf32, #tpu.memory_space<vmem_shared>>
          tpu.wait_indirect_dma semaphore(%run_scoped3A : memref<!tpu.dma_semaphore, #tpu.memory_space<semaphore_mem>>) src(%arg12 : memref<80x64xf32, #tpu.memory_space<vmem>>) dst(%dma_wait3A_57 : memref<10000x64xf32, #tpu.memory_space<vmem_shared>>)
          tpu.yield
        }) : () -> ()
        %scan3A_45 = arith.constant 0 : i32
        scf.yield %scan3A_45 : i32
      }
      %scan3A_22 = arith.constant 10 : i32
      %scan3A_23 = arith.constant 0 : i32
      scf.yield %scan3A_23 : i32
    }
    %scan3A_7 = arith.constant 25 : i32
    %barrier3A_8 = arith.constant 0 : index
    tpu.barrier barrier_id(%barrier3A_8)
    %lt3A_9 = arith.constant 10 : i32
    %lt3A_10 = arith.cmpi slt, %arg1, %lt3A_9 : i32
    %convert_element_type3A_11 = arith.extui %lt3A_10 : i1 to i32
    %cond3A_12 = arith.constant 0 : i32
    %cond3A_13 = arith.cmpi ne, %convert_element_type3A_11, %cond3A_12 : i32
    scf.if %cond3A_13 {
      %mul3A = arith.constant 1000 : i32
      %mul3A_14 = arith.muli %arg1, %mul3A : i32
      "tpu.region"() ({
        %run_scoped3A = tpu.sem_alloc : memref<!tpu.dma_semaphore, #tpu.memory_space<semaphore_mem>>
        %dma_start3A = arith.constant 0 : i32
        %dma_start3A_15 = tpu.memref_slice %arg7[%arg0, %mul3A_14, %dma_start3A] : memref<2x10000x64xf32, #tpu.memory_space<hbm>> -> memref<1x1000x64xf32, #tpu.memory_space<hbm>>
        %dma_start3A_16 = tpu.memref_squeeze %dma_start3A_15 : memref<1x1000x64xf32, #tpu.memory_space<hbm>> -> memref<1000x64xf32, #tpu.memory_space<hbm>>
        %dma_start3A_17 = arith.constant 0 : i32
        %dma_start3A_18 = tpu.memref_slice %arg13[%mul3A_14, %dma_start3A_17] : memref<10000x64xf32, #tpu.memory_space<vmem_shared>> -> memref<1000x64xf32, #tpu.memory_space<vmem_shared>>
        tpu.enqueue_dma source(%dma_start3A_18 : memref<1000x64xf32, #tpu.memory_space<vmem_shared>>) target(%dma_start3A_16 : memref<1000x64xf32, #tpu.memory_space<hbm>>) target_semaphore(%run_scoped3A : memref<!tpu.dma_semaphore, #tpu.memory_space<semaphore_mem>>)
        %dma_wait3A = arith.constant 0 : i32
        %dma_wait3A_19 = tpu.memref_slice %arg7[%arg0, %mul3A_14, %dma_wait3A] : memref<2x10000x64xf32, #tpu.memory_space<hbm>> -> memref<1x1000x64xf32, #tpu.memory_space<hbm>>
        %dma_wait3A_20 = tpu.memref_squeeze %dma_wait3A_19 : memref<1x1000x64xf32, #tpu.memory_space<hbm>> -> memref<1000x64xf32, #tpu.memory_space<hbm>>
        %dma_wait3A_21 = arith.constant 0 : i32
        %dma_wait3A_22 = tpu.memref_slice %arg13[%mul3A_14, %dma_wait3A_21] : memref<10000x64xf32, #tpu.memory_space<vmem_shared>> -> memref<1000x64xf32, #tpu.memory_space<vmem_shared>>
        tpu.wait_dma2 semaphore(%run_scoped3A : memref<!tpu.dma_semaphore, #tpu.memory_space<semaphore_mem>>) src(%dma_wait3A_22 : memref<1000x64xf32, #tpu.memory_space<vmem_shared>>) dst(%dma_wait3A_20 : memref<1000x64xf32, #tpu.memory_space<hbm>>)
        tpu.yield
      }) : () -> ()
    } else {
    }
    return
  }
}

module attributes {stable_mosaic.version = 14 : i64} {
  func.func @_tc_pre_body(%arg0: i32, %arg1: memref<1000x128xf32, #tpu.memory_space<vmem>>, %arg2: memref<128x128xf32, #tpu.memory_space<vmem>>, %arg3: memref<1000x1xf32, #tpu.memory_space<vmem>>, %arg4: memref<1000x1xf32, #tpu.memory_space<vmem>>, %arg5: memref<1000x128xf32, #tpu.memory_space<vmem>>, %arg6: memref<1000x1xf32, #tpu.memory_space<vmem>>) attributes {dimension_semantics = [#tpu.dimension_semantics<arbitrary>], iteration_bounds = array<i64: 10>, scalar_prefetch = 0 : i64, scratch_operands = 0 : i64, tpu.core_type = #tpu.core_type<tc>, window_params = [{transform_indices = @transform_0, window_bounds = array<i64: 1000, 128>}, {pipeline_mode = #tpu.pipeline_mode<synchronous>, transform_indices = @transform_1, window_bounds = array<i64: 128, 128>}, {transform_indices = @transform_2, window_bounds = array<i64: 1000, 1>}, {transform_indices = @transform_3, window_bounds = array<i64: 1000, 1>}, {transform_indices = @transform_4, window_bounds = array<i64: 1000, 128>}, {transform_indices = @transform_5, window_bounds = array<i64: 1000, 1>}]} {
    %get3A = arith.constant 0 : index
    %get3A_0 = arith.constant 0 : index
    %get3A_1 = vector.load %arg3[%get3A, %get3A_0] : memref<1000x1xf32, #tpu.memory_space<vmem>>, vector<1000x1xf32>
    %get3A_2 = arith.constant 0 : index
    %get3A_3 = arith.constant 0 : index
    %get3A_4 = vector.load %arg4[%get3A_2, %get3A_3] : memref<1000x1xf32, #tpu.memory_space<vmem>>, vector<1000x1xf32>
    %add3A = arith.addf %get3A_1, %get3A_4 : vector<1000x1xf32>
    %add3A_5 = arith.constant 1.000000e+00 : f32
    %add3A_6 = vector.broadcast %add3A_5 : f32 to vector<1000x1xf32>
    %add3A_7 = arith.addf %add3A, %add3A_6 : vector<1000x1xf32>
    %rsqrt3A = math.rsqrt %add3A_7 : vector<1000x1xf32>
    %get3A_8 = arith.constant 0 : index
    %get3A_9 = arith.constant 0 : index
    %get3A_10 = vector.load %arg1[%get3A_8, %get3A_9] : memref<1000x128xf32, #tpu.memory_space<vmem>>, vector<1000x128xf32>
    %get3A_11 = arith.constant 0 : index
    %get3A_12 = arith.constant 0 : index
    %get3A_13 = vector.load %arg2[%get3A_11, %get3A_12] : memref<128x128xf32, #tpu.memory_space<vmem>>, vector<128x128xf32>
    %dot_general3A = arith.constant dense<0.000000e+00> : vector<1000x128xf32>
    %dot_general3A_14 = tpu.matmul %get3A_10, %get3A_13, %dot_general3A {dimension_numbers = #tpu.dot_dimension_numbers<[1], [0], [0], [1], [0, 0, 1, 1], [], []>, transpose_lhs_hint = false} : vector<1000x128xf32>, vector<128x128xf32>, vector<1000x128xf32> -> vector<1000x128xf32>
    %mul3A = vector.broadcast %rsqrt3A : vector<1000x1xf32> to vector<1000x128xf32>
    %mul3A_15 = arith.mulf %dot_general3A_14, %mul3A : vector<1000x128xf32>
    %swap3A = arith.constant 0 : index
    %swap3A_16 = arith.constant 0 : index
    %swap3A_17 = vector.load %arg5[%swap3A, %swap3A_16] : memref<1000x128xf32, #tpu.memory_space<vmem>>, vector<1000x128xf32>
    tpu.vector_store %arg5[%swap3A, %swap3A_16], %mul3A_15 {strides = array<i32>} : memref<1000x128xf32, #tpu.memory_space<vmem>>, vector<1000x128xf32>,
    %swap3A_18 = arith.constant 0 : index
    %swap3A_19 = arith.constant 0 : index
    %swap3A_20 = vector.load %arg6[%swap3A_18, %swap3A_19] : memref<1000x1xf32, #tpu.memory_space<vmem>>, vector<1000x1xf32>
    tpu.vector_store %arg6[%swap3A_18, %swap3A_19], %rsqrt3A {strides = array<i32>} : memref<1000x1xf32, #tpu.memory_space<vmem>>, vector<1000x1xf32>,
    return
  }
  func.func @transform_0(%arg0: i32) -> (i32, i32) {
    %c0_i32 = arith.constant 0 : i32
    %c0_i32_0 = arith.constant 0 : i32
    return %arg0, %c0_i32 : i32, i32
  }
  func.func @transform_1(%arg0: i32) -> (i32, i32) {
    %c0_i32 = arith.constant 0 : i32
    %c0_i32_0 = arith.constant 0 : i32
    %c0_i32_1 = arith.constant 0 : i32
    return %c0_i32, %c0_i32_0 : i32, i32
  }
  func.func @transform_2(%arg0: i32) -> (i32, i32) {
    %c0_i32 = arith.constant 0 : i32
    %c0_i32_0 = arith.constant 0 : i32
    return %arg0, %c0_i32 : i32, i32
  }
  func.func @transform_3(%arg0: i32) -> (i32, i32) {
    %c0_i32 = arith.constant 0 : i32
    %c0_i32_0 = arith.constant 0 : i32
    return %arg0, %c0_i32 : i32, i32
  }
  func.func @transform_4(%arg0: i32) -> (i32, i32) {
    %c0_i32 = arith.constant 0 : i32
    %c0_i32_0 = arith.constant 0 : i32
    return %arg0, %c0_i32 : i32, i32
  }
  func.func @transform_5(%arg0: i32) -> (i32, i32) {
    %c0_i32 = arith.constant 0 : i32
    %c0_i32_0 = arith.constant 0 : i32
    return %arg0, %c0_i32 : i32, i32
  }
}

module attributes {stable_mosaic.version = 14 : i64} {
  func.func @_tc_step_body(%arg0: i32, %arg1: memref<2x1000x64xf32, #tpu.memory_space<vmem>>, %arg2: memref<1000x128xf32, #tpu.memory_space<vmem>>, %arg3: memref<1000x1xf32, #tpu.memory_space<vmem>>, %arg4: memref<1x128xf32, #tpu.memory_space<vmem>>, %arg5: memref<128x128xf32, #tpu.memory_space<vmem>>, %arg6: memref<1000x128xf32, #tpu.memory_space<vmem>>, %arg7: memref<1000x128xf32, #tpu.memory_space<vmem>>) attributes {dimension_semantics = [#tpu.dimension_semantics<arbitrary>], iteration_bounds = array<i64: 10>, scalar_prefetch = 0 : i64, scratch_operands = 0 : i64, tpu.core_type = #tpu.core_type<tc>, window_params = [{transform_indices = @transform_0, window_bounds = array<i64: 2, 1000, 64>}, {transform_indices = @transform_1, window_bounds = array<i64: 1000, 128>}, {transform_indices = @transform_2, window_bounds = array<i64: 1000, 1>}, {pipeline_mode = #tpu.pipeline_mode<synchronous>, transform_indices = @transform_3, window_bounds = array<i64: 1, 128>}, {pipeline_mode = #tpu.pipeline_mode<synchronous>, transform_indices = @transform_4, window_bounds = array<i64: 128, 128>}, {transform_indices = @transform_5, window_bounds = array<i64: 1000, 128>}, {transform_indices = @transform_6, window_bounds = array<i64: 1000, 128>}]} {
    %get3A = arith.constant 0 : index
    %get3A_0 = arith.constant 0 : index
    %get3A_1 = vector.load %arg3[%get3A, %get3A_0] : memref<1000x1xf32, #tpu.memory_space<vmem>>, vector<1000x1xf32>
    %get3A_2 = arith.constant 0 : index
    %get3A_3 = arith.constant 0 : index
    %get3A_4 = arith.constant 0 : index
    %get3A_5 = vector.load %arg1[%get3A_2, %get3A_3, %get3A_4] : memref<2x1000x64xf32, #tpu.memory_space<vmem>>, vector<1x1000x64xf32>
    %get3A_6 = vector.shape_cast %get3A_5 : vector<1x1000x64xf32> to vector<1000x64xf32>
    %get3A_7 = arith.constant 1 : index
    %get3A_8 = arith.constant 0 : index
    %get3A_9 = arith.constant 0 : index
    %get3A_10 = vector.load %arg1[%get3A_7, %get3A_8, %get3A_9] : memref<2x1000x64xf32, #tpu.memory_space<vmem>>, vector<1x1000x64xf32>
    %get3A_11 = vector.shape_cast %get3A_10 : vector<1x1000x64xf32> to vector<1000x64xf32>
    %concatenate3A = tpu.concatenate %get3A_6, %get3A_11 in 1 : vector<1000x64xf32>, vector<1000x64xf32> -> vector<1000x128xf32>
    %get3A_12 = arith.constant 0 : index
    %get3A_13 = arith.constant 0 : index
    %get3A_14 = vector.load %arg2[%get3A_12, %get3A_13] : memref<1000x128xf32, #tpu.memory_space<vmem>>, vector<1000x128xf32>
    %add3A = arith.addf %concatenate3A, %get3A_14 : vector<1000x128xf32>
    %mul3A = vector.broadcast %get3A_1 : vector<1000x1xf32> to vector<1000x128xf32>
    %mul3A_15 = arith.mulf %mul3A, %add3A : vector<1000x128xf32>
    %get3A_16 = arith.constant 0 : index
    %get3A_17 = arith.constant 0 : index
    %get3A_18 = vector.load %arg4[%get3A_16, %get3A_17] : memref<1x128xf32, #tpu.memory_space<vmem>>, vector<1x128xf32>
    %add3A_19 = vector.broadcast %get3A_18 : vector<1x128xf32> to vector<1000x128xf32>
    %add3A_20 = arith.addf %mul3A_15, %add3A_19 : vector<1000x128xf32>
    %swap3A = arith.constant 0 : index
    %swap3A_21 = arith.constant 0 : index
    %swap3A_22 = vector.load %arg6[%swap3A, %swap3A_21] : memref<1000x128xf32, #tpu.memory_space<vmem>>, vector<1000x128xf32>
    tpu.vector_store %arg6[%swap3A, %swap3A_21], %add3A_20 {strides = array<i32>} : memref<1000x128xf32, #tpu.memory_space<vmem>>, vector<1000x128xf32>,
    %max3A = arith.constant 0.000000e+00 : f32
    %max3A_23 = vector.broadcast %max3A : f32 to vector<1000x128xf32>
    %max3A_24 = arith.maximumf %add3A_20, %max3A_23 : vector<1000x128xf32>
    %get3A_25 = arith.constant 0 : index
    %get3A_26 = arith.constant 0 : index
    %get3A_27 = vector.load %arg5[%get3A_25, %get3A_26] : memref<128x128xf32, #tpu.memory_space<vmem>>, vector<128x128xf32>
    %dot_general3A = arith.constant dense<0.000000e+00> : vector<1000x128xf32>
    %dot_general3A_28 = tpu.matmul %max3A_24, %get3A_27, %dot_general3A {dimension_numbers = #tpu.dot_dimension_numbers<[1], [0], [0], [1], [0, 0, 1, 1], [], []>, transpose_lhs_hint = false} : vector<1000x128xf32>, vector<128x128xf32>, vector<1000x128xf32> -> vector<1000x128xf32>
    %mul3A_29 = vector.broadcast %get3A_1 : vector<1000x1xf32> to vector<1000x128xf32>
    %mul3A_30 = arith.mulf %dot_general3A_28, %mul3A_29 : vector<1000x128xf32>
    %swap3A_31 = arith.constant 0 : index
    %swap3A_32 = arith.constant 0 : index
    %swap3A_33 = vector.load %arg7[%swap3A_31, %swap3A_32] : memref<1000x128xf32, #tpu.memory_space<vmem>>, vector<1000x128xf32>
    tpu.vector_store %arg7[%swap3A_31, %swap3A_32], %mul3A_30 {strides = array<i32>} : memref<1000x128xf32, #tpu.memory_space<vmem>>, vector<1000x128xf32>,
    return
  }
  func.func @transform_0(%arg0: i32) -> (i32, i32, i32) {
    %c0_i32 = arith.constant 0 : i32
    %c0_i32_0 = arith.constant 0 : i32
    %c0_i32_1 = arith.constant 0 : i32
    return %c0_i32, %arg0, %c0_i32_0 : i32, i32, i32
  }
  func.func @transform_1(%arg0: i32) -> (i32, i32) {
    %c0_i32 = arith.constant 0 : i32
    %c0_i32_0 = arith.constant 0 : i32
    return %arg0, %c0_i32 : i32, i32
  }
  func.func @transform_2(%arg0: i32) -> (i32, i32) {
    %c0_i32 = arith.constant 0 : i32
    %c0_i32_0 = arith.constant 0 : i32
    return %arg0, %c0_i32 : i32, i32
  }
  func.func @transform_3(%arg0: i32) -> (i32, i32) {
    %c0_i32 = arith.constant 0 : i32
    %c0_i32_0 = arith.constant 0 : i32
    %c0_i32_1 = arith.constant 0 : i32
    return %c0_i32, %c0_i32_0 : i32, i32
  }
  func.func @transform_4(%arg0: i32) -> (i32, i32) {
    %c0_i32 = arith.constant 0 : i32
    %c0_i32_0 = arith.constant 0 : i32
    %c0_i32_1 = arith.constant 0 : i32
    return %c0_i32, %c0_i32_0 : i32, i32
  }
  func.func @transform_5(%arg0: i32) -> (i32, i32) {
    %c0_i32 = arith.constant 0 : i32
    %c0_i32_0 = arith.constant 0 : i32
    return %arg0, %c0_i32 : i32, i32
  }
  func.func @transform_6(%arg0: i32) -> (i32, i32) {
    %c0_i32 = arith.constant 0 : i32
    %c0_i32_0 = arith.constant 0 : i32
    return %arg0, %c0_i32 : i32, i32
  }
}

</mosaic_0001>

<sc_bundles>
// kernel: closed_call.12.cloned.1.call-start
scs
__scs_entry_jumppad:
0x0: {  	(pc) =	sbr.rel $0x88, $3  }
0x1: {  	(tag) =	ssettag $0x0;
	lr =	simm.s32 $0x1  }
0x2: {  	[smem:$0x3F9A] =	sst lr;
	_ =	strace $0xD0000000  }
0x3: {  	_ = 	snop  }
0x4: {  	_ = 	snop  }
0x5: {  	_ = 	snop  }
0x6: {  	_ = 	snop  }
0x7: {  	_ = 	snop  }
__scs_overlays_trampoline_lowered:
0x8: {  	[smem:$0x3FA9] =	sst s0  }
0x9: {  	[smem:$0x3FAA] =	sst s1  }
0xa: {  	[smem:$0x3FAB] =	sst s2  }
0xb: {  	[smem:$0x3FAC] =	sst s3  }
0xc: {  	[smem:$0x3FAD] =	sst s4  }
0xd: {  	[smem:$0x3FAE] =	sst s5  }
0xe: {  	[smem:$0x3FAF] =	sst s6  }
0xf: {  	[smem:$0x3FB0] =	sst s7  }
0x10: {  	[smem:$0x3FB1] =	sst s8  }
0x11: {  	[smem:$0x3FB2] =	sst s9;
	s0 =	simm.s32 @!p0 $0x0  }
0x12: {  	s1 =	sld [smem:$0x3F98];
	s0 =	simm.s32 @p0 $0x1  }
0x13: {  	[smem:$0x3FB3] =	sst s0;
	s0 =	simm.s32 @!p1 $0x0  }
0x14: {  	s2 =	sld [smem:$0x3F97];
	s0 =	simm.s32 @p1 $0x1  }
0x15: {  	[smem:$0x3FB4] =	sst s0;
	s0 =	simm.s32 @!p2 $0x0  }
0x16: {  	s3 =	sld [smem:$0x3FDB];
	s0 =	simm.s32 @p2 $0x1  }
0x17: {  	s4 =	simm.s32 $0x1BF5;
	[smem:$0x3FB6] =	sst s0  }
0x18: {  	s0 =	sld [smem:$0x3F99];
	_ =	swait.ge [sflag:s4], $0x0  }
0x19: {  	s7 =	sld [smem:$0x3F9A]  }
0x1a: {  	s8 =	sadd.s32 $0xFFFFE003, lr  }
0x1b: {  	s9 =	sadd.s32 $0xFFFFFEF7, lr;
	s5 =	simm.s32 $0xFFFFFFFF;
	p2 =	slt.u32 s8, $0xFFFFF086  }
0x1c: {  	p1 =	slt.u32 s9, $0xF7A;
	s5 =	simm.s32 @!p2 $0x0  }
0x1d: {  	s5 =	simm.s32 @p1 $0x1;
	p0 =	seq.s32 s7, s2  }
0x1e: {  	s7 =	smul.u32 @!p0 $0xF7A, s2;
	p2 =	seq.s32 @!p0 s5, $0x0  }
0x1f: {  	s9 =	smul.u32 $0xF7A, s1;
	s8 =	simm.s32 @!p0 $0x1BF5;
	p2 =	por !p2, p0  }
0x20: {  	[sflag:s8] =	ssyncset.s32 @!p0 $0xFFFFF086;
	s6 =	sadd.s32 @!p0 s3, s7;
	s7 =	simm.s32 @!p0 $0x108  }
0x21: {  	s3 =	sadd.s32 s3, s9;
	s6 =	sadd.s32 @!p0 $0x88, s6;
	s7 =	simm.s32 @p2 $0x1082  }
0x22: {  	[simem:s7], [sflag:s8] =	dma.local @!p0 [hbm:s6], $0xF7A  }
0x23: {  	s9 =	sor.u32 $0xD0000000, s2;
	s6 =	simm.s32 $0x108;
	_ =	swait.ge @!p0 [sflag:s8], $0x0  }
0x24: {  	s3 =	sadd.s32 $0x88, s3;
	s6 =	simm.s32 @!p1 $0x1082;
	[sflag:s4] =	ssyncset.s32 $0xFFFFF086  }
0x25: {  	[simem:s6], [sflag:s4] =	dma.local [hbm:s3], $0xF7A  }
0x26: {  	[smem:$0x3F9A] =	sst s1;
	(tag) =	ssettag s2;
	_ =	strace s9  }
0x27: {  	s1 =	sld [smem:$0x3FAA]  }
0x28: {  	s2 =	sld [smem:$0x3FAB]  }
0x29: {  	s4 =	sld [smem:$0x3FAD]  }
0x2a: {  	p0 =	seq.s32 s5, $0x0;
	s5 =	sld [smem:$0x3FAE]  }
0x2b: {  	s6 =	sld [smem:$0x3FAF]  }
0x2c: {  	s7 =	sld [smem:$0x3FB0]  }
0x2d: {  	s3 =	simm.s32 $0x108;
	s8 =	sld [smem:$0x3FB1]  }
0x2e: {  	s3 =	simm.s32 @!p0 $0x1082;
	s9 =	sld [smem:$0x3FB2]  }
0x2f: {  	lr =	sadd.s32 s0, s3;
	s0 =	sld [smem:$0x3FA9]  }
0x30: {  	s3 =	sld [smem:$0x3FAC]  }
0x31: {  	[smem:$0x3FB5] =	sst s10  }
0x32: {  	s10 =	sld [smem:$0x3FB3];
	_ =	sdelay $0x3  }
0x33: {  	p0 =	seq.s32 s10, $0x1;
	s10 =	sld [smem:$0x3FB5];
	_ =	sdelay $0x3  }
0x34: {  	[smem:$0x3FB5] =	sst s10  }
0x35: {  	s10 =	sld [smem:$0x3FB4];
	_ =	sdelay $0x3  }
0x36: {  	p1 =	seq.s32 s10, $0x1;
	s10 =	sld [smem:$0x3FB5];
	_ =	sdelay $0x3  }
0x37: {  	[smem:$0x3FB5] =	sst s10  }
0x38: {  	s10 =	sld [smem:$0x3FB6]  }
0x39: {  	_ = 	snop;
	(pc) =	sbr.ind lr, $3  }
0x3a: {  	_ = 	snop  }
0x3b: {  	_ = 	snop  }
0x3c: {  	p2 =	seq.s32 s10, $0x1;
	s10 =	sld [smem:$0x3FB5]  }
0x3d: {  	_ =	shalt  }
0x3e: {  	_ =	shalt  }
0x3f: {  	_ =	shalt  }
0x40: {  	_ =	shalt  }
0x41: {  	_ =	shalt  }
0x42: {  	_ =	shalt  }
0x43: {  	_ =	shalt  }
0x44: {  	_ =	shalt  }
0x45: {  	_ =	shalt  }
0x46: {  	_ =	shalt  }
0x47: {  	_ =	shalt  }
0x48: {  	_ =	shalt  }
0x49: {  	_ =	shalt  }
0x4a: {  	_ =	shalt  }
0x4b: {  	_ =	shalt  }
0x4c: {  	_ =	shalt  }
0x4d: {  	_ =	shalt  }
0x4e: {  	_ =	shalt  }
0x4f: {  	_ =	shalt  }
0x50: {  	_ =	shalt  }
0x51: {  	_ =	shalt  }
0x52: {  	_ =	shalt  }
0x53: {  	_ =	shalt  }
0x54: {  	_ =	shalt  }
0x55: {  	_ =	shalt  }
0x56: {  	_ =	shalt  }
0x57: {  	_ =	shalt  }
0x58: {  	_ =	shalt  }
0x59: {  	_ =	shalt  }
0x5a: {  	_ =	shalt  }
0x5b: {  	_ =	shalt  }
0x5c: {  	_ =	shalt  }
0x5d: {  	_ =	shalt  }
0x5e: {  	_ =	shalt  }
0x5f: {  	_ =	shalt  }
0x60: {  	_ =	shalt  }
0x61: {  	_ =	shalt  }
0x62: {  	_ =	shalt  }
0x63: {  	_ =	shalt  }
0x64: {  	_ =	shalt  }
0x65: {  	_ =	shalt  }
0x66: {  	_ =	shalt  }
0x67: {  	_ =	shalt  }
0x68: {  	_ =	shalt  }
0x69: {  	_ =	shalt  }
0x6a: {  	_ =	shalt  }
0x6b: {  	_ =	shalt  }
0x6c: {  	_ =	shalt  }
0x6d: {  	_ =	shalt  }
0x6e: {  	_ =	shalt  }
0x6f: {  	_ =	shalt  }
0x70: {  	_ =	shalt  }
0x71: {  	_ =	shalt  }
0x72: {  	_ =	shalt  }
0x73: {  	_ =	shalt  }
0x74: {  	_ =	shalt  }
0x75: {  	_ =	shalt  }
0x76: {  	_ =	shalt  }
0x77: {  	_ =	shalt  }
0x78: {  	_ =	shalt  }
0x79: {  	_ =	shalt  }
0x7a: {  	_ =	shalt  }
0x7b: {  	_ =	shalt  }
0x7c: {  	_ =	shalt  }
0x7d: {  	_ =	shalt  }
0x7e: {  	_ =	shalt  }
0x7f: {  	_ =	shalt  }
0x80: {  	_ =	shalt  }
0x81: {  	_ =	shalt  }
0x82: {  	_ =	shalt  }
0x83: {  	_ =	shalt  }
0x84: {  	_ =	shalt  }
0x85: {  	_ =	shalt  }
0x86: {  	_ =	shalt  }
0x87: {  	_ =	shalt  }
.Lfunc_end0:
.L_simem_size_0:
called_computation_lowered:
.L_overlay_start_0:
0x88: {  	s2 =	sld [smem:$0x3FD9]  }
0x89: {  	s3 =	sld [smem:$0x3FFE];
	_ =	sdelay $0x1  }
0x8a: {  	s1 =	srdreg.scid  }
0x8b: {  	s0 =	sand.u32 $0x1, s1  }
0x8c: {  	s17 =	sshll.u32 s0, $0xA;
	s2 =	sadd.s32 s3, s2  }
0x8d: {  	s2 =	sadd.s32 s2, s17  }
0x8e: {  	[smem:$0x3FC1] =	sst s2  }
0x8f: {  	_ = 	snop  }
0x90: {  	s2 =	sld [smem:$0x3FD0];
	(tm) =	ssettm $0x1  }
0x91: {  	s18 =	sld [smem:$0x3FFB];
	_ =	sdelay $0x3  }
0x92: {  	_ =	strace s18  }
0x93: {  	s3 =	sld [smem:$0x3FFC];
	_ =	sdelay $0x3  }
0x94: {  	_ =	strace s3  }
0x95: {  	s3 =	sld [smem:$0x3FFD];
	_ =	sdelay $0x3  }
0x96: {  	_ =	strace s3  }
0x97: {  	_ =	strace $0x8FFFFFFF  }
0x98: {  	s19 =	sld [smem:$0x3FDB];
	_ =	sdelay $0x1  }
0x99: {  	s4 =	simm.s32 $_scs_section_size  }
0x9a: {  	s5 =	simm.s32 $_size__tile_overlayer_lowered;
	s6 =	simm.s32 $_tile_overlayer_lowered  }
0x9b: {  	s22 =	simm.s32 $0x1BFF;
	s21 =	sshll.u32 s6, $0x1;
	s3 =	sadd.s32 s4, s19  }
0x9c: {  	s7 =	simm.s32 $0x0;
	s20 =	sshll.u32 s5, $0x1;
	s5 =	sadd.s32 s21, s3  }
0x9d: {  	[timem:s7], [sflag:s22] =	dma.local [hbm:s5], s20  }
0x9e: {  	_ =	swait.ge [sflag:s22], s20  }
0x9f: {  	s4 =	ssub.s32 $0x0, s20;
	[sflag:s22] =	ssyncset.done $0x0  }
0xa0: {  	[sflag:s22] =	ssyncadd.s32 s4;
	_ =	sdelay $0x1  }
0xa1: {  	s23 =	simm.s32 $0x1B8B  }
0xa2: {  	_ =	swait.ge [sflag:s23], $0x1  }
0xa3: {  	[sflag:s23] =	ssyncset.done $0x0  }
0xa4: {  	s25 =	simm.s32 $0x1B8E;
	s24 =	sld [smem:$0x3FFE];
	[sflag:s23] =	ssyncadd.s32 $0xFFFFFFFF  }
0xa5: {  	s26 =	simm.s32 $execute0_lowered;
	[smem:$0x3FD2] =	sst s25  }
0xa6: {  	s5 =	sshll.u32 s26, $0x1;
	_ =	strace $0x80000049;
	[dreg:$0x1] =	wrdreg $0xFFFFFFFF  }
0xa7: {  	s28 =	simm.s32 $_size_execute0_lowered;
	s3 =	sadd.s32 s3, s5;
	[dreg:$0x0] =	wrdreg $0x0  }
0xa8: {  	s5 =	sshll.u32 s28, $0x1;
	[dreg:$0x2] =	wrdreg s3  }
0xa9: {  	[dreg:$0x3] =	wrdreg s5  }
0xaa: {  	[dreg:$0x4] =	wrdreg $0xC0  }
0xab: {  	_ =	task [dreg:s7], $0x5FFFF  }
0xac: {  	[dreg:$0x1] =	wrdreg $0xFFFFFFFF  }
0xad: {  	[dreg:$0x0] =	wrdreg $0x60  }
0xae: {  	[dreg:$0x2] =	wrdreg s24  }
0xaf: {  	[dreg:$0x3] =	wrdreg s2  }
0xb0: {  	[dreg:$0x4] =	wrdreg $0x68000  }
0xb1: {  	[dreg:$0x5] =	wrdreg $0x9  }
0xb2: {  	_ =	task.clear_ibuf [dreg:s7], $0x6FFFF;
	_ =	strace $0x90000049  }
0xb3: {  	s29 =	simm.s32 $0x9;
	_ =	strace $0x8000004B  }
0xb4: {  	_ =	swait.ge [sflag:s29], $0x1  }
0xb5: {  	[sflag:s29] =	ssyncadd.s32 $0xFFFFFFFF  }
0xb6: {  	_ =	strace $0x9000004B  }
0xb7: {  	_ =	sfence  }
0xb8: {  	s30 =	sld [smem:$0x0];
	_ =	sdelay $0x2  }
0xb9: {  	s31 =	sshll.u32 s1, $0xD;
	s1 =	sshrl.u32 s1, $0x2  }
0xba: {  	s3 =	sand.u32 $0x4000, s31;
	s1 =	sadd.s32 s1, s30  }
0xbb: {  	s0 =	sor.u32 s3, s0;
	s1 =	sshll.u32 s1, $0x11  }
0xbc: {  	s0 =	sor.u32 s1, s0  }
0xbd: {  	s0 =	sadd.s32 $0x8F2B, s0  }
0xbe: {  	[sflag:s0] =	ssyncadd.remote.s32 $0x1  }
0xbf: {  	_ =	sfence.sel $0xFFFF  }
0xc0: {  	[dreg:$0x0] =	wrdreg $0xFFFFFFFF;
	(pc) =	sbr.abs _section_cstart, $3  }
0xc1: {  	[dreg:$0x1] =	wrdreg $0xFFFFFFFF  }
0xc2: {  	_ =	task.clear_ibuf [dreg:s7], $0x2FFFF;
	_ =	strace $0x9FFFFFFF  }
0xc3: {  	(tm) =	ssettm $0x7FFFFFFF  }
tec
execute0_lowered:
.L_overlay_start_1:
0x0: {  	(tag) =	ssettag $0x1  }
0x1: {  	s8 =	rddreg [dreg:$0x0]  }
0x2: {  	s9 =	rddreg [dreg:$0x1]  }
0x3: {  	s1 =	rddreg [dreg:$0x2]  }
0x4: {  	s2 =	srdreg.scid;
	s0 =	rddreg [dreg:$0x3];
	s3 =	simm.s32 $0x0  }
0x5: {  	s16 =	simm.s32 $0x50;
	s17 =	simm.s32 $0x1800;
	s18 =	simm.s32 $0x1  }
0x6: {  	s19 =	simm.s32 $0x4000;
	s10 =	sand.u32 $0x1, s2;
	s2 =	stileid.u32  }
0x7: {  	[smem:$0x7FF] =	sst s3;
	s4 =	sadd.s32 $0xAD600, s8;
	s7 =	smul.u32 $0x138800, s10  }
0x8: {  	s5 =	sadd.s32 $0x7B600, s8;
	s6 =	sadd.s32 $0x4200, s8;
	s11 =	smul.u32 $0x1F400, s2  }
0x9: {  	_ =	strace $0x8000004A;
	s12 =	smul.u32 $0x7D000, s2;
	s13 =	ssub.s32 $0x2, s10  }
0xa: {  	s15 =	smul.u32 $0x3E80, s2;
	p0 =	sgt.u32 s2, $0x9;
	p1 =	seq.s32 s10, $0x1  }
0xb: {  	s14 =	sshrl.u32 s13, $0x1;
	s11 =	sadd.s32 s11, s7;
	s7 =	sadd.s32 $0x94600, s8  }
.Ltmp0:
0xc: {  	s12 =	sshrl.u32 s12, $0x2;
	s13 =	ssub.s32 s13, s14;
	(pc) =	sbr.rel .LBB2_1-.Ltmp0, $4  }
0xd: {  	s11 =	sshrl.u32 s11, $0x3;
	s14 =	sadd.s32 s12, s1;
	s12 =	sshll.u32 @!p0 s2, $0x6  }
0xe: {  	s11 =	sadd.s32 s11, s8;
	s8 =	sadd.s32 s9, s15;
	s9 =	smul.u32 $0xC800, s2  }
0xf: {  	s12 =	sor.u32 @!p0 $0x1C02, s12;
	s15 =	simm.s32 $0x800;
	s10 =	sadd.s32 $0xD4800, s11  }
0x10: {  	s11 =	smax.u32 s13, $0x1;
	s13 =	sshrl.u32 @!p0 s14, $0x3;
	s14 =	simm.s32 $0x2  }
.LBB2_12:
0x11: {  	s3 =	sadd.s32 $0x1, s3  }
0x12: {  	p2 =	sne.s32 s3, s11  }
.Ltmp1:
0x13: {  	[bflag:$0x0] =	sbarrier.arrive $0xFFFF;
	s20 =	simm.s32 @!p0 $0x2;
	(pc) =	sbr.rel @!p2 .LBB2_13-.Ltmp1, $4  }
0x14: {  	[hbm:s10], [sflag:s12] =	dma.local @!p0 [spmem:s13], $0x3E80  }
0x15: {  	_ =	swait.ge @!p0 [sflag:s20], $0x3E80  }
0x16: {  	[sflag:s20] =	ssyncset.done @!p0 $0x0  }
0x17: {  	[sflag:s20] =	ssyncadd.s32 @!p0 $0xFFFFC180  }
.LBB2_1:
0x18: {  	[spmem:s13], [sflag:s12] =	dma.local @!p0 [hbm:s8], $0x3E80  }
0x19: {  	s20 =	simm.s32 @!p0 $0x2  }
.Ltmp2:
0x1a: {  	_ =	swait.ge @!p0 [sflag:s20], $0x3E80;
	(pc) =	sbr.rel .LBB2_2-.Ltmp2, $4  }
0x1b: {  	[sflag:s20] =	ssyncset.done @!p0 $0x0  }
0x1c: {  	[sflag:s20] =	ssyncadd.s32 @!p0 $0xFFFFC180  }
0x1d: {  	[bflag:$0x0] =	sbarrier.arrive $0xFFFF  }
0x1e: {  	s20 =	simm.s32 $0x0  }
.LBB2_11:
0x1f: {  	s20 =	sadd.s32 $0x1, s20  }
0x20: {  	p2 =	sne.s32 s20, $0x19  }
.Ltmp3:
0x21: {  	_ = 	snop;
	(pc) =	sbr.rel @!p2 .LBB2_12-.Ltmp3, $1  }
0x22: {  	_ =	sdelay $0x3  }
.LBB2_2:
0x23: {  	s21 =	sshll.u32 s20, $0xB  }
0x24: {  	s21 =	sadd.s32 s9, s21  }
0x25: {  	s22 =	sshrl.u32 s21, $0x3  }
0x26: {  	s21 =	simm.s32 $0x0;
	s23 =	sadd.s32 s5, s22  }
0x27: {  	[tilespmem:s21], [sflag:$0x2] =	stream.linear.gather [hbm4b:s23+s21], $0x500, $0x38;
	[tilespmem:$0x10440] =	vst v63  }
0x28: {  	_ =	swait.ge [sflag:s14], $0x500  }
0x29: {  	[sflag:s14] =	ssyncset.done $0x0  }
0x2a: {  	s30 =	sadd.s32 s6, s22;
	[sflag:s14] =	ssyncadd.s32 $0xFFFFFB00  }
0x2b: {  	[tilespmem:s15], [sflag:$0x2] =	stream.linear.gather [hbm4b:s30+s21], $0x500, $0x38;
	[tilespmem:$0x10440] =	vst v63  }
0x2c: {  	_ =	swait.ge [sflag:s14], $0x500  }
0x2d: {  	s31 =	sadd.s32 s7, s22;
	[sflag:s14] =	ssyncset.done $0x0  }
.Ltmp4:
0x2e: {  	s22 =	simm.s32 $0x1000;
	[sflag:s14] =	ssyncadd.s32 $0xFFFFFB00;
	(pc) =	sbr.rel .LBB2_3-.Ltmp4, $4  }
0x2f: {  	[tilespmem:s22], [sflag:$0x2] =	stream.linear.gather [hbm4b:s31+s21], $0x500, $0x38;
	[tilespmem:$0x10440] =	vst v63  }
0x30: {  	_ =	swait.ge [sflag:s14], $0x500  }
0x31: {  	[sflag:s14] =	ssyncset.done $0x0  }
0x32: {  	[sflag:s14] =	ssyncadd.s32 $0xFFFFFB00  }
.LBB2_9:
0x33: {  	v30 =	vbroadcast v0, $0x0;
	_ =	sdelay $0x1  }
0x34: {  	v24 =	vmul.f32 v30, v24  }
0x35: {  	v25 =	vmul.f32 v25, v30  }
0x36: {  	v35 =	vbroadcast v0, $0x1;
	v23 =	vmul.f32 v23, v30;
	[tilespmem:s24+$0x4000] =	vst v24  }
0x37: {  	v22 =	vmul.f32 v22, v30;
	[tilespmem:s24+$0x4010] =	vst v25  }
0x38: {  	v20 =	vmul.f32 v20, v35;
	[tilespmem:s24+$0x4020] =	vst v23  }
0x39: {  	v21 =	vmul.f32 v21, v35;
	[tilespmem:s24+$0x4030] =	vst v22  }
0x3a: {  	v53 =	vbroadcast v0, $0x2;
	v19 =	vmul.f32 v19, v35;
	[tilespmem:s24+$0x4080] =	vst v20  }
0x3b: {  	v18 =	vmul.f32 v18, v35;
	[tilespmem:s24+$0x4090] =	vst v21  }
0x3c: {  	v16 =	vmul.f32 v16, v53;
	[tilespmem:s24+$0x40A0] =	vst v19  }
0x3d: {  	v17 =	vmul.f32 v17, v53;
	[tilespmem:s24+$0x40B0] =	vst v18  }
0x3e: {  	v54 =	vbroadcast v0, $0x3;
	v15 =	vmul.f32 v15, v53;
	[tilespmem:s24+$0x4100] =	vst v16  }
0x3f: {  	v14 =	vmul.f32 v14, v53;
	[tilespmem:s24+$0x4110] =	vst v17  }
0x40: {  	v12 =	vmul.f32 v12, v54;
	[tilespmem:s24+$0x4120] =	vst v15  }
0x41: {  	v13 =	vmul.f32 v13, v54;
	[tilespmem:s24+$0x4130] =	vst v14  }
0x42: {  	v55 =	vbroadcast v0, $0x4;
	v10 =	vmul.f32 v10, v54;
	[tilespmem:s24+$0x4180] =	vst v12  }
0x43: {  	v11 =	vmul.f32 v11, v54;
	[tilespmem:s24+$0x4190] =	vst v13  }
0x44: {  	v8 =	vmul.f32 v8, v55;
	[tilespmem:s24+$0x41A0] =	vst v10  }
0x45: {  	v9 =	vmul.f32 v9, v55;
	[tilespmem:s24+$0x41B0] =	vst v11  }
0x46: {  	v60 =	vbroadcast v0, $0x5;
	v7 =	vmul.f32 v7, v55;
	[tilespmem:s24+$0x4200] =	vst v8  }
0x47: {  	v6 =	vmul.f32 v6, v55;
	[tilespmem:s24+$0x4210] =	vst v9  }
0x48: {  	v26 =	vld [tilespmem:s24+$0x1B50];
	v4 =	vmul.f32 v4, v60;
	[tilespmem:s24+$0x4220] =	vst v7  }
0x49: {  	v27 =	vld [tilespmem:s24+$0x1B60];
	v5 =	vmul.f32 v5, v60;
	[tilespmem:s24+$0x4230] =	vst v6  }
0x4a: {  	v28 =	vld [tilespmem:s24+$0x1B70];
	v37 =	vbroadcast v0, $0x6;
	v3 =	vmul.f32 v3, v60;
	[tilespmem:s24+$0x4280] =	vst v4  }
0x4b: {  	v29 =	vld [tilespmem:s24+$0x1BC0];
	v2 =	vmul.f32 v2, v60;
	[tilespmem:s24+$0x4290] =	vst v5  }
0x4c: {  	v31 =	vld [tilespmem:s24+$0x1BD0];
	v1 =	vmul.f32 v1, v37;
	[tilespmem:s24+$0x42A0] =	vst v3  }
0x4d: {  	v32 =	vld [tilespmem:s24+$0x1BE0];
	[tilespmem:s24+$0x42B0] =	vst v2;
	v26 =	vmul.f32 v26, v37  }
0x4e: {  	v33 =	vld [tilespmem:s24+$0x1BF0];
	v42 =	vbroadcast v0, $0x7;
	[tilespmem:s24+$0x4300] =	vst v1;
	v27 =	vmul.f32 v27, v37  }
0x4f: {  	v34 =	vld [tilespmem:s24+$0x1C40];
	v28 =	vmul.f32 v28, v37;
	[tilespmem:s24+$0x4310] =	vst v26  }
0x50: {  	v52 =	vld [tilespmem:s24+$0x1C50];
	v29 =	vmul.f32 v29, v42;
	[tilespmem:s24+$0x4320] =	vst v27  }
0x51: {  	v56 =	vld [tilespmem:s24+$0x1DF0];
	v45 =	vmul.f32 v31, v42;
	[tilespmem:s24+$0x4330] =	vst v28  }
0x52: {  	v57 =	vld [tilespmem:s24+$0x1E40];
	v48 =	vbroadcast v0, $0x8;
	v47 =	vmul.f32 v32, v42;
	[tilespmem:s24+$0x4380] =	vst v29  }
0x53: {  	v58 =	vld [tilespmem:s24+$0x1E50];
	v33 =	vmul.f32 v33, v42;
	[tilespmem:s24+$0x4390] =	vst v45  }
0x54: {  	v59 =	vld [tilespmem:s24+$0x1E60];
	v54 =	vbroadcast v0, $0xB;
	v50 =	vmul.f32 v34, v48;
	[tilespmem:s24+$0x43A0] =	vst v47  }
0x55: {  	v61 =	vld [tilespmem:s24+$0x1E70];
	v55 =	vbroadcast v0, $0xC;
	v24 =	vmul.f32 v52, v48;
	[tilespmem:s24+$0x43B0] =	vst v33  }
0x56: {  	v62 =	vld [tilespmem:s24+$0x1EC0];
	v10 =	vmul.f32 v56, v54;
	[tilespmem:s24+$0x4400] =	vst v50  }
0x57: {  	v63 =	vld [tilespmem:s24+$0x1ED0];
	v11 =	vmul.f32 v57, v55;
	[tilespmem:s24+$0x4410] =	vst v24  }
0x58: {  	v36 =	vld [tilespmem:s24+$0x1EE0];
	v8 =	vmul.f32 v58, v55;
	[tilespmem:s24+$0x45B0] =	vst v10  }
0x59: {  	v38 =	vld [tilespmem:s24+$0x1EF0];
	v56 =	vbroadcast v0, $0xD;
	v9 =	vmul.f32 v59, v55;
	[tilespmem:s24+$0x4600] =	vst v11  }
0x5a: {  	v39 =	vld [tilespmem:s24+$0x1F40];
	v7 =	vmul.f32 v61, v55;
	[tilespmem:s24+$0x4610] =	vst v8  }
0x5b: {  	v40 =	vld [tilespmem:s24+$0x1F50];
	v6 =	vmul.f32 v62, v56;
	[tilespmem:s24+$0x4620] =	vst v9  }
0x5c: {  	v41 =	vld [tilespmem:s24+$0x1F60];
	v4 =	vmul.f32 v63, v56;
	[tilespmem:s24+$0x4630] =	vst v7  }
0x5d: {  	v43 =	vld [tilespmem:s24+$0x1F70];
	v57 =	vbroadcast v0, $0xE;
	v5 =	vmul.f32 v36, v56;
	[tilespmem:s24+$0x4680] =	vst v6  }
0x5e: {  	v44 =	vld [tilespmem:s24+$0x1FC0];
	v3 =	vmul.f32 v38, v56;
	[tilespmem:s24+$0x4690] =	vst v4  }
0x5f: {  	v46 =	vld [tilespmem:s24+$0x1FD0];
	v2 =	vmul.f32 v39, v57;
	[tilespmem:s24+$0x46A0] =	vst v5  }
0x60: {  	v49 =	vld [tilespmem:s24+$0x1FE0];
	v1 =	vmul.f32 v40, v57;
	[tilespmem:s24+$0x46B0] =	vst v3  }
0x61: {  	v51 =	vld [tilespmem:s24+$0x1FF0];
	v58 =	vbroadcast v0, $0xF;
	v59 =	vmul.f32 v41, v57;
	[tilespmem:s24+$0x4700] =	vst v2  }
0x62: {  	v25 =	vld [tilespmem:s24+$0x1C60];
	v60 =	vmul.f32 v43, v57;
	[tilespmem:s24+$0x4710] =	vst v1  }
0x63: {  	v23 =	vld [tilespmem:s24+$0x1C70];
	v61 =	vmul.f32 v44, v58;
	[tilespmem:s24+$0x4720] =	vst v59  }
0x64: {  	v22 =	vld [tilespmem:s24+$0x1CC0];
	v62 =	vmul.f32 v46, v58;
	[tilespmem:s24+$0x4730] =	vst v60  }
0x65: {  	v53 =	vbroadcast v0, $0xA;
	v20 =	vld [tilespmem:s24+$0x1CD0];
	v63 =	vmul.f32 v49, v58;
	[tilespmem:s24+$0x4780] =	vst v61  }
0x66: {  	v21 =	vld [tilespmem:s24+$0x1CE0];
	v52 =	vbroadcast v0, $0x9;
	v0 =	vmul.f32 v51, v58;
	[tilespmem:s24+$0x4790] =	vst v62  }
0x67: {  	v19 =	vld [tilespmem:s24+$0x1CF0];
	v25 =	vmul.f32 v25, v48;
	[tilespmem:s24+$0x47A0] =	vst v63  }
0x68: {  	v18 =	vld [tilespmem:s24+$0x1D40];
	v23 =	vmul.f32 v23, v48;
	[tilespmem:s24+$0x47B0] =	vst v0  }
0x69: {  	v16 =	vld [tilespmem:s24+$0x1D50];
	v22 =	vmul.f32 v22, v52;
	[tilespmem:s24+$0x4420] =	vst v25  }
0x6a: {  	v17 =	vld [tilespmem:s24+$0x1D60];
	v20 =	vmul.f32 v20, v52;
	[tilespmem:s24+$0x4430] =	vst v23  }
0x6b: {  	v15 =	vld [tilespmem:s24+$0x1D70];
	v21 =	vmul.f32 v21, v52;
	[tilespmem:s24+$0x4480] =	vst v22  }
0x6c: {  	v14 =	vld [tilespmem:s24+$0x1DC0];
	v19 =	vmul.f32 v19, v52;
	[tilespmem:s24+$0x4490] =	vst v20  }
0x6d: {  	v12 =	vld [tilespmem:s24+$0x1DD0];
	v18 =	vmul.f32 v18, v53;
	[tilespmem:s24+$0x44A0] =	vst v21  }
0x6e: {  	v13 =	vld [tilespmem:s24+$0x1DE0];
	v16 =	vmul.f32 v16, v53;
	[tilespmem:s24+$0x44B0] =	vst v19  }
0x6f: {  	v17 =	vmul.f32 v17, v53;
	[tilespmem:s24+$0x4500] =	vst v18  }
0x70: {  	v15 =	vmul.f32 v15, v53;
	[tilespmem:s24+$0x4510] =	vst v16  }
0x71: {  	v14 =	vmul.f32 v14, v54;
	[tilespmem:s24+$0x4520] =	vst v17  }
0x72: {  	v12 =	vmul.f32 v12, v54;
	[tilespmem:s24+$0x4530] =	vst v15  }
0x73: {  	v13 =	vmul.f32 v13, v54;
	[tilespmem:s24+$0x4580] =	vst v14  }
0x74: {  	[tilespmem:s24+$0x4590] =	vst v12  }
0x75: {  	[tilespmem:s24+$0x45A0] =	vst v13  }
.LBB2_10:
0x76: {  	s21 =	sadd.s32 $0x1, s21  }
0x77: {  	p2 =	sne.s32 s21, $0xA  }
.Ltmp5:
0x78: {  	s23 =	sadd.s32 $0x800, s23;
	(pc) =	sbr.rel @!p2 .LBB2_11-.Ltmp5, $4  }
0x79: {  	[spmem:s1] =	stream.indirect.scatter.add.f32 [tilespmem:s19], [sflag:$0x2], $0x40, s23, s16, $0xb8;
	[tilespmem:$0x10440] =	vst v63  }
0x7a: {  	_ =	swait.ge [sflag:s14], $0x1400  }
0x7b: {  	[sflag:s14] =	ssyncset.done $0x0  }
0x7c: {  	s22 =	sadd.s32 $0x80, s22;
	[sflag:s14] =	ssyncadd.s32 $0xFFFFEC00  }
.LBB2_3:
.Ltmp6:
0x7d: {  	s23 =	sshll.u32 s21, $0x7;
	(pc) =	sbr.rel @!p1 .LBB2_4-.Ltmp6, $4  }
0x7e: {  	[tilespmem:s17], [sflag:$0x1] =	stream.indirect.gather [hbm4b:s4+s16], $0x80, s23, s16, $0xb8;
	[tilespmem:$0x10440] =	vst v63  }
0x7f: {  	_ =	swait.ge [sflag:s18], $0x2800  }
0x80: {  	[sflag:s18] =	ssyncset.done $0x0  }
0x81: {  	[sflag:s18] =	ssyncadd.s32 $0xFFFFD800  }
0x82: {  	s24 =	simm.s32 $0x0;
	v0 =	vld [tilespmem:s22+$0x0]  }
0x83: {  	v24 =	vld [tilespmem:s24+$0x1840]  }
0x84: {  	v25 =	vld [tilespmem:s24+$0x1850]  }
0x85: {  	v23 =	vld [tilespmem:s24+$0x1860]  }
0x86: {  	v22 =	vld [tilespmem:s24+$0x1870]  }
0x87: {  	v20 =	vld [tilespmem:s24+$0x18C0]  }
0x88: {  	v21 =	vld [tilespmem:s24+$0x18D0]  }
0x89: {  	v19 =	vld [tilespmem:s24+$0x18E0]  }
0x8a: {  	v18 =	vld [tilespmem:s24+$0x18F0]  }
0x8b: {  	v16 =	vld [tilespmem:s24+$0x1940]  }
0x8c: {  	v17 =	vld [tilespmem:s24+$0x1950]  }
0x8d: {  	v15 =	vld [tilespmem:s24+$0x1960]  }
0x8e: {  	v14 =	vld [tilespmem:s24+$0x1970]  }
0x8f: {  	v12 =	vld [tilespmem:s24+$0x19C0]  }
0x90: {  	v13 =	vld [tilespmem:s24+$0x19D0]  }
0x91: {  	v10 =	vld [tilespmem:s24+$0x19E0]  }
0x92: {  	v11 =	vld [tilespmem:s24+$0x19F0]  }
0x93: {  	v8 =	vld [tilespmem:s24+$0x1A40]  }
0x94: {  	v9 =	vld [tilespmem:s24+$0x1A50]  }
0x95: {  	v7 =	vld [tilespmem:s24+$0x1A60]  }
0x96: {  	v6 =	vld [tilespmem:s24+$0x1A70]  }
0x97: {  	v4 =	vld [tilespmem:s24+$0x1AC0]  }
0x98: {  	v5 =	vld [tilespmem:s24+$0x1AD0]  }
0x99: {  	v3 =	vld [tilespmem:s24+$0x1AE0]  }
0x9a: {  	v2 =	vld [tilespmem:s24+$0x1AF0]  }
0x9b: {  	s25 =	simm.s32 $0x2000;
	s26 =	smov.u32 s22;
	v1 =	vld [tilespmem:s24+$0x1B40]  }
.LBB2_8:
0x9c: {  	p2 =	sne.s32 s25, $0x8000;
	v26 =	vld [tilespmem:s24+$0x1B50]  }
0x9d: {  	v27 =	vld [tilespmem:s24+$0x1B60]  }
0x9e: {  	v28 =	vld [tilespmem:s24+$0x1B70]  }
0x9f: {  	v29 =	vld [tilespmem:s24+$0x1BC0]  }
0xa0: {  	v30 =	vbroadcast v0, $0x0;
	v31 =	vbroadcast v0, $0x1;
	v32 =	vld [tilespmem:s24+$0x1BD0]  }
0xa1: {  	v33 =	vbroadcast v0, $0x2;
	v34 =	vbroadcast v0, $0x3;
	v35 =	vld [tilespmem:s24+$0x1BE0]  }
0xa2: {  	v24 =	vmul.f32 v30, v24;
	v25 =	vmul.f32 v25, v30;
	v36 =	vld [tilespmem:s24+$0x1BF0]  }
0xa3: {  	v23 =	vmul.f32 v23, v30;
	v22 =	vmul.f32 v22, v30;
	v30 =	vld [tilespmem:s24+$0x1C40]  }
0xa4: {  	v20 =	vmul.f32 v20, v31;
	v21 =	vmul.f32 v21, v31;
	[tilespmem:s24+$0x4000] =	vst v24;
	v24 =	vld [tilespmem:s24+$0x1C50]  }
0xa5: {  	v19 =	vmul.f32 v19, v31;
	v18 =	vmul.f32 v18, v31;
	[tilespmem:s24+$0x4010] =	vst v25;
	v25 =	vld [tilespmem:s24+$0x1C60]  }
0xa6: {  	v16 =	vmul.f32 v16, v33;
	v17 =	vmul.f32 v17, v33;
	[tilespmem:s24+$0x4020] =	vst v23;
	v23 =	vld [tilespmem:s24+$0x1C70]  }
0xa7: {  	v15 =	vmul.f32 v15, v33;
	v14 =	vmul.f32 v14, v33;
	[tilespmem:s24+$0x4030] =	vst v22;
	v22 =	vld [tilespmem:s24+$0x1CC0]  }
0xa8: {  	v12 =	vmul.f32 v12, v34;
	v13 =	vmul.f32 v13, v34;
	[tilespmem:s24+$0x4080] =	vst v20;
	v20 =	vld [tilespmem:s24+$0x1CD0]  }
0xa9: {  	v10 =	vmul.f32 v10, v34;
	v11 =	vmul.f32 v11, v34;
	[tilespmem:s24+$0x4090] =	vst v21;
	v21 =	vld [tilespmem:s24+$0x1CE0]  }
0xaa: {  	v31 =	vbroadcast v0, $0x5;
	[tilespmem:s24+$0x40A0] =	vst v19;
	v19 =	vbroadcast v0, $0x4;
	v33 =	vld [tilespmem:s24+$0x1CF0]  }
0xab: {  	v34 =	vbroadcast v0, $0x7;
	[tilespmem:s24+$0x40B0] =	vst v18;
	v18 =	vbroadcast v0, $0x6;
	v37 =	vld [tilespmem:s24+$0x1D40]  }
0xac: {  	[tilespmem:s24+$0x4100] =	vst v16;
	v8 =	vmul.f32 v8, v19;
	v9 =	vmul.f32 v9, v19;
	v16 =	vld [tilespmem:s24+$0x1D50]  }
0xad: {  	v7 =	vmul.f32 v7, v19;
	v6 =	vmul.f32 v6, v19;
	[tilespmem:s24+$0x4110] =	vst v17;
	v17 =	vld [tilespmem:s24+$0x1D60]  }
0xae: {  	v4 =	vmul.f32 v4, v31;
	v5 =	vmul.f32 v5, v31;
	[tilespmem:s24+$0x4120] =	vst v15;
	v15 =	vld [tilespmem:s24+$0x1D70]  }
0xaf: {  	v3 =	vmul.f32 v3, v31;
	v2 =	vmul.f32 v2, v31;
	[tilespmem:s24+$0x4130] =	vst v14;
	v14 =	vld [tilespmem:s24+$0x1DC0]  }
0xb0: {  	v1 =	vmul.f32 v1, v18;
	[tilespmem:s24+$0x4180] =	vst v12;
	v12 =	vmul.f32 v26, v18;
	v19 =	vld [tilespmem:s24+$0x1DD0]  }
0xb1: {  	[tilespmem:s24+$0x4190] =	vst v13;
	v13 =	vmul.f32 v27, v18;
	v18 =	vmul.f32 v28, v18;
	v26 =	vld [tilespmem:s24+$0x1DE0]  }
0xb2: {  	v27 =	vmul.f32 v32, v34;
	[tilespmem:s24+$0x41A0] =	vst v10;
	v10 =	vmul.f32 v29, v34;
	v28 =	vld [tilespmem:s24+$0x1DF0]  }
0xb3: {  	v29 =	vmul.f32 v36, v34;
	[tilespmem:s24+$0x41B0] =	vst v11;
	v11 =	vmul.f32 v35, v34;
	v31 =	vld [tilespmem:s24+$0x1E40]  }
0xb4: {  	v32 =	vbroadcast v0, $0x9;
	[tilespmem:s24+$0x4200] =	vst v8;
	v8 =	vbroadcast v0, $0x8;
	v34 =	vld [tilespmem:s24+$0x1E50]  }
0xb5: {  	v35 =	vbroadcast v0, $0xB;
	[tilespmem:s24+$0x4210] =	vst v9;
	v9 =	vbroadcast v0, $0xA;
	v36 =	vld [tilespmem:s24+$0x1E60]  }
0xb6: {  	[tilespmem:s24+$0x4220] =	vst v7;
	v7 =	vmul.f32 v30, v8;
	v24 =	vmul.f32 v24, v8;
	v30 =	vld [tilespmem:s24+$0x1E70]  }
0xb7: {  	[tilespmem:s24+$0x4230] =	vst v6;
	v6 =	vmul.f32 v25, v8;
	v8 =	vmul.f32 v23, v8;
	v23 =	vld [tilespmem:s24+$0x1EC0]  }
0xb8: {  	v20 =	vmul.f32 v20, v32;
	[tilespmem:s24+$0x4280] =	vst v4;
	v4 =	vmul.f32 v22, v32;
	v22 =	vld [tilespmem:s24+$0x1ED0]  }
0xb9: {  	[tilespmem:s24+$0x4290] =	vst v5;
	v5 =	vmul.f32 v21, v32;
	v21 =	vmul.f32 v33, v32;
	v25 =	vld [tilespmem:s24+$0x1EE0]  }
0xba: {  	v16 =	vmul.f32 v16, v9;
	[tilespmem:s24+$0x42A0] =	vst v3;
	v3 =	vmul.f32 v37, v9;
	v32 =	vld [tilespmem:s24+$0x1EF0]  }
0xbb: {  	[tilespmem:s24+$0x42B0] =	vst v2;
	v2 =	vmul.f32 v17, v9;
	v9 =	vmul.f32 v15, v9;
	v15 =	vld [tilespmem:s24+$0x1F40]  }
0xbc: {  	[tilespmem:s24+$0x4300] =	vst v1;
	v1 =	vmul.f32 v14, v35;
	v14 =	vmul.f32 v19, v35;
	v17 =	vld [tilespmem:s24+$0x1F50]  }
0xbd: {  	[tilespmem:s24+$0x4310] =	vst v12;
	v12 =	vmul.f32 v26, v35;
	v26 =	vmul.f32 v28, v35;
	v19 =	vld [tilespmem:s24+$0x1F60]  }
0xbe: {  	v28 =	vbroadcast v0, $0xD;
	[tilespmem:s24+$0x4320] =	vst v13;
	v13 =	vbroadcast v0, $0xC;
	v33 =	vld [tilespmem:s24+$0x1F70]  }
0xbf: {  	[tilespmem:s24+$0x4330] =	vst v18;
	v18 =	vbroadcast v0, $0xE;
	v35 =	vld [tilespmem:s24+$0x1FC0];
	v0 =	vbroadcast v0, $0xF  }
0xc0: {  	[tilespmem:s24+$0x4380] =	vst v10;
	v10 =	vmul.f32 v31, v13;
	v31 =	vmul.f32 v34, v13;
	v34 =	vld [tilespmem:s24+$0x1FD0]  }
0xc1: {  	[tilespmem:s24+$0x4390] =	vst v27;
	v27 =	vmul.f32 v36, v13;
	v13 =	vmul.f32 v30, v13;
	v30 =	vld [tilespmem:s24+$0x1FE0]  }
0xc2: {  	v36 =	vmul.f32 v22, v28;
	[tilespmem:s24+$0x43A0] =	vst v11;
	v11 =	vmul.f32 v23, v28;
	v22 =	vld [tilespmem:s24+$0x1FF0]  }
0xc3: {  	[tilespmem:s24+$0x43B0] =	vst v29;
	v29 =	vmul.f32 v25, v28;
	v28 =	vmul.f32 v32, v28  }
0xc4: {  	v32 =	vmul.f32 v17, v18;
	[tilespmem:s24+$0x4400] =	vst v7;
	v7 =	vmul.f32 v15, v18  }
0xc5: {  	v37 =	vmul.f32 v19, v18;
	v33 =	vmul.f32 v33, v18;
	[tilespmem:s24+$0x4410] =	vst v24  }
0xc6: {  	v35 =	vmul.f32 v35, v0;
	v34 =	vmul.f32 v34, v0;
	[tilespmem:s24+$0x4420] =	vst v6  }
0xc7: {  	v30 =	vmul.f32 v30, v0;
	[tilespmem:s24+$0x4430] =	vst v8;
	v0 =	vmul.f32 v22, v0  }
0xc8: {  	[tilespmem:s24+$0x4480] =	vst v4  }
0xc9: {  	[tilespmem:s24+$0x4490] =	vst v20  }
0xca: {  	s28 =	sshra.s32 s25, $0x2;
	[tilespmem:s24+$0x44A0] =	vst v5  }
0xcb: {  	v24 =	vld [tilespmem:s28+$0x1840];
	[tilespmem:s24+$0x44B0] =	vst v21  }
0xcc: {  	v25 =	vld [tilespmem:s28+$0x1850];
	[tilespmem:s24+$0x4500] =	vst v3  }
0xcd: {  	v23 =	vld [tilespmem:s28+$0x1860];
	[tilespmem:s24+$0x4510] =	vst v16  }
0xce: {  	v22 =	vld [tilespmem:s28+$0x1870];
	[tilespmem:s24+$0x4520] =	vst v2  }
0xcf: {  	v20 =	vld [tilespmem:s28+$0x18C0];
	[tilespmem:s24+$0x4530] =	vst v9  }
0xd0: {  	v21 =	vld [tilespmem:s28+$0x18D0];
	[tilespmem:s24+$0x4580] =	vst v1  }
0xd1: {  	v19 =	vld [tilespmem:s28+$0x18E0];
	[tilespmem:s24+$0x4590] =	vst v14  }
0xd2: {  	v18 =	vld [tilespmem:s28+$0x18F0];
	[tilespmem:s24+$0x45A0] =	vst v12  }
0xd3: {  	v16 =	vld [tilespmem:s28+$0x1940];
	[tilespmem:s24+$0x45B0] =	vst v26  }
0xd4: {  	v17 =	vld [tilespmem:s28+$0x1950];
	[tilespmem:s24+$0x4600] =	vst v10  }
0xd5: {  	v15 =	vld [tilespmem:s28+$0x1960];
	[tilespmem:s24+$0x4610] =	vst v31  }
0xd6: {  	v14 =	vld [tilespmem:s28+$0x1970];
	[tilespmem:s24+$0x4620] =	vst v27  }
0xd7: {  	v12 =	vld [tilespmem:s28+$0x19C0];
	[tilespmem:s24+$0x4630] =	vst v13  }
0xd8: {  	v13 =	vld [tilespmem:s28+$0x19D0];
	[tilespmem:s24+$0x4680] =	vst v11  }
0xd9: {  	v10 =	vld [tilespmem:s28+$0x19E0];
	[tilespmem:s24+$0x4690] =	vst v36  }
0xda: {  	v11 =	vld [tilespmem:s28+$0x19F0];
	[tilespmem:s24+$0x46A0] =	vst v29  }
0xdb: {  	v8 =	vld [tilespmem:s28+$0x1A40];
	[tilespmem:s24+$0x46B0] =	vst v28  }
0xdc: {  	v9 =	vld [tilespmem:s28+$0x1A50];
	[tilespmem:s24+$0x4700] =	vst v7  }
0xdd: {  	v7 =	vld [tilespmem:s28+$0x1A60];
	[tilespmem:s24+$0x4710] =	vst v32  }
0xde: {  	v6 =	vld [tilespmem:s28+$0x1A70];
	[tilespmem:s24+$0x4720] =	vst v37  }
0xdf: {  	v4 =	vld [tilespmem:s28+$0x1AC0];
	[tilespmem:s24+$0x4730] =	vst v33  }
.Ltmp7:
0xe0: {  	v5 =	vld [tilespmem:s28+$0x1AD0];
	[tilespmem:s24+$0x4780] =	vst v35;
	(pc) =	sbr.rel @p2 .LBB2_8-.Ltmp7, $4  }
0xe1: {  	v3 =	vld [tilespmem:s28+$0x1AE0];
	[tilespmem:s24+$0x4790] =	vst v34  }
0xe2: {  	v2 =	vld [tilespmem:s28+$0x1AF0];
	[tilespmem:s24+$0x47A0] =	vst v30  }
0xe3: {  	s26 =	sadd.s32 $0x10, s26;
	v1 =	vld [tilespmem:s28+$0x1B40];
	[tilespmem:s24+$0x47B0] =	vst v0;
	s24 =	smov.u32 s28  }
0xe4: {  	s25 =	sadd.s32 $0x2000, s25;
	v0 =	vld [tilespmem:s26+$0x0]  }
.Ltmp8:
0xe5: {  	_ = 	snop;
	(pc) =	sbr.rel .LBB2_9-.Ltmp8, $1  }
0xe6: {  	_ =	sdelay $0x3  }
.LBB2_4:
0xe7: {  	s24 =	simm.s32 $0x7B0;
	v0 =	vld [tilespmem:s22+$0x0]  }
0xe8: {  	v24 =	vld [tilespmem:s24+$0x1050]  }
0xe9: {  	v25 =	vld [tilespmem:s24+$0x1060]  }
0xea: {  	v23 =	vld [tilespmem:s24+$0x1070]  }
0xeb: {  	v22 =	vld [tilespmem:s24+$0x1080]  }
0xec: {  	v20 =	vld [tilespmem:s24+$0x10D0]  }
0xed: {  	v21 =	vld [tilespmem:s24+$0x10E0]  }
0xee: {  	v19 =	vld [tilespmem:s24+$0x10F0]  }
0xef: {  	v18 =	vld [tilespmem:s24+$0x1100]  }
0xf0: {  	v16 =	vld [tilespmem:s24+$0x1150]  }
0xf1: {  	v17 =	vld [tilespmem:s24+$0x1160]  }
0xf2: {  	v15 =	vld [tilespmem:s24+$0x1170]  }
0xf3: {  	v14 =	vld [tilespmem:s24+$0x1180]  }
0xf4: {  	v12 =	vld [tilespmem:s24+$0x11D0]  }
0xf5: {  	v13 =	vld [tilespmem:s24+$0x11E0]  }
0xf6: {  	v10 =	vld [tilespmem:s24+$0x11F0]  }
0xf7: {  	v11 =	vld [tilespmem:s24+$0x1200]  }
0xf8: {  	v8 =	vld [tilespmem:s24+$0x1250]  }
0xf9: {  	v9 =	vld [tilespmem:s24+$0x1260]  }
0xfa: {  	v7 =	vld [tilespmem:s24+$0x1270]  }
0xfb: {  	v6 =	vld [tilespmem:s24+$0x1280]  }
0xfc: {  	v4 =	vld [tilespmem:s24+$0x12D0]  }
0xfd: {  	v5 =	vld [tilespmem:s24+$0x12E0]  }
0xfe: {  	v3 =	vld [tilespmem:s24+$0x12F0]  }
0xff: {  	v2 =	vld [tilespmem:s24+$0x1300]  }
0x100: {  	s25 =	simm.s32 $0x3EC0;
	s26 =	smov.u32 s22;
	v1 =	vld [tilespmem:s24+$0x1350]  }
.LBB2_5:
0x101: {  	p2 =	seq.s32 s25, $0x9EC0;
	v26 =	vld [tilespmem:s24+$0x1360]  }
0x102: {  	v27 =	vld [tilespmem:s24+$0x1370]  }
0x103: {  	v28 =	vld [tilespmem:s24+$0x1380]  }
0x104: {  	v29 =	vld [tilespmem:s24+$0x13D0]  }
0x105: {  	v30 =	vbroadcast v0, $0x0;
	v31 =	vbroadcast v0, $0x1;
	v32 =	vld [tilespmem:s24+$0x13E0]  }
0x106: {  	v33 =	vbroadcast v0, $0x2;
	v34 =	vbroadcast v0, $0x3;
	v35 =	vld [tilespmem:s24+$0x13F0]  }
0x107: {  	v24 =	vmul.f32 v30, v24;
	v25 =	vmul.f32 v25, v30;
	v36 =	vld [tilespmem:s24+$0x1400]  }
0x108: {  	v23 =	vmul.f32 v23, v30;
	v22 =	vmul.f32 v22, v30;
	v30 =	vld [tilespmem:s24+$0x1450]  }
0x109: {  	v20 =	vmul.f32 v20, v31;
	v21 =	vmul.f32 v21, v31;
	[tilespmem:s24+$0x3850] =	vst v24;
	v24 =	vld [tilespmem:s24+$0x1460]  }
0x10a: {  	v19 =	vmul.f32 v19, v31;
	v18 =	vmul.f32 v18, v31;
	[tilespmem:s24+$0x3860] =	vst v25;
	v25 =	vld [tilespmem:s24+$0x1470]  }
0x10b: {  	v16 =	vmul.f32 v16, v33;
	v17 =	vmul.f32 v17, v33;
	[tilespmem:s24+$0x3870] =	vst v23;
	v23 =	vld [tilespmem:s24+$0x1480]  }
0x10c: {  	v15 =	vmul.f32 v15, v33;
	v14 =	vmul.f32 v14, v33;
	[tilespmem:s24+$0x3880] =	vst v22;
	v22 =	vld [tilespmem:s24+$0x14D0]  }
0x10d: {  	v12 =	vmul.f32 v12, v34;
	v13 =	vmul.f32 v13, v34;
	[tilespmem:s24+$0x38D0] =	vst v20;
	v20 =	vld [tilespmem:s24+$0x14E0]  }
0x10e: {  	v10 =	vmul.f32 v10, v34;
	v11 =	vmul.f32 v11, v34;
	[tilespmem:s24+$0x38E0] =	vst v21;
	v21 =	vld [tilespmem:s24+$0x14F0]  }
0x10f: {  	v31 =	vbroadcast v0, $0x5;
	[tilespmem:s24+$0x38F0] =	vst v19;
	v19 =	vbroadcast v0, $0x4;
	v33 =	vld [tilespmem:s24+$0x1500]  }
0x110: {  	v34 =	vbroadcast v0, $0x7;
	[tilespmem:s24+$0x3900] =	vst v18;
	v18 =	vbroadcast v0, $0x6;
	v37 =	vld [tilespmem:s24+$0x1550]  }
0x111: {  	[tilespmem:s24+$0x3950] =	vst v16;
	v8 =	vmul.f32 v8, v19;
	v9 =	vmul.f32 v9, v19;
	v16 =	vld [tilespmem:s24+$0x1560]  }
0x112: {  	v7 =	vmul.f32 v7, v19;
	v6 =	vmul.f32 v6, v19;
	[tilespmem:s24+$0x3960] =	vst v17;
	v17 =	vld [tilespmem:s24+$0x1570]  }
0x113: {  	v4 =	vmul.f32 v4, v31;
	v5 =	vmul.f32 v5, v31;
	[tilespmem:s24+$0x3970] =	vst v15;
	v15 =	vld [tilespmem:s24+$0x1580]  }
0x114: {  	v3 =	vmul.f32 v3, v31;
	v2 =	vmul.f32 v2, v31;
	[tilespmem:s24+$0x3980] =	vst v14;
	v14 =	vld [tilespmem:s24+$0x15D0]  }
0x115: {  	v1 =	vmul.f32 v1, v18;
	[tilespmem:s24+$0x39D0] =	vst v12;
	v12 =	vmul.f32 v26, v18;
	v19 =	vld [tilespmem:s24+$0x15E0]  }
0x116: {  	[tilespmem:s24+$0x39E0] =	vst v13;
	v13 =	vmul.f32 v27, v18;
	v18 =	vmul.f32 v28, v18;
	v26 =	vld [tilespmem:s24+$0x15F0]  }
0x117: {  	v27 =	vmul.f32 v32, v34;
	[tilespmem:s24+$0x39F0] =	vst v10;
	v10 =	vmul.f32 v29, v34;
	v28 =	vld [tilespmem:s24+$0x1600]  }
0x118: {  	v29 =	vmul.f32 v36, v34;
	[tilespmem:s24+$0x3A00] =	vst v11;
	v11 =	vmul.f32 v35, v34;
	v31 =	vld [tilespmem:s24+$0x1650]  }
0x119: {  	v32 =	vbroadcast v0, $0x9;
	[tilespmem:s24+$0x3A50] =	vst v8;
	v8 =	vbroadcast v0, $0x8;
	v34 =	vld [tilespmem:s24+$0x1660]  }
0x11a: {  	v35 =	vbroadcast v0, $0xB;
	[tilespmem:s24+$0x3A60] =	vst v9;
	v9 =	vbroadcast v0, $0xA;
	v36 =	vld [tilespmem:s24+$0x1670]  }
0x11b: {  	[tilespmem:s24+$0x3A70] =	vst v7;
	v7 =	vmul.f32 v30, v8;
	v24 =	vmul.f32 v24, v8;
	v30 =	vld [tilespmem:s24+$0x1680]  }
0x11c: {  	[tilespmem:s24+$0x3A80] =	vst v6;
	v6 =	vmul.f32 v25, v8;
	v8 =	vmul.f32 v23, v8;
	v23 =	vld [tilespmem:s24+$0x16D0]  }
0x11d: {  	v20 =	vmul.f32 v20, v32;
	[tilespmem:s24+$0x3AD0] =	vst v4;
	v4 =	vmul.f32 v22, v32;
	v22 =	vld [tilespmem:s24+$0x16E0]  }
0x11e: {  	[tilespmem:s24+$0x3AE0] =	vst v5;
	v5 =	vmul.f32 v21, v32;
	v21 =	vmul.f32 v33, v32;
	v25 =	vld [tilespmem:s24+$0x16F0]  }
0x11f: {  	v16 =	vmul.f32 v16, v9;
	[tilespmem:s24+$0x3AF0] =	vst v3;
	v3 =	vmul.f32 v37, v9;
	v32 =	vld [tilespmem:s24+$0x1700]  }
0x120: {  	[tilespmem:s24+$0x3B00] =	vst v2;
	v2 =	vmul.f32 v17, v9;
	v9 =	vmul.f32 v15, v9;
	v15 =	vld [tilespmem:s24+$0x1750]  }
0x121: {  	[tilespmem:s24+$0x3B50] =	vst v1;
	v1 =	vmul.f32 v14, v35;
	v14 =	vmul.f32 v19, v35;
	v17 =	vld [tilespmem:s24+$0x1760]  }
0x122: {  	[tilespmem:s24+$0x3B60] =	vst v12;
	v12 =	vmul.f32 v26, v35;
	v26 =	vmul.f32 v28, v35;
	v19 =	vld [tilespmem:s24+$0x1770]  }
0x123: {  	v28 =	vbroadcast v0, $0xD;
	[tilespmem:s24+$0x3B70] =	vst v13;
	v13 =	vbroadcast v0, $0xC;
	v33 =	vld [tilespmem:s24+$0x1780]  }
0x124: {  	[tilespmem:s24+$0x3B80] =	vst v18;
	v18 =	vbroadcast v0, $0xE;
	v35 =	vld [tilespmem:s24+$0x17D0];
	v0 =	vbroadcast v0, $0xF  }
0x125: {  	[tilespmem:s24+$0x3BD0] =	vst v10;
	v10 =	vmul.f32 v31, v13;
	v31 =	vmul.f32 v34, v13;
	v34 =	vld [tilespmem:s24+$0x17E0]  }
0x126: {  	[tilespmem:s24+$0x3BE0] =	vst v27;
	v27 =	vmul.f32 v36, v13;
	v13 =	vmul.f32 v30, v13;
	v30 =	vld [tilespmem:s24+$0x17F0]  }
0x127: {  	v36 =	vmul.f32 v22, v28;
	[tilespmem:s24+$0x3BF0] =	vst v11;
	v11 =	vmul.f32 v23, v28;
	v22 =	vld [tilespmem:s24+$0x1800]  }
0x128: {  	[tilespmem:s24+$0x3C00] =	vst v29;
	v29 =	vmul.f32 v25, v28;
	v28 =	vmul.f32 v32, v28  }
0x129: {  	v32 =	vmul.f32 v17, v18;
	[tilespmem:s24+$0x3C50] =	vst v7;
	v7 =	vmul.f32 v15, v18  }
0x12a: {  	v37 =	vmul.f32 v19, v18;
	v33 =	vmul.f32 v33, v18;
	[tilespmem:s24+$0x3C60] =	vst v24  }
0x12b: {  	v35 =	vmul.f32 v35, v0;
	v34 =	vmul.f32 v34, v0;
	[tilespmem:s24+$0x3C70] =	vst v6  }
0x12c: {  	v30 =	vmul.f32 v30, v0;
	[tilespmem:s24+$0x3C80] =	vst v8;
	v0 =	vmul.f32 v22, v0  }
0x12d: {  	[tilespmem:s24+$0x3CD0] =	vst v4  }
0x12e: {  	[tilespmem:s24+$0x3CE0] =	vst v20  }
0x12f: {  	s28 =	sshra.s32 s25, $0x2;
	[tilespmem:s24+$0x3CF0] =	vst v5  }
0x130: {  	v24 =	vld [tilespmem:s28+$0x1050];
	[tilespmem:s24+$0x3D00] =	vst v21  }
0x131: {  	v25 =	vld [tilespmem:s28+$0x1060];
	[tilespmem:s24+$0x3D50] =	vst v3  }
0x132: {  	v23 =	vld [tilespmem:s28+$0x1070];
	[tilespmem:s24+$0x3D60] =	vst v16  }
0x133: {  	v22 =	vld [tilespmem:s28+$0x1080];
	[tilespmem:s24+$0x3D70] =	vst v2  }
0x134: {  	v20 =	vld [tilespmem:s28+$0x10D0];
	[tilespmem:s24+$0x3D80] =	vst v9  }
0x135: {  	v21 =	vld [tilespmem:s28+$0x10E0];
	[tilespmem:s24+$0x3DD0] =	vst v1  }
0x136: {  	v19 =	vld [tilespmem:s28+$0x10F0];
	[tilespmem:s24+$0x3DE0] =	vst v14  }
0x137: {  	v18 =	vld [tilespmem:s28+$0x1100];
	[tilespmem:s24+$0x3DF0] =	vst v12  }
0x138: {  	v16 =	vld [tilespmem:s28+$0x1150];
	[tilespmem:s24+$0x3E00] =	vst v26  }
0x139: {  	v17 =	vld [tilespmem:s28+$0x1160];
	[tilespmem:s24+$0x3E50] =	vst v10  }
0x13a: {  	v15 =	vld [tilespmem:s28+$0x1170];
	[tilespmem:s24+$0x3E60] =	vst v31  }
0x13b: {  	v14 =	vld [tilespmem:s28+$0x1180];
	[tilespmem:s24+$0x3E70] =	vst v27  }
0x13c: {  	v12 =	vld [tilespmem:s28+$0x11D0];
	[tilespmem:s24+$0x3E80] =	vst v13  }
0x13d: {  	v13 =	vld [tilespmem:s28+$0x11E0];
	[tilespmem:s24+$0x3ED0] =	vst v11  }
0x13e: {  	v10 =	vld [tilespmem:s28+$0x11F0];
	[tilespmem:s24+$0x3EE0] =	vst v36  }
0x13f: {  	v11 =	vld [tilespmem:s28+$0x1200];
	[tilespmem:s24+$0x3EF0] =	vst v29  }
0x140: {  	v8 =	vld [tilespmem:s28+$0x1250];
	[tilespmem:s24+$0x3F00] =	vst v28  }
0x141: {  	v9 =	vld [tilespmem:s28+$0x1260];
	[tilespmem:s24+$0x3F50] =	vst v7  }
0x142: {  	v7 =	vld [tilespmem:s28+$0x1270];
	[tilespmem:s24+$0x3F60] =	vst v32  }
0x143: {  	v6 =	vld [tilespmem:s28+$0x1280];
	[tilespmem:s24+$0x3F70] =	vst v37  }
0x144: {  	v4 =	vld [tilespmem:s28+$0x12D0];
	[tilespmem:s24+$0x3F80] =	vst v33  }
.Ltmp9:
0x145: {  	v5 =	vld [tilespmem:s28+$0x12E0];
	[tilespmem:s24+$0x3FD0] =	vst v35;
	(pc) =	sbr.rel @!p2 .LBB2_5-.Ltmp9, $4  }
0x146: {  	v3 =	vld [tilespmem:s28+$0x12F0];
	[tilespmem:s24+$0x3FE0] =	vst v34  }
0x147: {  	v2 =	vld [tilespmem:s28+$0x1300];
	[tilespmem:s24+$0x3FF0] =	vst v30  }
0x148: {  	s26 =	sadd.s32 $0x10, s26;
	v1 =	vld [tilespmem:s28+$0x1350];
	[tilespmem:s24+$0x4000] =	vst v0;
	s24 =	smov.u32 s28  }
0x149: {  	s25 =	sadd.s32 $0x2000, s25;
	v0 =	vld [tilespmem:s26+$0x0]  }
0x14a: {  	_ =	sdelay $0x3  }
0x14b: {  	v30 =	vbroadcast v0, $0x0;
	_ =	sdelay $0x1  }
0x14c: {  	v24 =	vmul.f32 v30, v24  }
0x14d: {  	v25 =	vmul.f32 v25, v30  }
0x14e: {  	v35 =	vbroadcast v0, $0x1;
	v23 =	vmul.f32 v23, v30;
	[tilespmem:s24+$0x3850] =	vst v24  }
0x14f: {  	v22 =	vmul.f32 v22, v30;
	[tilespmem:s24+$0x3860] =	vst v25  }
0x150: {  	v20 =	vmul.f32 v20, v35;
	[tilespmem:s24+$0x3870] =	vst v23  }
0x151: {  	v21 =	vmul.f32 v21, v35;
	[tilespmem:s24+$0x3880] =	vst v22  }
0x152: {  	v53 =	vbroadcast v0, $0x2;
	v19 =	vmul.f32 v19, v35;
	[tilespmem:s24+$0x38D0] =	vst v20  }
0x153: {  	v18 =	vmul.f32 v18, v35;
	[tilespmem:s24+$0x38E0] =	vst v21  }
0x154: {  	v16 =	vmul.f32 v16, v53;
	[tilespmem:s24+$0x38F0] =	vst v19  }
0x155: {  	v17 =	vmul.f32 v17, v53;
	[tilespmem:s24+$0x3900] =	vst v18  }
0x156: {  	v54 =	vbroadcast v0, $0x3;
	v15 =	vmul.f32 v15, v53;
	[tilespmem:s24+$0x3950] =	vst v16  }
0x157: {  	v14 =	vmul.f32 v14, v53;
	[tilespmem:s24+$0x3960] =	vst v17  }
0x158: {  	v12 =	vmul.f32 v12, v54;
	[tilespmem:s24+$0x3970] =	vst v15  }
0x159: {  	v13 =	vmul.f32 v13, v54;
	[tilespmem:s24+$0x3980] =	vst v14  }
0x15a: {  	v55 =	vbroadcast v0, $0x4;
	v10 =	vmul.f32 v10, v54;
	[tilespmem:s24+$0x39D0] =	vst v12  }
0x15b: {  	v11 =	vmul.f32 v11, v54;
	[tilespmem:s24+$0x39E0] =	vst v13  }
0x15c: {  	v8 =	vmul.f32 v8, v55;
	[tilespmem:s24+$0x39F0] =	vst v10  }
0x15d: {  	v9 =	vmul.f32 v9, v55;
	[tilespmem:s24+$0x3A00] =	vst v11  }
0x15e: {  	v60 =	vbroadcast v0, $0x5;
	v7 =	vmul.f32 v7, v55;
	[tilespmem:s24+$0x3A50] =	vst v8  }
0x15f: {  	v6 =	vmul.f32 v6, v55;
	[tilespmem:s24+$0x3A60] =	vst v9  }
0x160: {  	v26 =	vld [tilespmem:s24+$0x1360];
	v4 =	vmul.f32 v4, v60;
	[tilespmem:s24+$0x3A70] =	vst v7  }
0x161: {  	v27 =	vld [tilespmem:s24+$0x1370];
	v5 =	vmul.f32 v5, v60;
	[tilespmem:s24+$0x3A80] =	vst v6  }
0x162: {  	v28 =	vld [tilespmem:s24+$0x1380];
	v37 =	vbroadcast v0, $0x6;
	v3 =	vmul.f32 v3, v60;
	[tilespmem:s24+$0x3AD0] =	vst v4  }
0x163: {  	v29 =	vld [tilespmem:s24+$0x13D0];
	v2 =	vmul.f32 v2, v60;
	[tilespmem:s24+$0x3AE0] =	vst v5  }
0x164: {  	v31 =	vld [tilespmem:s24+$0x13E0];
	v1 =	vmul.f32 v1, v37;
	[tilespmem:s24+$0x3AF0] =	vst v3  }
0x165: {  	v32 =	vld [tilespmem:s24+$0x13F0];
	v26 =	vmul.f32 v26, v37;
	[tilespmem:s24+$0x3B00] =	vst v2  }
0x166: {  	v33 =	vld [tilespmem:s24+$0x1400];
	v42 =	vbroadcast v0, $0x7;
	v27 =	vmul.f32 v27, v37;
	[tilespmem:s24+$0x3B50] =	vst v1  }
0x167: {  	v34 =	vld [tilespmem:s24+$0x1450];
	v28 =	vmul.f32 v28, v37;
	[tilespmem:s24+$0x3B60] =	vst v26  }
0x168: {  	v52 =	vld [tilespmem:s24+$0x1460];
	v29 =	vmul.f32 v29, v42;
	[tilespmem:s24+$0x3B70] =	vst v27  }
0x169: {  	v56 =	vld [tilespmem:s24+$0x1600];
	v45 =	vmul.f32 v31, v42;
	[tilespmem:s24+$0x3B80] =	vst v28  }
0x16a: {  	v57 =	vld [tilespmem:s24+$0x1650];
	v48 =	vbroadcast v0, $0x8;
	v47 =	vmul.f32 v32, v42;
	[tilespmem:s24+$0x3BD0] =	vst v29  }
0x16b: {  	v58 =	vld [tilespmem:s24+$0x1660];
	v33 =	vmul.f32 v33, v42;
	[tilespmem:s24+$0x3BE0] =	vst v45  }
0x16c: {  	v59 =	vld [tilespmem:s24+$0x1670];
	v50 =	vmul.f32 v34, v48;
	v54 =	vbroadcast v0, $0xB;
	[tilespmem:s24+$0x3BF0] =	vst v47  }
0x16d: {  	v61 =	vld [tilespmem:s24+$0x1680];
	v55 =	vbroadcast v0, $0xC;
	v24 =	vmul.f32 v52, v48;
	[tilespmem:s24+$0x3C00] =	vst v33  }
0x16e: {  	v62 =	vld [tilespmem:s24+$0x16D0];
	[tilespmem:s24+$0x3C50] =	vst v50;
	v10 =	vmul.f32 v56, v54  }
0x16f: {  	v63 =	vld [tilespmem:s24+$0x16E0];
	v11 =	vmul.f32 v57, v55;
	[tilespmem:s24+$0x3C60] =	vst v24  }
0x170: {  	v36 =	vld [tilespmem:s24+$0x16F0];
	v8 =	vmul.f32 v58, v55;
	[tilespmem:s24+$0x3E00] =	vst v10  }
0x171: {  	v38 =	vld [tilespmem:s24+$0x1700];
	v56 =	vbroadcast v0, $0xD;
	v9 =	vmul.f32 v59, v55;
	[tilespmem:s24+$0x3E50] =	vst v11  }
0x172: {  	v39 =	vld [tilespmem:s24+$0x1750];
	v7 =	vmul.f32 v61, v55;
	[tilespmem:s24+$0x3E60] =	vst v8  }
0x173: {  	v40 =	vld [tilespmem:s24+$0x1760];
	v6 =	vmul.f32 v62, v56;
	[tilespmem:s24+$0x3E70] =	vst v9  }
0x174: {  	v41 =	vld [tilespmem:s24+$0x1770];
	v4 =	vmul.f32 v63, v56;
	[tilespmem:s24+$0x3E80] =	vst v7  }
0x175: {  	v43 =	vld [tilespmem:s24+$0x1780];
	v57 =	vbroadcast v0, $0xE;
	v5 =	vmul.f32 v36, v56;
	[tilespmem:s24+$0x3ED0] =	vst v6  }
0x176: {  	v44 =	vld [tilespmem:s24+$0x17D0];
	v3 =	vmul.f32 v38, v56;
	[tilespmem:s24+$0x3EE0] =	vst v4  }
0x177: {  	v46 =	vld [tilespmem:s24+$0x17E0];
	v2 =	vmul.f32 v39, v57;
	[tilespmem:s24+$0x3EF0] =	vst v5  }
0x178: {  	v49 =	vld [tilespmem:s24+$0x17F0];
	v1 =	vmul.f32 v40, v57;
	[tilespmem:s24+$0x3F00] =	vst v3  }
0x179: {  	v51 =	vld [tilespmem:s24+$0x1800];
	v58 =	vbroadcast v0, $0xF;
	v59 =	vmul.f32 v41, v57;
	[tilespmem:s24+$0x3F50] =	vst v2  }
0x17a: {  	v25 =	vld [tilespmem:s24+$0x1470];
	v60 =	vmul.f32 v43, v57;
	[tilespmem:s24+$0x3F60] =	vst v1  }
0x17b: {  	v23 =	vld [tilespmem:s24+$0x1480];
	v61 =	vmul.f32 v44, v58;
	[tilespmem:s24+$0x3F70] =	vst v59  }
0x17c: {  	v22 =	vld [tilespmem:s24+$0x14D0];
	v62 =	vmul.f32 v46, v58;
	[tilespmem:s24+$0x3F80] =	vst v60  }
0x17d: {  	v53 =	vbroadcast v0, $0xA;
	v20 =	vld [tilespmem:s24+$0x14E0];
	v63 =	vmul.f32 v49, v58;
	[tilespmem:s24+$0x3FD0] =	vst v61  }
0x17e: {  	v21 =	vld [tilespmem:s24+$0x14F0];
	v52 =	vbroadcast v0, $0x9;
	v0 =	vmul.f32 v51, v58;
	[tilespmem:s24+$0x3FE0] =	vst v62  }
0x17f: {  	v19 =	vld [tilespmem:s24+$0x1500];
	[tilespmem:s24+$0x3FF0] =	vst v63;
	v25 =	vmul.f32 v25, v48  }
0x180: {  	v18 =	vld [tilespmem:s24+$0x1550];
	[tilespmem:s24+$0x4000] =	vst v0;
	v23 =	vmul.f32 v23, v48  }
0x181: {  	v16 =	vld [tilespmem:s24+$0x1560];
	v22 =	vmul.f32 v22, v52;
	[tilespmem:s24+$0x3C70] =	vst v25  }
0x182: {  	v17 =	vld [tilespmem:s24+$0x1570];
	v20 =	vmul.f32 v20, v52;
	[tilespmem:s24+$0x3C80] =	vst v23  }
0x183: {  	v15 =	vld [tilespmem:s24+$0x1580];
	v21 =	vmul.f32 v21, v52;
	[tilespmem:s24+$0x3CD0] =	vst v22  }
0x184: {  	v14 =	vld [tilespmem:s24+$0x15D0];
	v19 =	vmul.f32 v19, v52;
	[tilespmem:s24+$0x3CE0] =	vst v20  }
0x185: {  	v12 =	vld [tilespmem:s24+$0x15E0];
	v18 =	vmul.f32 v18, v53;
	[tilespmem:s24+$0x3CF0] =	vst v21  }
0x186: {  	v13 =	vld [tilespmem:s24+$0x15F0];
	v16 =	vmul.f32 v16, v53;
	[tilespmem:s24+$0x3D00] =	vst v19  }
0x187: {  	v17 =	vmul.f32 v17, v53;
	[tilespmem:s24+$0x3D50] =	vst v18  }
0x188: {  	v15 =	vmul.f32 v15, v53;
	[tilespmem:s24+$0x3D60] =	vst v16  }
.Ltmp10:
0x189: {  	v14 =	vmul.f32 v14, v54;
	[tilespmem:s24+$0x3D70] =	vst v17;
	(pc) =	sbr.rel .LBB2_10-.Ltmp10, $4  }
0x18a: {  	v12 =	vmul.f32 v12, v54;
	[tilespmem:s24+$0x3D80] =	vst v15  }
0x18b: {  	v13 =	vmul.f32 v13, v54;
	[tilespmem:s24+$0x3DD0] =	vst v14  }
0x18c: {  	[tilespmem:s24+$0x3DE0] =	vst v12  }
0x18d: {  	[tilespmem:s24+$0x3DF0] =	vst v13  }
.LBB2_13:
0x18e: {  	_ =	sfence.sel $0x180000  }
0x18f: {  	[bflag:$0x0] =	sbarrier.arrive $0xFFFF  }
0x190: {  	p0 =	sne.s32 s2, $0x0;
	_ =	strace $0x9000004A  }
0x191: {  	s0 =	sadd.s32 @!p0 $0x100000, s0;
	[bflag:$0x2] =	sbarrier.arrive $0xFFFF  }
0x192: {  	[sflag:s0] =	ssyncadd.tile.s32 @!p0 $0x1;
	_ =	shalt  }
.Lfunc_end2:
_tile_overlayer_lowered:
.L_overlay_start_2:
0x193: {  	(tag) =	ssettag $0x2  }
0x194: {  	s0 =	rddreg [dreg:$0x0];
	s2 =	stileid.u32  }
0x195: {  	s1 =	rddreg [dreg:$0x1];
	p0 =	sne.s32 s2, $0x0  }
0x196: {  	s3 =	rddreg [dreg:$0x2];
	[bflag:$0x3] =	sbarrier.arrive $0xFFFF;
	s2 =	simm.s32 @!p0 $0x1C02  }
0x197: {  	[timem:s3], [sflag:s2] =	dma.local @!p0 [hbm:s0], s1  }
0x198: {  	s0 =	simm.s32 @!p0 $0x2  }
0x199: {  	_ =	swait.ge @!p0 [sflag:s0], s1  }
0x19a: {  	s1 =	ssub.s32 @!p0 $0x0, s1;
	[sflag:s0] =	ssyncset.done @!p0 $0x0  }
0x19b: {  	[sflag:s0] =	ssyncadd.s32 @!p0 s1  }
0x19c: {  	[bflag:$0x3] =	sbarrier.arrive $0xFFFF  }
0x19d: {  	_ =	shalt  }

// kernel: kernel.4.cloned.1.call-start
scs
__scs_entry_jumppad:
0x0: {  	(pc) =	sbr.rel $0x88, $3  }
0x1: {  	(tag) =	ssettag $0x0;
	lr =	simm.s32 $0x1  }
0x2: {  	[smem:$0x3F9A] =	sst lr;
	_ =	strace $0xD0000000  }
0x3: {  	_ = 	snop  }
0x4: {  	_ = 	snop  }
0x5: {  	_ = 	snop  }
0x6: {  	_ = 	snop  }
0x7: {  	_ = 	snop  }
__scs_overlays_trampoline_lowered:
0x8: {  	[smem:$0x3FA9] =	sst s0  }
0x9: {  	[smem:$0x3FAA] =	sst s1  }
0xa: {  	[smem:$0x3FAB] =	sst s2  }
0xb: {  	[smem:$0x3FAC] =	sst s3  }
0xc: {  	[smem:$0x3FAD] =	sst s4  }
0xd: {  	[smem:$0x3FAE] =	sst s5  }
0xe: {  	[smem:$0x3FAF] =	sst s6  }
0xf: {  	[smem:$0x3FB0] =	sst s7  }
0x10: {  	[smem:$0x3FB1] =	sst s8  }
0x11: {  	[smem:$0x3FB2] =	sst s9;
	s0 =	simm.s32 @!p0 $0x0  }
0x12: {  	s1 =	sld [smem:$0x3F98];
	s0 =	simm.s32 @p0 $0x1  }
0x13: {  	[smem:$0x3FB3] =	sst s0;
	s0 =	simm.s32 @!p1 $0x0  }
0x14: {  	s2 =	sld [smem:$0x3F97];
	s0 =	simm.s32 @p1 $0x1  }
0x15: {  	[smem:$0x3FB4] =	sst s0;
	s0 =	simm.s32 @!p2 $0x0  }
0x16: {  	s3 =	sld [smem:$0x3FDB];
	s0 =	simm.s32 @p2 $0x1  }
0x17: {  	s4 =	simm.s32 $0x1BF5;
	[smem:$0x3FB6] =	sst s0  }
0x18: {  	s0 =	sld [smem:$0x3F99];
	_ =	swait.ge [sflag:s4], $0x0  }
0x19: {  	s7 =	sld [smem:$0x3F9A]  }
0x1a: {  	s8 =	sadd.s32 $0xFFFFE003, lr  }
0x1b: {  	s9 =	sadd.s32 $0xFFFFFEF7, lr;
	s5 =	simm.s32 $0xFFFFFFFF;
	p2 =	slt.u32 s8, $0xFFFFF086  }
0x1c: {  	p1 =	slt.u32 s9, $0xF7A;
	s5 =	simm.s32 @!p2 $0x0  }
0x1d: {  	s5 =	simm.s32 @p1 $0x1;
	p0 =	seq.s32 s7, s2  }
0x1e: {  	s7 =	smul.u32 @!p0 $0xF7A, s2;
	p2 =	seq.s32 @!p0 s5, $0x0  }
0x1f: {  	s9 =	smul.u32 $0xF7A, s1;
	s8 =	simm.s32 @!p0 $0x1BF5;
	p2 =	por !p2, p0  }
0x20: {  	[sflag:s8] =	ssyncset.s32 @!p0 $0xFFFFF086;
	s6 =	sadd.s32 @!p0 s3, s7;
	s7 =	simm.s32 @!p0 $0x108  }
0x21: {  	s3 =	sadd.s32 s3, s9;
	s6 =	sadd.s32 @!p0 $0x88, s6;
	s7 =	simm.s32 @p2 $0x1082  }
0x22: {  	[simem:s7], [sflag:s8] =	dma.local @!p0 [hbm:s6], $0xF7A  }
0x23: {  	s9 =	sor.u32 $0xD0000000, s2;
	s6 =	simm.s32 $0x108;
	_ =	swait.ge @!p0 [sflag:s8], $0x0  }
0x24: {  	s3 =	sadd.s32 $0x88, s3;
	s6 =	simm.s32 @!p1 $0x1082;
	[sflag:s4] =	ssyncset.s32 $0xFFFFF086  }
0x25: {  	[simem:s6], [sflag:s4] =	dma.local [hbm:s3], $0xF7A  }
0x26: {  	[smem:$0x3F9A] =	sst s1;
	(tag) =	ssettag s2;
	_ =	strace s9  }
0x27: {  	s1 =	sld [smem:$0x3FAA]  }
0x28: {  	s2 =	sld [smem:$0x3FAB]  }
0x29: {  	s4 =	sld [smem:$0x3FAD]  }
0x2a: {  	p0 =	seq.s32 s5, $0x0;
	s5 =	sld [smem:$0x3FAE]  }
0x2b: {  	s6 =	sld [smem:$0x3FAF]  }
0x2c: {  	s7 =	sld [smem:$0x3FB0]  }
0x2d: {  	s3 =	simm.s32 $0x108;
	s8 =	sld [smem:$0x3FB1]  }
0x2e: {  	s3 =	simm.s32 @!p0 $0x1082;
	s9 =	sld [smem:$0x3FB2]  }
0x2f: {  	lr =	sadd.s32 s0, s3;
	s0 =	sld [smem:$0x3FA9]  }
0x30: {  	s3 =	sld [smem:$0x3FAC]  }
0x31: {  	[smem:$0x3FB5] =	sst s10  }
0x32: {  	s10 =	sld [smem:$0x3FB3];
	_ =	sdelay $0x3  }
0x33: {  	p0 =	seq.s32 s10, $0x1;
	s10 =	sld [smem:$0x3FB5];
	_ =	sdelay $0x3  }
0x34: {  	[smem:$0x3FB5] =	sst s10  }
0x35: {  	s10 =	sld [smem:$0x3FB4];
	_ =	sdelay $0x3  }
0x36: {  	p1 =	seq.s32 s10, $0x1;
	s10 =	sld [smem:$0x3FB5];
	_ =	sdelay $0x3  }
0x37: {  	[smem:$0x3FB5] =	sst s10  }
0x38: {  	s10 =	sld [smem:$0x3FB6]  }
0x39: {  	_ = 	snop;
	(pc) =	sbr.ind lr, $3  }
0x3a: {  	_ = 	snop  }
0x3b: {  	_ = 	snop  }
0x3c: {  	p2 =	seq.s32 s10, $0x1;
	s10 =	sld [smem:$0x3FB5]  }
0x3d: {  	_ =	shalt  }
0x3e: {  	_ =	shalt  }
0x3f: {  	_ =	shalt  }
0x40: {  	_ =	shalt  }
0x41: {  	_ =	shalt  }
0x42: {  	_ =	shalt  }
0x43: {  	_ =	shalt  }
0x44: {  	_ =	shalt  }
0x45: {  	_ =	shalt  }
0x46: {  	_ =	shalt  }
0x47: {  	_ =	shalt  }
0x48: {  	_ =	shalt  }
0x49: {  	_ =	shalt  }
0x4a: {  	_ =	shalt  }
0x4b: {  	_ =	shalt  }
0x4c: {  	_ =	shalt  }
0x4d: {  	_ =	shalt  }
0x4e: {  	_ =	shalt  }
0x4f: {  	_ =	shalt  }
0x50: {  	_ =	shalt  }
0x51: {  	_ =	shalt  }
0x52: {  	_ =	shalt  }
0x53: {  	_ =	shalt  }
0x54: {  	_ =	shalt  }
0x55: {  	_ =	shalt  }
0x56: {  	_ =	shalt  }
0x57: {  	_ =	shalt  }
0x58: {  	_ =	shalt  }
0x59: {  	_ =	shalt  }
0x5a: {  	_ =	shalt  }
0x5b: {  	_ =	shalt  }
0x5c: {  	_ =	shalt  }
0x5d: {  	_ =	shalt  }
0x5e: {  	_ =	shalt  }
0x5f: {  	_ =	shalt  }
0x60: {  	_ =	shalt  }
0x61: {  	_ =	shalt  }
0x62: {  	_ =	shalt  }
0x63: {  	_ =	shalt  }
0x64: {  	_ =	shalt  }
0x65: {  	_ =	shalt  }
0x66: {  	_ =	shalt  }
0x67: {  	_ =	shalt  }
0x68: {  	_ =	shalt  }
0x69: {  	_ =	shalt  }
0x6a: {  	_ =	shalt  }
0x6b: {  	_ =	shalt  }
0x6c: {  	_ =	shalt  }
0x6d: {  	_ =	shalt  }
0x6e: {  	_ =	shalt  }
0x6f: {  	_ =	shalt  }
0x70: {  	_ =	shalt  }
0x71: {  	_ =	shalt  }
0x72: {  	_ =	shalt  }
0x73: {  	_ =	shalt  }
0x74: {  	_ =	shalt  }
0x75: {  	_ =	shalt  }
0x76: {  	_ =	shalt  }
0x77: {  	_ =	shalt  }
0x78: {  	_ =	shalt  }
0x79: {  	_ =	shalt  }
0x7a: {  	_ =	shalt  }
0x7b: {  	_ =	shalt  }
0x7c: {  	_ =	shalt  }
0x7d: {  	_ =	shalt  }
0x7e: {  	_ =	shalt  }
0x7f: {  	_ =	shalt  }
0x80: {  	_ =	shalt  }
0x81: {  	_ =	shalt  }
0x82: {  	_ =	shalt  }
0x83: {  	_ =	shalt  }
0x84: {  	_ =	shalt  }
0x85: {  	_ =	shalt  }
0x86: {  	_ =	shalt  }
0x87: {  	_ =	shalt  }
.Lfunc_end0:
.L_simem_size_0:
called_computation.1_lowered:
.L_overlay_start_0:
0x88: {  	s2 =	sld [smem:$0x3FD9]  }
0x89: {  	s3 =	sld [smem:$0x3FFE];
	_ =	sdelay $0x1  }
0x8a: {  	s1 =	srdreg.scid  }
0x8b: {  	s0 =	sand.u32 $0x1, s1  }
0x8c: {  	s17 =	sshll.u32 s0, $0xA;
	s2 =	sadd.s32 s3, s2  }
0x8d: {  	s2 =	sadd.s32 s2, s17  }
0x8e: {  	[smem:$0x3FC1] =	sst s2  }
0x8f: {  	_ = 	snop  }
0x90: {  	s2 =	sld [smem:$0x3FD0];
	(tm) =	ssettm $0x1  }
0x91: {  	s18 =	sld [smem:$0x3FFB];
	_ =	sdelay $0x3  }
0x92: {  	_ =	strace s18  }
0x93: {  	s3 =	sld [smem:$0x3FFC];
	_ =	sdelay $0x3  }
0x94: {  	_ =	strace s3  }
0x95: {  	s3 =	sld [smem:$0x3FFD];
	_ =	sdelay $0x3  }
0x96: {  	_ =	strace s3  }
0x97: {  	_ =	strace $0x8FFFFFFF  }
0x98: {  	s19 =	sld [smem:$0x3FDB];
	_ =	sdelay $0x1  }
0x99: {  	s4 =	simm.s32 $_scs_section_size  }
0x9a: {  	s5 =	simm.s32 $_size__tile_overlayer_lowered;
	s6 =	simm.s32 $_tile_overlayer_lowered  }
0x9b: {  	s22 =	simm.s32 $0x1BFF;
	s21 =	sshll.u32 s6, $0x1;
	s3 =	sadd.s32 s4, s19  }
0x9c: {  	s7 =	simm.s32 $0x0;
	s20 =	sshll.u32 s5, $0x1;
	s5 =	sadd.s32 s21, s3  }
0x9d: {  	[timem:s7], [sflag:s22] =	dma.local [hbm:s5], s20  }
0x9e: {  	_ =	swait.ge [sflag:s22], s20  }
0x9f: {  	s4 =	ssub.s32 $0x0, s20;
	[sflag:s22] =	ssyncset.done $0x0  }
0xa0: {  	[sflag:s22] =	ssyncadd.s32 s4;
	_ =	sdelay $0x1  }
0xa1: {  	s23 =	simm.s32 $0x1B8B  }
0xa2: {  	_ =	swait.ge [sflag:s23], $0x1  }
0xa3: {  	[sflag:s23] =	ssyncset.done $0x0  }
0xa4: {  	s25 =	simm.s32 $0x1B8E;
	s24 =	sld [smem:$0x3FFE];
	[sflag:s23] =	ssyncadd.s32 $0xFFFFFFFF  }
0xa5: {  	s26 =	simm.s32 $execute0_lowered;
	[smem:$0x3FD2] =	sst s25  }
0xa6: {  	s5 =	sshll.u32 s26, $0x1;
	_ =	strace $0x80000046;
	[dreg:$0x1] =	wrdreg $0xFFFFFFFF  }
0xa7: {  	s28 =	simm.s32 $_size_execute0_lowered;
	s3 =	sadd.s32 s3, s5;
	[dreg:$0x0] =	wrdreg $0x0  }
0xa8: {  	s5 =	sshll.u32 s28, $0x1;
	[dreg:$0x2] =	wrdreg s3  }
0xa9: {  	[dreg:$0x3] =	wrdreg s5  }
0xaa: {  	[dreg:$0x4] =	wrdreg $0xC0  }
0xab: {  	_ =	task [dreg:s7], $0x5FFFF  }
0xac: {  	[dreg:$0x1] =	wrdreg $0xFFFFFFFF  }
0xad: {  	[dreg:$0x0] =	wrdreg $0x60  }
0xae: {  	[dreg:$0x2] =	wrdreg s2  }
0xaf: {  	[dreg:$0x3] =	wrdreg s24  }
0xb0: {  	[dreg:$0x4] =	wrdreg $0x20000  }
0xb1: {  	[dreg:$0x5] =	wrdreg $0x9  }
0xb2: {  	_ =	task.clear_ibuf [dreg:s7], $0x6FFFF;
	_ =	strace $0x90000046  }
0xb3: {  	s29 =	simm.s32 $0x9;
	_ =	strace $0x80000048  }
0xb4: {  	_ =	swait.ge [sflag:s29], $0x1  }
0xb5: {  	[sflag:s29] =	ssyncadd.s32 $0xFFFFFFFF  }
0xb6: {  	_ =	strace $0x90000048  }
0xb7: {  	_ =	sfence  }
0xb8: {  	s30 =	sld [smem:$0x0];
	_ =	sdelay $0x2  }
0xb9: {  	s31 =	sshll.u32 s1, $0xD;
	s1 =	sshrl.u32 s1, $0x2  }
0xba: {  	s3 =	sand.u32 $0x4000, s31;
	s1 =	sadd.s32 s1, s30  }
0xbb: {  	s0 =	sor.u32 s3, s0;
	s1 =	sshll.u32 s1, $0x11  }
0xbc: {  	s0 =	sor.u32 s1, s0  }
0xbd: {  	s0 =	sadd.s32 $0x8F2B, s0  }
0xbe: {  	[sflag:s0] =	ssyncadd.remote.s32 $0x1  }
0xbf: {  	_ =	sfence.sel $0xFFFF  }
0xc0: {  	[dreg:$0x0] =	wrdreg $0xFFFFFFFF;
	(pc) =	sbr.abs _section_cstart, $3  }
0xc1: {  	[dreg:$0x1] =	wrdreg $0xFFFFFFFF  }
0xc2: {  	_ =	task.clear_ibuf [dreg:s7], $0x2FFFF;
	_ =	strace $0x9FFFFFFF  }
0xc3: {  	(tm) =	ssettm $0x7FFFFFFF  }
tec
execute0_lowered:
.L_overlay_start_1:
0x0: {  	(tag) =	ssettag $0x1  }
0x1: {  	s1 =	rddreg [dreg:$0x0]  }
0x2: {  	s7 =	rddreg [dreg:$0x1]  }
0x3: {  	s2 =	rddreg [dreg:$0x2]  }
0x4: {  	s0 =	rddreg [dreg:$0x3];
	s3 =	simm.s32 $0x0;
	s8 =	srdreg.scid  }
0x5: {  	s10 =	stileid.u32;
	s13 =	simm.s32 $0x50;
	[smem:$0x7FF] =	sst s3  }
0x6: {  	s4 =	sadd.s32 $0x4200, s7;
	s5 =	sadd.s32 $0x18200, s7;
	s8 =	sand.u32 $0x1, s8  }
0x7: {  	s6 =	sadd.s32 $0x19200, s7;
	p0 =	sne.s32 s10, $0x0;
	s9 =	sshll.u32 s8, $0x4  }
0x8: {  	_ =	strace $0x80000047;
	s8 =	ssub.s32 $0x2, s8;
	s11 =	sadd.s32 s9, s7  }
0x9: {  	s31 =	sshrl.u32 s8, $0x1;
	s9 =	sor.u32 s10, s9;
	s10 =	sshrl.u32 @!p0 s2, $0x3  }
0xa: {  	s12 =	ssub.s32 s8, s31;
	s7 =	smul.u32 $0x5000, s9;
	s8 =	sadd.s32 $0x18800, s11  }
0xb: {  	s11 =	simm.s32 $0x1;
	s9 =	smax.u32 s12, $0x1;
	s12 =	simm.s32 $0x1000  }
.LBB2_1:
0xc: {  	s14 =	simm.s32 @!p0 $0x1C01  }
0xd: {  	[spmem:s10], [sflag:s14] =	dma.local @!p0 [hbm:s5], $0x4F0  }
0xe: {  	s14 =	simm.s32 @!p0 $0x1  }
0xf: {  	_ =	swait.ge @!p0 [sflag:s14], $0x4F0  }
0x10: {  	[sflag:s14] =	ssyncset.done @!p0 $0x0  }
0x11: {  	[sflag:s14] =	ssyncadd.s32 @!p0 $0xFFFFFB10  }
0x12: {  	s14 =	simm.s32 $0x0;
	[bflag:$0x0] =	sbarrier.arrive $0xFFFF  }
.LBB2_2:
0x13: {  	s15 =	sshll.u32 s14, $0xC  }
0x14: {  	s15 =	sadd.s32 s7, s15  }
0x15: {  	s15 =	sshrl.u32 s15, $0x3  }
0x16: {  	s17 =	simm.s32 $0x0;
	s16 =	sadd.s32 s1, s15  }
0x17: {  	[tilespmem:s17], [sflag:$0x1] =	stream.linear.gather [hbm4b:s16+s17], $0xC80, $0x38;
	[tilespmem:$0x2278] =	vst v63  }
0x18: {  	_ =	swait.ge [sflag:s11], $0xC80  }
0x19: {  	[sflag:s11] =	ssyncset.done $0x0  }
0x1a: {  	s31 =	sadd.s32 s4, s15;
	[sflag:s11] =	ssyncadd.s32 $0xFFFFF380  }
0x1b: {  	[tilespmem:s12], [sflag:$0x1] =	stream.linear.gather [hbm4b:s31+s17], $0xC80, $0x38;
	[tilespmem:$0x2278] =	vst v63  }
0x1c: {  	_ =	swait.ge [sflag:s11], $0xC80  }
0x1d: {  	[sflag:s11] =	ssyncset.done $0x0  }
0x1e: {  	s16 =	simm.s32 $0x0;
	[sflag:s11] =	ssyncadd.s32 $0xFFFFF380  }
0x1f: {  	v0 =	vld [tilespmem:s16+$0x0]  }
0x20: {  	v1 =	vld [tilespmem:s16+$0x10]  }
0x21: {  	v2 =	vld [tilespmem:s16+$0x20]  }
0x22: {  	s17 =	simm.s32 $0x200;
	v3 =	vld [tilespmem:s16+$0x30]  }
.LBB2_3:
0x23: {  	p1 =	sne.s32 s17, $0x3000;
	v4 =	vld [tilespmem:s16+$0x40]  }
0x24: {  	v0 =	vsub.f32 $0.0e+00, v0  }
0x25: {  	v1 =	vsub.f32 $0.0e+00, v1  }
0x26: {  	v0 =	vmul.f32 $1.442695020e+00, v0;
	v2 =	vsub.f32 $0.0e+00, v2  }
0x27: {  	v1 =	vmul.f32 $1.442695020e+00, v1;
	v3 =	vsub.f32 $0.0e+00, v3  }
0x28: {  	v2 =	vmul.f32 $1.442695020e+00, v2;
	v4 =	vsub.f32 $0.0e+00, v4;
	(erf) = vpow2.f32 v0  }
0x29: {  	v0 =	vmul.f32 $1.442695020e+00, v3;
	(erf) = vpow2.f32 v1  }
0x2a: {  	v1 =	vmul.f32 $1.442695020e+00, v4;
	(erf) = vpow2.f32 v2  }
0x2b: {  	(erf) = vpow2.f32 v0  }
0x2c: {  	(erf) = vpow2.f32 v1;
	_ =	sdelay $0x4  }
0x2d: {  	v0 =	vpop (erf)  }
0x2e: {  	v3 =	vadd.f32 $1.000000000e+00, v0;
	v1 =	vpop (erf)  }
0x2f: {  	v4 =	vadd.f32 $1.000000000e+00, v1;
	v2 =	vpop (erf)  }
0x30: {  	v2 =	vadd.f32 $1.000000000e+00, v2;
	(erf) = vrcp.f32 v3;
	v0 =	vpop (erf)  }
0x31: {  	v0 =	vadd.f32 $1.000000000e+00, v0;
	(erf) = vrcp.f32 v4;
	v1 =	vpop (erf)  }
0x32: {  	v1 =	vadd.f32 $1.000000000e+00, v1;
	(erf) = vrcp.f32 v2  }
0x33: {  	(erf) = vrcp.f32 v0  }
0x34: {  	(erf) = vrcp.f32 v1;
	_ =	sdelay $0x4  }
0x35: {  	v0 =	vpop (erf)  }
.Ltmp0:
0x36: {  	s18 =	sshra.s32 s17, $0x2;
	[tilespmem:s16+$0x0] =	vst v0;
	v1 =	vpop (erf);
	(pc) =	sbr.rel @p1 .LBB2_3-.Ltmp0, $4  }
0x37: {  	v0 =	vld [tilespmem:s18+$0x0];
	[tilespmem:s16+$0x10] =	vst v1;
	v2 =	vpop (erf)  }
0x38: {  	v1 =	vld [tilespmem:s18+$0x10];
	[tilespmem:s16+$0x20] =	vst v2;
	v3 =	vpop (erf)  }
0x39: {  	v2 =	vld [tilespmem:s18+$0x20];
	[tilespmem:s16+$0x30] =	vst v3;
	v4 =	vpop (erf)  }
0x3a: {  	s17 =	sadd.s32 $0x200, s17;
	v3 =	vld [tilespmem:s18+$0x30];
	[tilespmem:s16+$0x40] =	vst v4;
	s16 =	smov.u32 s18  }
0x3b: {  	v4 =	vld [tilespmem:s16+$0x40]  }
0x3c: {  	v0 =	vsub.f32 $0.0e+00, v0  }
0x3d: {  	v1 =	vsub.f32 $0.0e+00, v1  }
0x3e: {  	v0 =	vmul.f32 $1.442695020e+00, v0;
	v2 =	vsub.f32 $0.0e+00, v2  }
0x3f: {  	v1 =	vmul.f32 $1.442695020e+00, v1;
	v3 =	vsub.f32 $0.0e+00, v3  }
0x40: {  	v2 =	vmul.f32 $1.442695020e+00, v2;
	v4 =	vsub.f32 $0.0e+00, v4;
	(erf) = vpow2.f32 v0  }
0x41: {  	v53 =	vmul.f32 $1.442695020e+00, v3;
	(erf) = vpow2.f32 v1  }
0x42: {  	v54 =	vmul.f32 $1.442695020e+00, v4;
	(erf) = vpow2.f32 v2  }
0x43: {  	(erf) = vpow2.f32 v53  }
0x44: {  	(erf) = vpow2.f32 v54;
	_ =	sdelay $0x4  }
0x45: {  	v55 =	vpop (erf)  }
0x46: {  	v0 =	vadd.f32 $1.000000000e+00, v55;
	v56 =	vpop (erf)  }
0x47: {  	v1 =	vadd.f32 $1.000000000e+00, v56;
	v2 =	vpop (erf)  }
0x48: {  	v2 =	vadd.f32 $1.000000000e+00, v2;
	(erf) = vrcp.f32 v0;
	v57 =	vpop (erf)  }
0x49: {  	v0 =	vadd.f32 $1.000000000e+00, v57;
	(erf) = vrcp.f32 v1;
	v58 =	vpop (erf)  }
0x4a: {  	v1 =	vadd.f32 $1.000000000e+00, v58;
	(erf) = vrcp.f32 v2  }
0x4b: {  	(erf) = vrcp.f32 v0  }
0x4c: {  	(erf) = vrcp.f32 v1;
	_ =	sdelay $0x4  }
0x4d: {  	v59 =	vpop (erf)  }
0x4e: {  	[tilespmem:s16+$0x0] =	vst v59;
	v60 =	vpop (erf)  }
0x4f: {  	[tilespmem:s16+$0x10] =	vst v60;
	v61 =	vpop (erf)  }
0x50: {  	[tilespmem:s16+$0x20] =	vst v61;
	v62 =	vpop (erf)  }
0x51: {  	[tilespmem:s16+$0x30] =	vst v62;
	v63 =	vpop (erf)  }
0x52: {  	s15 =	sadd.s32 s6, s15;
	s29 =	simm.s32 $0x0;
	[tilespmem:s16+$0x40] =	vst v63  }
0x53: {  	[hbm4b:s15+s29] =	stream.linear.scatter [tilespmem:s29], [sflag:$0x1], $0xC80, $0x38;
	[tilespmem:$0x2278] =	vst v63  }
0x54: {  	_ =	swait.ge [sflag:s11], $0xC80  }
0x55: {  	[sflag:s11] =	ssyncset.done $0x0  }
0x56: {  	s30 =	simm.s32 $0x0;
	s31 =	simm.s32 $0x1000;
	[sflag:s11] =	ssyncadd.s32 $0xFFFFF380  }
0x57: {  	[spmem:s2] =	stream.indirect.scatter.add.f32 [tilespmem:s30], [sflag:$0x1], $0x1, s31, s13, $0xb8;
	[tilespmem:$0x2278] =	vst v63  }
0x58: {  	s15 =	simm.s32 $0x200;
	_ =	swait.ge [sflag:s11], $0x50  }
.LBB2_5:
0x59: {  	s16 =	sshra.s32 s15, $0x2;
	[sflag:s11] =	ssyncset.done $0x0;
	p1 =	sne.s32 s15, $0x3000  }
.Ltmp1:
0x5a: {  	s17 =	sadd.s32 $0x1000, s16;
	[sflag:s11] =	ssyncadd.s32 $0xFFFFFFB0;
	(pc) =	sbr.rel @p1 .LBB2_5-.Ltmp1, $3  }
0x5b: {  	[spmem:s2] =	stream.indirect.scatter.add.f32 [tilespmem:s16], [sflag:$0x1], $0x1, s17, s13, $0xb8;
	[tilespmem:$0x2278] =	vst v63  }
0x5c: {  	s15 =	sadd.s32 $0x200, s15;
	_ =	sdelay $0x1  }
0x5d: {  	_ =	swait.ge [sflag:s11], $0x50  }
0x5e: {  	s14 =	sadd.s32 $0x1, s14  }
0x5f: {  	p1 =	sne.s32 s14, $0x5  }
.Ltmp2:
0x60: {  	_ = 	snop;
	(pc) =	sbr.rel @p1 .LBB2_2-.Ltmp2, $3  }
0x61: {  	_ =	sdelay $0x1  }
0x62: {  	[sflag:s11] =	ssyncset.done $0x0  }
0x63: {  	[sflag:s11] =	ssyncadd.s32 $0xFFFFFFB0  }
0x64: {  	[bflag:$0x0] =	sbarrier.arrive $0xFFFF;
	s3 =	sadd.s32 $0x1, s3  }
0x65: {  	s14 =	simm.s32 @!p0 $0x1;
	s15 =	simm.s32 @!p0 $0x20;
	p1 =	sne.s32 s3, s9  }
.Ltmp3:
0x66: {  	s16 =	simm.s32 @!p0 $0x10;
	s17 =	simm.s32 @!p0 $0x1C01;
	(pc) =	sbr.rel @p1 .LBB2_1-.Ltmp3, $4  }
0x67: {  	[hbm:s8@s15], [sflag:s17] =	dma.strided @!p0 [spmem:s10@s16], $0x4F0, s14, $0x10   }
0x68: {  	_ =	swait.ge @!p0 [sflag:s14], $0x4F0  }
0x69: {  	[sflag:s14] =	ssyncset.done @!p0 $0x0  }
0x6a: {  	[sflag:s14] =	ssyncadd.s32 @!p0 $0xFFFFFB10  }
0x6b: {  	_ =	sfence.sel $0x180000  }
0x6c: {  	[bflag:$0x0] =	sbarrier.arrive $0xFFFF  }
0x6d: {  	_ =	strace $0x90000047  }
0x6e: {  	s0 =	sadd.s32 @!p0 $0x100000, s0;
	[bflag:$0x2] =	sbarrier.arrive $0xFFFF  }
0x6f: {  	[sflag:s0] =	ssyncadd.tile.s32 @!p0 $0x1;
	_ =	shalt  }
.Lfunc_end2:
_tile_overlayer_lowered:
.L_overlay_start_2:
0x70: {  	(tag) =	ssettag $0x2  }
0x71: {  	s0 =	rddreg [dreg:$0x0];
	s2 =	stileid.u32  }
0x72: {  	s1 =	rddreg [dreg:$0x1];
	p0 =	sne.s32 s2, $0x0  }
0x73: {  	s3 =	rddreg [dreg:$0x2];
	[bflag:$0x3] =	sbarrier.arrive $0xFFFF;
	s2 =	simm.s32 @!p0 $0x1C01  }
0x74: {  	[timem:s3], [sflag:s2] =	dma.local @!p0 [hbm:s0], s1  }
0x75: {  	s0 =	simm.s32 @!p0 $0x1  }
0x76: {  	_ =	swait.ge @!p0 [sflag:s0], s1  }
0x77: {  	s1 =	ssub.s32 @!p0 $0x0, s1;
	[sflag:s0] =	ssyncset.done @!p0 $0x0  }
0x78: {  	[sflag:s0] =	ssyncadd.s32 @!p0 s1  }
0x79: {  	[bflag:$0x3] =	sbarrier.arrive $0xFFFF  }
0x7a: {  	_ =	shalt  }

</sc_bundles>
